<compile_context>
chip_gen: v7x
topology: tpu7x:2x2x1
jax: 0.10.2.dev20260603
libtpu: 0.0.44.dev20260713+nightly
codegen_flags: <defaults>
</compile_context>

<pallas_src>
import functools

import jax
import jax.numpy as jnp
from jax import lax
from jax.experimental import pallas as pl
from jax.experimental.pallas import tpu as pltpu
from jax.experimental.pallas import tpu_sc as plsc

N = 10000
D = 128
E = 320000
NPAD = 10240
EPAD = 327680
CHUNK = 128
CPW = 80
GRP = 8
NGRP = CPW // GRP
NBUF = 2
DEPTH = 1
NTILE = 16
RPT = NPAD // NTILE
BLK = 512
LANES = 16
ZR = 16


def _sc_segsum(compute_deg):
    mesh = plsc.VectorSubcoreMesh(core_axis_name="c", subcore_axis_name="s")
    out_type = [jax.ShapeDtypeStruct((2, NPAD, D), jnp.float32)]
    scratch = [
        pltpu.VMEM((GRP, CHUNK), jnp.int32),
        pltpu.VMEM((GRP, CHUNK), jnp.int32),
        pltpu.VMEM((ZR, D), jnp.float32),
        pltpu.VMEM_SHARED((NPAD, D), jnp.float32),
    ]
    scratch += [pltpu.VMEM((CHUNK, D), jnp.float32)] * NBUF
    if compute_deg:
        out_type.append(jax.ShapeDtypeStruct((2, NPAD), jnp.float32))
        scratch.append(pltpu.VMEM((CHUNK,), jnp.float32))
        scratch.append(pltpu.VMEM_SHARED((NPAD,), jnp.float32))
    scratch += [pltpu.SemaphoreType.DMA] * (2 * NBUF + 1)

    def body(x_hbm, src_hbm, dst_hbm, *rest):
        if compute_deg:
            (sums_out, deg_out, sidx, didx, zrow, acc, *tl) = rest
            bufs = tl[:NBUF]
            ones, degacc = tl[NBUF], tl[NBUF + 1]
            sems = tl[NBUF + 2:]
        else:
            (sums_out, sidx, didx, zrow, acc, *tl) = rest
            bufs = tl[:NBUF]
            deg_out = ones = degacc = None
            sems = tl[NBUF:]
        gsems = sems[:NBUF]
        ssems = sems[NBUF:2 * NBUF]
        degsem = sems[2 * NBUF]
        cid = lax.axis_index("c")
        tid = lax.axis_index("s")

        def zfill(i, carry):
            for j in range(D // LANES):
                zrow[i, pl.ds(j * LANES, LANES)] = jnp.zeros((LANES,),
                                                             jnp.float32)
            return carry
        lax.fori_loop(0, ZR, zfill, 0)
        if compute_deg:
            for j in range(CHUNK // LANES):
                ones[pl.ds(j * LANES, LANES)] = jnp.full((LANES,), 1.0,
                                                         jnp.float32)

        row0 = tid * RPT

        def zacc(k, carry):
            pltpu.sync_copy(zrow, acc.at[pl.ds(row0 + k * ZR, ZR), :])
            return carry
        lax.fori_loop(0, RPT // ZR, zacc, 0)
        if compute_deg:
            for k in range(RPT // D):
                pltpu.sync_copy(zrow.at[0],
                                degacc.at[pl.ds(row0 + k * D, D)])
        plsc.subcore_barrier()

        w = cid * NTILE + tid

        def group(g, carry):
            grow = w * CPW + g * GRP
            pltpu.sync_copy(src_hbm.at[pl.ds(grow, GRP), :], sidx)
            pltpu.sync_copy(dst_hbm.at[pl.ds(grow, GRP), :], didx)
            gd = [None] * GRP
            sd = [None] * GRP
            degd = []

            def fire_scatter(j):
                p = j % NBUF
                gd[j].wait()
                sd[j] = pltpu.async_copy(bufs[p], acc.at[didx.at[j]],
                                         ssems[p], add=True)
                if compute_deg:
                    degd.append(
                        pltpu.async_copy(ones, degacc.at[didx.at[j]],
                                         degsem, add=True))

            for j in range(GRP):
                p = j % NBUF
                if j >= NBUF:
                    sd[j - NBUF].wait()
                gd[j] = pltpu.async_copy(x_hbm.at[sidx.at[j]], bufs[p],
                                         gsems[p], priority=p % 2)
                if j >= DEPTH:
                    fire_scatter(j - DEPTH)
            for j in range(GRP - DEPTH, GRP):
                fire_scatter(j)
            for j in range(GRP - NBUF, GRP):
                sd[j].wait()
            for d in degd:
                d.wait()
            return carry
        lax.fori_loop(0, NGRP, group, 0)
        plsc.subcore_barrier()

        for k in range(RPT // CHUNK):
            sl = pl.ds(row0 + k * CHUNK, CHUNK)
            pltpu.sync_copy(acc.at[sl, :], sums_out.at[cid, sl, :])
        if compute_deg:
            pltpu.sync_copy(degacc.at[pl.ds(row0, RPT)],
                            deg_out.at[cid, pl.ds(row0, RPT)])

    return pl.kernel(body, out_type=tuple(out_type), mesh=mesh,
                     scratch_types=tuple(scratch))


def _tc_body(sums_ref, deg0_ref, deg1_ref, x_ref, w_ref, r_ref, b_ref, o_ref,
             *, relu):
    cnt = deg0_ref[...] + deg1_ref[...]
    inv = (1.0 / jnp.maximum(cnt, 1.0)).reshape(1, BLK)
    ii = lax.broadcasted_iota(jnp.int32, (BLK, BLK), 0)
    jj = lax.broadcasted_iota(jnp.int32, (BLK, BLK), 1)
    dm = jnp.where(ii == jj, jnp.broadcast_to(inv, (BLK, BLK)), 0.0)
    invcol = jnp.sum(dm, axis=1, keepdims=True)
    s = sums_ref[0] + sums_ref[1]
    mean = s * invcol
    acc = jnp.dot(mean, w_ref[...], preferred_element_type=jnp.float32)
    acc = acc + jnp.dot(x_ref[...], r_ref[...],
                        preferred_element_type=jnp.float32)
    acc = acc + b_ref[...]
    if relu:
        acc = jnp.maximum(acc, 0.0)
    o_ref[...] = acc


def _tc_layer(relu):
    grid = NPAD // BLK
    return pl.pallas_call(
        functools.partial(_tc_body, relu=relu),
        grid=(grid,),
        in_specs=[
            pl.BlockSpec((2, BLK, D), lambda i: (0, i, 0)),
            pl.BlockSpec((BLK,), lambda i: (i,)),
            pl.BlockSpec((BLK,), lambda i: (i,)),
            pl.BlockSpec((BLK, D), lambda i: (i, 0)),
            pl.BlockSpec((D, D), lambda i: (0, 0)),
            pl.BlockSpec((D, D), lambda i: (0, 0)),
            pl.BlockSpec((1, D), lambda i: (0, 0)),
        ],
        out_specs=pl.BlockSpec((BLK, D), lambda i: (i, 0)),
        out_shape=jax.ShapeDtypeStruct((NPAD, D), jnp.float32),
    )


def kernel(x, edge_index, edge_type, W1, root1, b1, W2, root2, b2):
    del edge_type
    src = edge_index[0]
    dst = edge_index[1]
    pad = EPAD - E
    srcp = jnp.concatenate([src, jnp.zeros((pad,), jnp.int32)])
    dstp = jnp.concatenate([dst, jnp.full((pad,), N, jnp.int32)])
    srcp = srcp.reshape(EPAD // CHUNK, CHUNK)
    dstp = dstp.reshape(EPAD // CHUNK, CHUNK)
    xpad = jnp.concatenate([x, jnp.zeros((NPAD - N, D), x.dtype)])

    sums1, deg = _sc_segsum(True)(xpad, srcp, dstp)
    deg0 = deg[0]
    deg1 = deg[1]
    h = _tc_layer(True)(sums1, deg0, deg1, xpad, W1[0], root1,
                        b1.reshape(1, D))
    res2 = _sc_segsum(False)(h, srcp, dstp)
    sums2 = res2[0] if isinstance(res2, (tuple, list)) else res2
    out = _tc_layer(False)(sums2, deg0, deg1, h, W2[0], root2,
                           b2.reshape(1, D))
    return out[:N]

# --- scband reference (transcript-rebuilt; emitter-appended) ---
"""Pipeline reference for scband-rgcn-42064909697807 (READ-ONLY COPY).

The authoritative reference and input builder live on the scoring server;
editing this copy changes nothing except your own understanding.
"""

import jax, jax.numpy as jnp
import numpy as np


def rgcn_conv(x, edge_index, edge_type, W, root, bias):
    # PyG-style RGCNConv: per-relation linear transform, mean aggregation per
    # (dst-node, relation), summed over relations, plus root transform and bias.
    src = edge_index[0]
    dst = edge_index[1]
    N = x.shape[0]
    R = W.shape[0]
    xW = jnp.einsum('nc,rco->rno', x, W)          # [R, N, out]
    msg = xW[edge_type, src]                       # [E, out] gather per edge
    seg = dst * R + edge_type                      # combined (node, relation) key
    sums = jax.ops.segment_sum(msg, seg, num_segments=N * R)
    cnt = jax.ops.segment_sum(jnp.ones((msg.shape[0],), msg.dtype), seg, num_segments=N * R)
    mean = sums / jnp.maximum(cnt, 1.0)[:, None]
    agg = mean.reshape(N, R, -1).sum(axis=1)       # sum over relations
    return agg + x @ root + bias


def setup_inputs(seed: int = 0):
    key = jax.random.key(seed)
    ks = jax.random.split(key, 9)
    N, E, D, R = 10000, 320000, 128, 1
    x = jax.random.normal(ks[0], (N, D), dtype=jnp.float32)
    edge_index = jax.random.randint(ks[1], (2, E), 0, N, dtype=jnp.int32)
    edge_type = jax.random.randint(ks[2], (E,), 0, R, dtype=jnp.int32)
    s = 1.0 / np.sqrt(D)
    W1 = jax.random.normal(ks[3], (R, D, D), dtype=jnp.float32) * s
    root1 = jax.random.normal(ks[4], (D, D), dtype=jnp.float32) * s
    b1 = jnp.zeros((D,), dtype=jnp.float32)
    W2 = jax.random.normal(ks[5], (R, D, D), dtype=jnp.float32) * s
    root2 = jax.random.normal(ks[6], (D, D), dtype=jnp.float32) * s
    b2 = jnp.zeros((D,), dtype=jnp.float32)
    return {"x": x, "edge_index": edge_index, "edge_type": edge_type,
            "W1": W1, "root1": root1, "b1": b1,
            "W2": W2, "root2": root2, "b2": b2}


def reference(x, edge_index, edge_type, W1, root1, b1, W2, root2, b2):
    h = rgcn_conv(x, edge_index, edge_type, W1, root1, b1)
    h = jnp.maximum(h, 0.0)  # torch.relu
    out = rgcn_conv(h, edge_index, edge_type, W2, root2, b2)
    return out

if __name__ == "__main__":
    import jax
    _d = setup_inputs()
    print(jax.jit(kernel)(*tuple(_d.values())))

</pallas_src>

<mosaic_0001>
#map = affine_map<(d0, d1) -> (0, 0)>
#map1 = affine_map<(d0, d1) -> (0, 0, 0)>
module attributes {stable_mosaic.version = 14 : i64} {
  func.func @body(%arg0: i32, %arg1: i32, %arg2: memref<10240x128xf32, #tpu.memory_space<hbm>>, %arg3: memref<2560x128xi32, #tpu.memory_space<hbm>>, %arg4: memref<2560x128xi32, #tpu.memory_space<hbm>>, %arg5: memref<2x10240x128xf32, #tpu.memory_space<hbm>>, %arg6: memref<8x128xi32, #tpu.memory_space<vmem>>, %arg7: memref<8x128xi32, #tpu.memory_space<vmem>>, %arg8: memref<16x128xf32, #tpu.memory_space<vmem>>, %arg9: memref<10240x128xf32, #tpu.memory_space<vmem_shared>>, %arg10: memref<128x128xf32, #tpu.memory_space<vmem>>, %arg11: memref<128x128xf32, #tpu.memory_space<vmem>>, %arg12: memref<!tpu.dma_semaphore, #tpu.memory_space<semaphore_mem>>, %arg13: memref<!tpu.dma_semaphore, #tpu.memory_space<semaphore_mem>>, %arg14: memref<!tpu.dma_semaphore, #tpu.memory_space<semaphore_mem>>, %arg15: memref<!tpu.dma_semaphore, #tpu.memory_space<semaphore_mem>>, %arg16: memref<!tpu.dma_semaphore, #tpu.memory_space<semaphore_mem>>) attributes {dimension_semantics = [#tpu.dimension_semantics<core_parallel>, #tpu.dimension_semantics<subcore_parallel>], iteration_bounds = array<i64: 2, 16>, scalar_prefetch = 0 : i64, scratch_operands = 11 : i64, tpu.core_type = #tpu.core_type<sc_vector_subcore>, window_params = [{transform_indices = #map}, {transform_indices = #map}, {transform_indices = #map}, {transform_indices = #map1}]} {
    %scan3A = arith.constant 0 : i32
    %scan3A_0 = arith.constant 0 : i32
    %scan3A_1 = arith.constant 16 : i32
    %scan3A_2 = arith.addi %scan3A_0, %scan3A_1 : i32
    %scan3A_3 = arith.constant 1 : i32
    scf.for %scan3A_31 = %scan3A_0 to %scan3A_2 step %scan3A_3  : i32 {
      %broadcast_in_dim3A = arith.constant 0.000000e+00 : f32
      %broadcast_in_dim3A_32 = vector.broadcast %broadcast_in_dim3A : f32 to vector<16xf32>
      %swap3A = arith.index_cast %scan3A_31 : i32 to index
      %swap3A_33 = arith.constant 0 : index
      %swap3A_34 = tpu.vector_load %arg8[%swap3A, %swap3A_33] {strides = array<i32>} : memref<16x128xf32, #tpu.memory_space<vmem>>, vector<1x16xf32>,
      %swap3A_35 = vector.shape_cast %swap3A_34 : vector<1x16xf32> to vector<16xf32>
      %swap3A_36 = vector.shape_cast %broadcast_in_dim3A_32 : vector<16xf32> to vector<1x16xf32>
      tpu.vector_store %arg8[%swap3A, %swap3A_33], %swap3A_36 {strides = array<i32>} : memref<16x128xf32, #tpu.memory_space<vmem>>, vector<1x16xf32>,
      %broadcast_in_dim3A_37 = arith.constant 0.000000e+00 : f32
      %broadcast_in_dim3A_38 = vector.broadcast %broadcast_in_dim3A_37 : f32 to vector<16xf32>
      %swap3A_39 = arith.index_cast %scan3A_31 : i32 to index
      %swap3A_40 = arith.constant 16 : index
      %swap3A_41 = tpu.vector_load %arg8[%swap3A_39, %swap3A_40] {strides = array<i32>} : memref<16x128xf32, #tpu.memory_space<vmem>>, vector<1x16xf32>,
      %swap3A_42 = vector.shape_cast %swap3A_41 : vector<1x16xf32> to vector<16xf32>
      %swap3A_43 = vector.shape_cast %broadcast_in_dim3A_38 : vector<16xf32> to vector<1x16xf32>
      tpu.vector_store %arg8[%swap3A_39, %swap3A_40], %swap3A_43 {strides = array<i32>} : memref<16x128xf32, #tpu.memory_space<vmem>>, vector<1x16xf32>,
      %broadcast_in_dim3A_44 = arith.constant 0.000000e+00 : f32
      %broadcast_in_dim3A_45 = vector.broadcast %broadcast_in_dim3A_44 : f32 to vector<16xf32>
      %swap3A_46 = arith.index_cast %scan3A_31 : i32 to index
      %swap3A_47 = arith.constant 32 : index
      %swap3A_48 = tpu.vector_load %arg8[%swap3A_46, %swap3A_47] {strides = array<i32>} : memref<16x128xf32, #tpu.memory_space<vmem>>, vector<1x16xf32>,
      %swap3A_49 = vector.shape_cast %swap3A_48 : vector<1x16xf32> to vector<16xf32>
      %swap3A_50 = vector.shape_cast %broadcast_in_dim3A_45 : vector<16xf32> to vector<1x16xf32>
      tpu.vector_store %arg8[%swap3A_46, %swap3A_47], %swap3A_50 {strides = array<i32>} : memref<16x128xf32, #tpu.memory_space<vmem>>, vector<1x16xf32>,
      %broadcast_in_dim3A_51 = arith.constant 0.000000e+00 : f32
      %broadcast_in_dim3A_52 = vector.broadcast %broadcast_in_dim3A_51 : f32 to vector<16xf32>
      %swap3A_53 = arith.index_cast %scan3A_31 : i32 to index
      %swap3A_54 = arith.constant 48 : index
      %swap3A_55 = tpu.vector_load %arg8[%swap3A_53, %swap3A_54] {strides = array<i32>} : memref<16x128xf32, #tpu.memory_space<vmem>>, vector<1x16xf32>,
      %swap3A_56 = vector.shape_cast %swap3A_55 : vector<1x16xf32> to vector<16xf32>
      %swap3A_57 = vector.shape_cast %broadcast_in_dim3A_52 : vector<16xf32> to vector<1x16xf32>
      tpu.vector_store %arg8[%swap3A_53, %swap3A_54], %swap3A_57 {strides = array<i32>} : memref<16x128xf32, #tpu.memory_space<vmem>>, vector<1x16xf32>,
      %broadcast_in_dim3A_58 = arith.constant 0.000000e+00 : f32
      %broadcast_in_dim3A_59 = vector.broadcast %broadcast_in_dim3A_58 : f32 to vector<16xf32>
      %swap3A_60 = arith.index_cast %scan3A_31 : i32 to index
      %swap3A_61 = arith.constant 64 : index
      %swap3A_62 = tpu.vector_load %arg8[%swap3A_60, %swap3A_61] {strides = array<i32>} : memref<16x128xf32, #tpu.memory_space<vmem>>, vector<1x16xf32>,
      %swap3A_63 = vector.shape_cast %swap3A_62 : vector<1x16xf32> to vector<16xf32>
      %swap3A_64 = vector.shape_cast %broadcast_in_dim3A_59 : vector<16xf32> to vector<1x16xf32>
      tpu.vector_store %arg8[%swap3A_60, %swap3A_61], %swap3A_64 {strides = array<i32>} : memref<16x128xf32, #tpu.memory_space<vmem>>, vector<1x16xf32>,
      %broadcast_in_dim3A_65 = arith.constant 0.000000e+00 : f32
      %broadcast_in_dim3A_66 = vector.broadcast %broadcast_in_dim3A_65 : f32 to vector<16xf32>
      %swap3A_67 = arith.index_cast %scan3A_31 : i32 to index
      %swap3A_68 = arith.constant 80 : index
      %swap3A_69 = tpu.vector_load %arg8[%swap3A_67, %swap3A_68] {strides = array<i32>} : memref<16x128xf32, #tpu.memory_space<vmem>>, vector<1x16xf32>,
      %swap3A_70 = vector.shape_cast %swap3A_69 : vector<1x16xf32> to vector<16xf32>
      %swap3A_71 = vector.shape_cast %broadcast_in_dim3A_66 : vector<16xf32> to vector<1x16xf32>
      tpu.vector_store %arg8[%swap3A_67, %swap3A_68], %swap3A_71 {strides = array<i32>} : memref<16x128xf32, #tpu.memory_space<vmem>>, vector<1x16xf32>,
      %broadcast_in_dim3A_72 = arith.constant 0.000000e+00 : f32
      %broadcast_in_dim3A_73 = vector.broadcast %broadcast_in_dim3A_72 : f32 to vector<16xf32>
      %swap3A_74 = arith.index_cast %scan3A_31 : i32 to index
      %swap3A_75 = arith.constant 96 : index
      %swap3A_76 = tpu.vector_load %arg8[%swap3A_74, %swap3A_75] {strides = array<i32>} : memref<16x128xf32, #tpu.memory_space<vmem>>, vector<1x16xf32>,
      %swap3A_77 = vector.shape_cast %swap3A_76 : vector<1x16xf32> to vector<16xf32>
      %swap3A_78 = vector.shape_cast %broadcast_in_dim3A_73 : vector<16xf32> to vector<1x16xf32>
      tpu.vector_store %arg8[%swap3A_74, %swap3A_75], %swap3A_78 {strides = array<i32>} : memref<16x128xf32, #tpu.memory_space<vmem>>, vector<1x16xf32>,
      %broadcast_in_dim3A_79 = arith.constant 0.000000e+00 : f32
      %broadcast_in_dim3A_80 = vector.broadcast %broadcast_in_dim3A_79 : f32 to vector<16xf32>
      %swap3A_81 = arith.index_cast %scan3A_31 : i32 to index
      %swap3A_82 = arith.constant 112 : index
      %swap3A_83 = tpu.vector_load %arg8[%swap3A_81, %swap3A_82] {strides = array<i32>} : memref<16x128xf32, #tpu.memory_space<vmem>>, vector<1x16xf32>,
      %swap3A_84 = vector.shape_cast %swap3A_83 : vector<1x16xf32> to vector<16xf32>
      %swap3A_85 = vector.shape_cast %broadcast_in_dim3A_80 : vector<16xf32> to vector<1x16xf32>
      tpu.vector_store %arg8[%swap3A_81, %swap3A_82], %swap3A_85 {strides = array<i32>} : memref<16x128xf32, #tpu.memory_space<vmem>>, vector<1x16xf32>,
    }
    %scan3A_4 = arith.constant 16 : i32
    %mul3A = arith.constant 640 : i32
    %mul3A_5 = arith.muli %arg1, %mul3A : i32
    %scan3A_6 = arith.constant 0 : i32
    %scan3A_7 = arith.constant 0 : i32
    %scan3A_8 = arith.constant 40 : i32
    %scan3A_9 = arith.addi %scan3A_7, %scan3A_8 : i32
    %scan3A_10 = arith.constant 1 : i32
    scf.for %scan3A_31 = %scan3A_7 to %scan3A_9 step %scan3A_10  : i32 {
      %mul3A_32 = arith.constant 16 : i32
      %mul3A_33 = arith.muli %scan3A_31, %mul3A_32 : i32
      %add3A_34 = arith.addi %mul3A_5, %mul3A_33 : i32
      "tpu.region"() ({
        %run_scoped3A = tpu.sem_alloc : memref<!tpu.dma_semaphore, #tpu.memory_space<semaphore_mem>>
        %dma_start3A = arith.constant 0 : i32
        %dma_start3A_35 = tpu.memref_slice %arg9[%add3A_34, %dma_start3A] : memref<10240x128xf32, #tpu.memory_space<vmem_shared>> -> memref<16x128xf32, #tpu.memory_space<vmem_shared>>
        %dma_start3A_36 = arith.constant 0 : i32
        %dma_start3A_37 = tpu.memref_slice %arg9[%add3A_34, %dma_start3A_36] : memref<10240x128xf32, #tpu.memory_space<vmem_shared>> -> memref<16x128xf32, #tpu.memory_space<vmem_shared>>
        tpu.enqueue_dma source(%arg8 : memref<16x128xf32, #tpu.memory_space<vmem>>) target(%dma_start3A_37 : memref<16x128xf32, #tpu.memory_space<vmem_shared>>) target_semaphore(%run_scoped3A : memref<!tpu.dma_semaphore, #tpu.memory_space<semaphore_mem>>)
        %dma_wait3A = arith.constant 0 : i32
        %dma_wait3A_38 = tpu.memref_slice %arg9[%add3A_34, %dma_wait3A] : memref<10240x128xf32, #tpu.memory_space<vmem_shared>> -> memref<16x128xf32, #tpu.memory_space<vmem_shared>>
        %dma_wait3A_39 = arith.constant 0 : i32
        %dma_wait3A_40 = tpu.memref_slice %arg9[%add3A_34, %dma_wait3A_39] : memref<10240x128xf32, #tpu.memory_space<vmem_shared>> -> memref<16x128xf32, #tpu.memory_space<vmem_shared>>
        tpu.wait_dma2 semaphore(%run_scoped3A : memref<!tpu.dma_semaphore, #tpu.memory_space<semaphore_mem>>) src(%arg8 : memref<16x128xf32, #tpu.memory_space<vmem>>) dst(%dma_wait3A_40 : memref<16x128xf32, #tpu.memory_space<vmem_shared>>)
        tpu.yield
      }) : () -> ()
    }
    %scan3A_11 = arith.constant 40 : i32
    %barrier3A = arith.constant 0 : index
    tpu.barrier barrier_id(%barrier3A)
    %mul3A_12 = arith.constant 16 : i32
    %mul3A_13 = arith.muli %arg0, %mul3A_12 : i32
    %add3A = arith.addi %mul3A_13, %arg1 : i32
    %scan3A_14 = arith.constant 0 : i32
    %scan3A_15 = arith.constant 0 : i32
    %scan3A_16 = arith.constant 10 : i32
    %scan3A_17 = arith.addi %scan3A_15, %scan3A_16 : i32
    %scan3A_18 = arith.constant 1 : i32
    scf.for %scan3A_31 = %scan3A_15 to %scan3A_17 step %scan3A_18  : i32 {
      %mul3A_32 = arith.constant 80 : i32
      %mul3A_33 = arith.muli %add3A, %mul3A_32 : i32
      %mul3A_34 = arith.constant 8 : i32
      %mul3A_35 = arith.muli %scan3A_31, %mul3A_34 : i32
      %add3A_36 = arith.addi %mul3A_33, %mul3A_35 : i32
      "tpu.region"() ({
        %run_scoped3A = tpu.sem_alloc : memref<!tpu.dma_semaphore, #tpu.memory_space<semaphore_mem>>
        %dma_start3A_259 = arith.constant 0 : i32
        %dma_start3A_260 = tpu.memref_slice %arg3[%add3A_36, %dma_start3A_259] : memref<2560x128xi32, #tpu.memory_space<hbm>> -> memref<8x128xi32, #tpu.memory_space<hbm>>
        %dma_start3A_261 = arith.constant 0 : i32
        %dma_start3A_262 = tpu.memref_slice %arg3[%add3A_36, %dma_start3A_261] : memref<2560x128xi32, #tpu.memory_space<hbm>> -> memref<8x128xi32, #tpu.memory_space<hbm>>
        tpu.enqueue_dma source(%dma_start3A_262 : memref<8x128xi32, #tpu.memory_space<hbm>>) target(%arg6 : memref<8x128xi32, #tpu.memory_space<vmem>>) target_semaphore(%run_scoped3A : memref<!tpu.dma_semaphore, #tpu.memory_space<semaphore_mem>>)
        %dma_wait3A_263 = arith.constant 0 : i32
        %dma_wait3A_264 = tpu.memref_slice %arg3[%add3A_36, %dma_wait3A_263] : memref<2560x128xi32, #tpu.memory_space<hbm>> -> memref<8x128xi32, #tpu.memory_space<hbm>>
        %dma_wait3A_265 = arith.constant 0 : i32
        %dma_wait3A_266 = tpu.memref_slice %arg3[%add3A_36, %dma_wait3A_265] : memref<2560x128xi32, #tpu.memory_space<hbm>> -> memref<8x128xi32, #tpu.memory_space<hbm>>
        tpu.wait_dma2 semaphore(%run_scoped3A : memref<!tpu.dma_semaphore, #tpu.memory_space<semaphore_mem>>) src(%dma_wait3A_266 : memref<8x128xi32, #tpu.memory_space<hbm>>) dst(%arg6 : memref<8x128xi32, #tpu.memory_space<vmem>>)
        tpu.yield
      }) : () -> ()
      "tpu.region"() ({
        %run_scoped3A = tpu.sem_alloc : memref<!tpu.dma_semaphore, #tpu.memory_space<semaphore_mem>>
        %dma_start3A_259 = arith.constant 0 : i32
        %dma_start3A_260 = tpu.memref_slice %arg4[%add3A_36, %dma_start3A_259] : memref<2560x128xi32, #tpu.memory_space<hbm>> -> memref<8x128xi32, #tpu.memory_space<hbm>>
        %dma_start3A_261 = arith.constant 0 : i32
        %dma_start3A_262 = tpu.memref_slice %arg4[%add3A_36, %dma_start3A_261] : memref<2560x128xi32, #tpu.memory_space<hbm>> -> memref<8x128xi32, #tpu.memory_space<hbm>>
        tpu.enqueue_dma source(%dma_start3A_262 : memref<8x128xi32, #tpu.memory_space<hbm>>) target(%arg7 : memref<8x128xi32, #tpu.memory_space<vmem>>) target_semaphore(%run_scoped3A : memref<!tpu.dma_semaphore, #tpu.memory_space<semaphore_mem>>)
        %dma_wait3A_263 = arith.constant 0 : i32
        %dma_wait3A_264 = tpu.memref_slice %arg4[%add3A_36, %dma_wait3A_263] : memref<2560x128xi32, #tpu.memory_space<hbm>> -> memref<8x128xi32, #tpu.memory_space<hbm>>
        %dma_wait3A_265 = arith.constant 0 : i32
        %dma_wait3A_266 = tpu.memref_slice %arg4[%add3A_36, %dma_wait3A_265] : memref<2560x128xi32, #tpu.memory_space<hbm>> -> memref<8x128xi32, #tpu.memory_space<hbm>>
        tpu.wait_dma2 semaphore(%run_scoped3A : memref<!tpu.dma_semaphore, #tpu.memory_space<semaphore_mem>>) src(%dma_wait3A_266 : memref<8x128xi32, #tpu.memory_space<hbm>>) dst(%arg7 : memref<8x128xi32, #tpu.memory_space<vmem>>)
        tpu.yield
      }) : () -> ()
      %dma_start3A = arith.constant 0 : i32
      %dma_start3A_37 = arith.constant 0 : i32
      %dma_start3A_38 = tpu.memref_slice %arg6[%dma_start3A, %dma_start3A_37] : memref<8x128xi32, #tpu.memory_space<vmem>> -> memref<1x128xi32, #tpu.memory_space<vmem>>
      %dma_start3A_39 = tpu.memref_squeeze %dma_start3A_38 : memref<1x128xi32, #tpu.memory_space<vmem>> -> memref<128xi32, #tpu.memory_space<vmem>>
      %dma_start3A_40 = arith.constant 0 : i32
      %dma_start3A_41 = arith.constant 0 : i32
      %dma_start3A_42 = tpu.memref_slice %arg2[%dma_start3A_40, %dma_start3A_41] : memref<10240x128xf32, #tpu.memory_space<hbm>> -> memref<10240x128xf32, #tpu.memory_space<hbm>>
      tpu.enqueue_indirect_dma source(%dma_start3A_42 : memref<10240x128xf32, #tpu.memory_space<hbm>>) target(%arg10 : memref<128x128xf32, #tpu.memory_space<vmem>>) offsets(%dma_start3A_39 : memref<128xi32, #tpu.memory_space<vmem>>) semaphore(%arg12 : memref<!tpu.dma_semaphore, #tpu.memory_space<semaphore_mem>>)
      %dma_start3A_43 = arith.constant 1 : i32
      %dma_start3A_44 = arith.constant 0 : i32
      %dma_start3A_45 = tpu.memref_slice %arg6[%dma_start3A_43, %dma_start3A_44] : memref<8x128xi32, #tpu.memory_space<vmem>> -> memref<1x128xi32, #tpu.memory_space<vmem>>
      %dma_start3A_46 = tpu.memref_squeeze %dma_start3A_45 : memref<1x128xi32, #tpu.memory_space<vmem>> -> memref<128xi32, #tpu.memory_space<vmem>>
      %dma_start3A_47 = arith.constant 0 : i32
      %dma_start3A_48 = arith.constant 0 : i32
      %dma_start3A_49 = tpu.memref_slice %arg2[%dma_start3A_47, %dma_start3A_48] : memref<10240x128xf32, #tpu.memory_space<hbm>> -> memref<10240x128xf32, #tpu.memory_space<hbm>>
      tpu.enqueue_indirect_dma source(%dma_start3A_49 : memref<10240x128xf32, #tpu.memory_space<hbm>>) target(%arg11 : memref<128x128xf32, #tpu.memory_space<vmem>>) offsets(%dma_start3A_46 : memref<128xi32, #tpu.memory_space<vmem>>) semaphore(%arg13 : memref<!tpu.dma_semaphore, #tpu.memory_space<semaphore_mem>>)
      %dma_wait3A = arith.constant 0 : i32
      %dma_wait3A_50 = arith.constant 0 : i32
      %dma_wait3A_51 = tpu.memref_slice %arg6[%dma_wait3A, %dma_wait3A_50] : memref<8x128xi32, #tpu.memory_space<vmem>> -> memref<1x128xi32, #tpu.memory_space<vmem>>
      %dma_wait3A_52 = tpu.memref_squeeze %dma_wait3A_51 : memref<1x128xi32, #tpu.memory_space<vmem>> -> memref<128xi32, #tpu.memory_space<vmem>>
      %dma_wait3A_53 = arith.constant 0 : i32
      %dma_wait3A_54 = arith.constant 0 : i32
      %dma_wait3A_55 = tpu.memref_slice %arg2[%dma_wait3A_53, %dma_wait3A_54] : memref<10240x128xf32, #tpu.memory_space<hbm>> -> memref<10240x128xf32, #tpu.memory_space<hbm>>
      tpu.wait_indirect_dma semaphore(%arg12 : memref<!tpu.dma_semaphore, #tpu.memory_space<semaphore_mem>>) src(%dma_wait3A_55 : memref<10240x128xf32, #tpu.memory_space<hbm>>) dst(%arg10 : memref<128x128xf32, #tpu.memory_space<vmem>>)
      %dma_start3A_56 = arith.constant 0 : i32
      %dma_start3A_57 = arith.constant 0 : i32
      %dma_start3A_58 = tpu.memref_slice %arg7[%dma_start3A_56, %dma_start3A_57] : memref<8x128xi32, #tpu.memory_space<vmem>> -> memref<1x128xi32, #tpu.memory_space<vmem>>
      %dma_start3A_59 = tpu.memref_squeeze %dma_start3A_58 : memref<1x128xi32, #tpu.memory_space<vmem>> -> memref<128xi32, #tpu.memory_space<vmem>>
      %dma_start3A_60 = arith.constant 0 : i32
      %dma_start3A_61 = arith.constant 0 : i32
      %dma_start3A_62 = tpu.memref_slice %arg9[%dma_start3A_60, %dma_start3A_61] : memref<10240x128xf32, #tpu.memory_space<vmem_shared>> -> memref<10240x128xf32, #tpu.memory_space<vmem_shared>>
      tpu.enqueue_indirect_dma source(%arg10 : memref<128x128xf32, #tpu.memory_space<vmem>>) target(%dma_start3A_62 : memref<10240x128xf32, #tpu.memory_space<vmem_shared>>) offsets(%dma_start3A_59 : memref<128xi32, #tpu.memory_space<vmem>>) semaphore(%arg14 : memref<!tpu.dma_semaphore, #tpu.memory_space<semaphore_mem>>) {add = true}
      %dma_wait3A_63 = arith.constant 0 : i32
      %dma_wait3A_64 = arith.constant 0 : i32
      %dma_wait3A_65 = tpu.memref_slice %arg7[%dma_wait3A_63, %dma_wait3A_64] : memref<8x128xi32, #tpu.memory_space<vmem>> -> memref<1x128xi32, #tpu.memory_space<vmem>>
      %dma_wait3A_66 = tpu.memref_squeeze %dma_wait3A_65 : memref<1x128xi32, #tpu.memory_space<vmem>> -> memref<128xi32, #tpu.memory_space<vmem>>
      %dma_wait3A_67 = arith.constant 0 : i32
      %dma_wait3A_68 = arith.constant 0 : i32
      %dma_wait3A_69 = tpu.memref_slice %arg9[%dma_wait3A_67, %dma_wait3A_68] : memref<10240x128xf32, #tpu.memory_space<vmem_shared>> -> memref<10240x128xf32, #tpu.memory_space<vmem_shared>>
      tpu.wait_indirect_dma semaphore(%arg14 : memref<!tpu.dma_semaphore, #tpu.memory_space<semaphore_mem>>) src(%arg10 : memref<128x128xf32, #tpu.memory_space<vmem>>) dst(%dma_wait3A_69 : memref<10240x128xf32, #tpu.memory_space<vmem_shared>>)
      %dma_start3A_70 = arith.constant 2 : i32
      %dma_start3A_71 = arith.constant 0 : i32
      %dma_start3A_72 = tpu.memref_slice %arg6[%dma_start3A_70, %dma_start3A_71] : memref<8x128xi32, #tpu.memory_space<vmem>> -> memref<1x128xi32, #tpu.memory_space<vmem>>
      %dma_start3A_73 = tpu.memref_squeeze %dma_start3A_72 : memref<1x128xi32, #tpu.memory_space<vmem>> -> memref<128xi32, #tpu.memory_space<vmem>>
      %dma_start3A_74 = arith.constant 0 : i32
      %dma_start3A_75 = arith.constant 0 : i32
      %dma_start3A_76 = tpu.memref_slice %arg2[%dma_start3A_74, %dma_start3A_75] : memref<10240x128xf32, #tpu.memory_space<hbm>> -> memref<10240x128xf32, #tpu.memory_space<hbm>>
      tpu.enqueue_indirect_dma source(%dma_start3A_76 : memref<10240x128xf32, #tpu.memory_space<hbm>>) target(%arg10 : memref<128x128xf32, #tpu.memory_space<vmem>>) offsets(%dma_start3A_73 : memref<128xi32, #tpu.memory_space<vmem>>) semaphore(%arg12 : memref<!tpu.dma_semaphore, #tpu.memory_space<semaphore_mem>>)
      %dma_wait3A_77 = arith.constant 1 : i32
      %dma_wait3A_78 = arith.constant 0 : i32
      %dma_wait3A_79 = tpu.memref_slice %arg6[%dma_wait3A_77, %dma_wait3A_78] : memref<8x128xi32, #tpu.memory_space<vmem>> -> memref<1x128xi32, #tpu.memory_space<vmem>>
      %dma_wait3A_80 = tpu.memref_squeeze %dma_wait3A_79 : memref<1x128xi32, #tpu.memory_space<vmem>> -> memref<128xi32, #tpu.memory_space<vmem>>
      %dma_wait3A_81 = arith.constant 0 : i32
      %dma_wait3A_82 = arith.constant 0 : i32
      %dma_wait3A_83 = tpu.memref_slice %arg2[%dma_wait3A_81, %dma_wait3A_82] : memref<10240x128xf32, #tpu.memory_space<hbm>> -> memref<10240x128xf32, #tpu.memory_space<hbm>>
      tpu.wait_indirect_dma semaphore(%arg13 : memref<!tpu.dma_semaphore, #tpu.memory_space<semaphore_mem>>) src(%dma_wait3A_83 : memref<10240x128xf32, #tpu.memory_space<hbm>>) dst(%arg11 : memref<128x128xf32, #tpu.memory_space<vmem>>)
      %dma_start3A_84 = arith.constant 1 : i32
      %dma_start3A_85 = arith.constant 0 : i32
      %dma_start3A_86 = tpu.memref_slice %arg7[%dma_start3A_84, %dma_start3A_85] : memref<8x128xi32, #tpu.memory_space<vmem>> -> memref<1x128xi32, #tpu.memory_space<vmem>>
      %dma_start3A_87 = tpu.memref_squeeze %dma_start3A_86 : memref<1x128xi32, #tpu.memory_space<vmem>> -> memref<128xi32, #tpu.memory_space<vmem>>
      %dma_start3A_88 = arith.constant 0 : i32
      %dma_start3A_89 = arith.constant 0 : i32
      %dma_start3A_90 = tpu.memref_slice %arg9[%dma_start3A_88, %dma_start3A_89] : memref<10240x128xf32, #tpu.memory_space<vmem_shared>> -> memref<10240x128xf32, #tpu.memory_space<vmem_shared>>
      tpu.enqueue_indirect_dma source(%arg11 : memref<128x128xf32, #tpu.memory_space<vmem>>) target(%dma_start3A_90 : memref<10240x128xf32, #tpu.memory_space<vmem_shared>>) offsets(%dma_start3A_87 : memref<128xi32, #tpu.memory_space<vmem>>) semaphore(%arg15 : memref<!tpu.dma_semaphore, #tpu.memory_space<semaphore_mem>>) {add = true}
      %dma_wait3A_91 = arith.constant 1 : i32
      %dma_wait3A_92 = arith.constant 0 : i32
      %dma_wait3A_93 = tpu.memref_slice %arg7[%dma_wait3A_91, %dma_wait3A_92] : memref<8x128xi32, #tpu.memory_space<vmem>> -> memref<1x128xi32, #tpu.memory_space<vmem>>
      %dma_wait3A_94 = tpu.memref_squeeze %dma_wait3A_93 : memref<1x128xi32, #tpu.memory_space<vmem>> -> memref<128xi32, #tpu.memory_space<vmem>>
      %dma_wait3A_95 = arith.constant 0 : i32
      %dma_wait3A_96 = arith.constant 0 : i32
      %dma_wait3A_97 = tpu.memref_slice %arg9[%dma_wait3A_95, %dma_wait3A_96] : memref<10240x128xf32, #tpu.memory_space<vmem_shared>> -> memref<10240x128xf32, #tpu.memory_space<vmem_shared>>
      tpu.wait_indirect_dma semaphore(%arg15 : memref<!tpu.dma_semaphore, #tpu.memory_space<semaphore_mem>>) src(%arg11 : memref<128x128xf32, #tpu.memory_space<vmem>>) dst(%dma_wait3A_97 : memref<10240x128xf32, #tpu.memory_space<vmem_shared>>)
      %dma_start3A_98 = arith.constant 3 : i32
      %dma_start3A_99 = arith.constant 0 : i32
      %dma_start3A_100 = tpu.memref_slice %arg6[%dma_start3A_98, %dma_start3A_99] : memref<8x128xi32, #tpu.memory_space<vmem>> -> memref<1x128xi32, #tpu.memory_space<vmem>>
      %dma_start3A_101 = tpu.memref_squeeze %dma_start3A_100 : memref<1x128xi32, #tpu.memory_space<vmem>> -> memref<128xi32, #tpu.memory_space<vmem>>
      %dma_start3A_102 = arith.constant 0 : i32
      %dma_start3A_103 = arith.constant 0 : i32
      %dma_start3A_104 = tpu.memref_slice %arg2[%dma_start3A_102, %dma_start3A_103] : memref<10240x128xf32, #tpu.memory_space<hbm>> -> memref<10240x128xf32, #tpu.memory_space<hbm>>
      tpu.enqueue_indirect_dma source(%dma_start3A_104 : memref<10240x128xf32, #tpu.memory_space<hbm>>) target(%arg11 : memref<128x128xf32, #tpu.memory_space<vmem>>) offsets(%dma_start3A_101 : memref<128xi32, #tpu.memory_space<vmem>>) semaphore(%arg13 : memref<!tpu.dma_semaphore, #tpu.memory_space<semaphore_mem>>)
      %dma_wait3A_105 = arith.constant 2 : i32
      %dma_wait3A_106 = arith.constant 0 : i32
      %dma_wait3A_107 = tpu.memref_slice %arg6[%dma_wait3A_105, %dma_wait3A_106] : memref<8x128xi32, #tpu.memory_space<vmem>> -> memref<1x128xi32, #tpu.memory_space<vmem>>
      %dma_wait3A_108 = tpu.memref_squeeze %dma_wait3A_107 : memref<1x128xi32, #tpu.memory_space<vmem>> -> memref<128xi32, #tpu.memory_space<vmem>>
      %dma_wait3A_109 = arith.constant 0 : i32
      %dma_wait3A_110 = arith.constant 0 : i32
      %dma_wait3A_111 = tpu.memref_slice %arg2[%dma_wait3A_109, %dma_wait3A_110] : memref<10240x128xf32, #tpu.memory_space<hbm>> -> memref<10240x128xf32, #tpu.memory_space<hbm>>
      tpu.wait_indirect_dma semaphore(%arg12 : memref<!tpu.dma_semaphore, #tpu.memory_space<semaphore_mem>>) src(%dma_wait3A_111 : memref<10240x128xf32, #tpu.memory_space<hbm>>) dst(%arg10 : memref<128x128xf32, #tpu.memory_space<vmem>>)
      %dma_start3A_112 = arith.constant 2 : i32
      %dma_start3A_113 = arith.constant 0 : i32
      %dma_start3A_114 = tpu.memref_slice %arg7[%dma_start3A_112, %dma_start3A_113] : memref<8x128xi32, #tpu.memory_space<vmem>> -> memref<1x128xi32, #tpu.memory_space<vmem>>
      %dma_start3A_115 = tpu.memref_squeeze %dma_start3A_114 : memref<1x128xi32, #tpu.memory_space<vmem>> -> memref<128xi32, #tpu.memory_space<vmem>>
      %dma_start3A_116 = arith.constant 0 : i32
      %dma_start3A_117 = arith.constant 0 : i32
      %dma_start3A_118 = tpu.memref_slice %arg9[%dma_start3A_116, %dma_start3A_117] : memref<10240x128xf32, #tpu.memory_space<vmem_shared>> -> memref<10240x128xf32, #tpu.memory_space<vmem_shared>>
      tpu.enqueue_indirect_dma source(%arg10 : memref<128x128xf32, #tpu.memory_space<vmem>>) target(%dma_start3A_118 : memref<10240x128xf32, #tpu.memory_space<vmem_shared>>) offsets(%dma_start3A_115 : memref<128xi32, #tpu.memory_space<vmem>>) semaphore(%arg14 : memref<!tpu.dma_semaphore, #tpu.memory_space<semaphore_mem>>) {add = true}
      %dma_wait3A_119 = arith.constant 2 : i32
      %dma_wait3A_120 = arith.constant 0 : i32
      %dma_wait3A_121 = tpu.memref_slice %arg7[%dma_wait3A_119, %dma_wait3A_120] : memref<8x128xi32, #tpu.memory_space<vmem>> -> memref<1x128xi32, #tpu.memory_space<vmem>>
      %dma_wait3A_122 = tpu.memref_squeeze %dma_wait3A_121 : memref<1x128xi32, #tpu.memory_space<vmem>> -> memref<128xi32, #tpu.memory_space<vmem>>
      %dma_wait3A_123 = arith.constant 0 : i32
      %dma_wait3A_124 = arith.constant 0 : i32
      %dma_wait3A_125 = tpu.memref_slice %arg9[%dma_wait3A_123, %dma_wait3A_124] : memref<10240x128xf32, #tpu.memory_space<vmem_shared>> -> memref<10240x128xf32, #tpu.memory_space<vmem_shared>>
      tpu.wait_indirect_dma semaphore(%arg14 : memref<!tpu.dma_semaphore, #tpu.memory_space<semaphore_mem>>) src(%arg10 : memref<128x128xf32, #tpu.memory_space<vmem>>) dst(%dma_wait3A_125 : memref<10240x128xf32, #tpu.memory_space<vmem_shared>>)
      %dma_start3A_126 = arith.constant 4 : i32
      %dma_start3A_127 = arith.constant 0 : i32
      %dma_start3A_128 = tpu.memref_slice %arg6[%dma_start3A_126, %dma_start3A_127] : memref<8x128xi32, #tpu.memory_space<vmem>> -> memref<1x128xi32, #tpu.memory_space<vmem>>
      %dma_start3A_129 = tpu.memref_squeeze %dma_start3A_128 : memref<1x128xi32, #tpu.memory_space<vmem>> -> memref<128xi32, #tpu.memory_space<vmem>>
      %dma_start3A_130 = arith.constant 0 : i32
      %dma_start3A_131 = arith.constant 0 : i32
      %dma_start3A_132 = tpu.memref_slice %arg2[%dma_start3A_130, %dma_start3A_131] : memref<10240x128xf32, #tpu.memory_space<hbm>> -> memref<10240x128xf32, #tpu.memory_space<hbm>>
      tpu.enqueue_indirect_dma source(%dma_start3A_132 : memref<10240x128xf32, #tpu.memory_space<hbm>>) target(%arg10 : memref<128x128xf32, #tpu.memory_space<vmem>>) offsets(%dma_start3A_129 : memref<128xi32, #tpu.memory_space<vmem>>) semaphore(%arg12 : memref<!tpu.dma_semaphore, #tpu.memory_space<semaphore_mem>>)
      %dma_wait3A_133 = arith.constant 3 : i32
      %dma_wait3A_134 = arith.constant 0 : i32
      %dma_wait3A_135 = tpu.memref_slice %arg6[%dma_wait3A_133, %dma_wait3A_134] : memref<8x128xi32, #tpu.memory_space<vmem>> -> memref<1x128xi32, #tpu.memory_space<vmem>>
      %dma_wait3A_136 = tpu.memref_squeeze %dma_wait3A_135 : memref<1x128xi32, #tpu.memory_space<vmem>> -> memref<128xi32, #tpu.memory_space<vmem>>
      %dma_wait3A_137 = arith.constant 0 : i32
      %dma_wait3A_138 = arith.constant 0 : i32
      %dma_wait3A_139 = tpu.memref_slice %arg2[%dma_wait3A_137, %dma_wait3A_138] : memref<10240x128xf32, #tpu.memory_space<hbm>> -> memref<10240x128xf32, #tpu.memory_space<hbm>>
      tpu.wait_indirect_dma semaphore(%arg13 : memref<!tpu.dma_semaphore, #tpu.memory_space<semaphore_mem>>) src(%dma_wait3A_139 : memref<10240x128xf32, #tpu.memory_space<hbm>>) dst(%arg11 : memref<128x128xf32, #tpu.memory_space<vmem>>)
      %dma_start3A_140 = arith.constant 3 : i32
      %dma_start3A_141 = arith.constant 0 : i32
      %dma_start3A_142 = tpu.memref_slice %arg7[%dma_start3A_140, %dma_start3A_141] : memref<8x128xi32, #tpu.memory_space<vmem>> -> memref<1x128xi32, #tpu.memory_space<vmem>>
      %dma_start3A_143 = tpu.memref_squeeze %dma_start3A_142 : memref<1x128xi32, #tpu.memory_space<vmem>> -> memref<128xi32, #tpu.memory_space<vmem>>
      %dma_start3A_144 = arith.constant 0 : i32
      %dma_start3A_145 = arith.constant 0 : i32
      %dma_start3A_146 = tpu.memref_slice %arg9[%dma_start3A_144, %dma_start3A_145] : memref<10240x128xf32, #tpu.memory_space<vmem_shared>> -> memref<10240x128xf32, #tpu.memory_space<vmem_shared>>
      tpu.enqueue_indirect_dma source(%arg11 : memref<128x128xf32, #tpu.memory_space<vmem>>) target(%dma_start3A_146 : memref<10240x128xf32, #tpu.memory_space<vmem_shared>>) offsets(%dma_start3A_143 : memref<128xi32, #tpu.memory_space<vmem>>) semaphore(%arg15 : memref<!tpu.dma_semaphore, #tpu.memory_space<semaphore_mem>>) {add = true}
      %dma_wait3A_147 = arith.constant 3 : i32
      %dma_wait3A_148 = arith.constant 0 : i32
      %dma_wait3A_149 = tpu.memref_slice %arg7[%dma_wait3A_147, %dma_wait3A_148] : memref<8x128xi32, #tpu.memory_space<vmem>> -> memref<1x128xi32, #tpu.memory_space<vmem>>
      %dma_wait3A_150 = tpu.memref_squeeze %dma_wait3A_149 : memref<1x128xi32, #tpu.memory_space<vmem>> -> memref<128xi32, #tpu.memory_space<vmem>>
      %dma_wait3A_151 = arith.constant 0 : i32
      %dma_wait3A_152 = arith.constant 0 : i32
      %dma_wait3A_153 = tpu.memref_slice %arg9[%dma_wait3A_151, %dma_wait3A_152] : memref<10240x128xf32, #tpu.memory_space<vmem_shared>> -> memref<10240x128xf32, #tpu.memory_space<vmem_shared>>
      tpu.wait_indirect_dma semaphore(%arg15 : memref<!tpu.dma_semaphore, #tpu.memory_space<semaphore_mem>>) src(%arg11 : memref<128x128xf32, #tpu.memory_space<vmem>>) dst(%dma_wait3A_153 : memref<10240x128xf32, #tpu.memory_space<vmem_shared>>)
      %dma_start3A_154 = arith.constant 5 : i32
      %dma_start3A_155 = arith.constant 0 : i32
      %dma_start3A_156 = tpu.memref_slice %arg6[%dma_start3A_154, %dma_start3A_155] : memref<8x128xi32, #tpu.memory_space<vmem>> -> memref<1x128xi32, #tpu.memory_space<vmem>>
      %dma_start3A_157 = tpu.memref_squeeze %dma_start3A_156 : memref<1x128xi32, #tpu.memory_space<vmem>> -> memref<128xi32, #tpu.memory_space<vmem>>
      %dma_start3A_158 = arith.constant 0 : i32
      %dma_start3A_159 = arith.constant 0 : i32
      %dma_start3A_160 = tpu.memref_slice %arg2[%dma_start3A_158, %dma_start3A_159] : memref<10240x128xf32, #tpu.memory_space<hbm>> -> memref<10240x128xf32, #tpu.memory_space<hbm>>
      tpu.enqueue_indirect_dma source(%dma_start3A_160 : memref<10240x128xf32, #tpu.memory_space<hbm>>) target(%arg11 : memref<128x128xf32, #tpu.memory_space<vmem>>) offsets(%dma_start3A_157 : memref<128xi32, #tpu.memory_space<vmem>>) semaphore(%arg13 : memref<!tpu.dma_semaphore, #tpu.memory_space<semaphore_mem>>)
      %dma_wait3A_161 = arith.constant 4 : i32
      %dma_wait3A_162 = arith.constant 0 : i32
      %dma_wait3A_163 = tpu.memref_slice %arg6[%dma_wait3A_161, %dma_wait3A_162] : memref<8x128xi32, #tpu.memory_space<vmem>> -> memref<1x128xi32, #tpu.memory_space<vmem>>
      %dma_wait3A_164 = tpu.memref_squeeze %dma_wait3A_163 : memref<1x128xi32, #tpu.memory_space<vmem>> -> memref<128xi32, #tpu.memory_space<vmem>>
      %dma_wait3A_165 = arith.constant 0 : i32
      %dma_wait3A_166 = arith.constant 0 : i32
      %dma_wait3A_167 = tpu.memref_slice %arg2[%dma_wait3A_165, %dma_wait3A_166] : memref<10240x128xf32, #tpu.memory_space<hbm>> -> memref<10240x128xf32, #tpu.memory_space<hbm>>
      tpu.wait_indirect_dma semaphore(%arg12 : memref<!tpu.dma_semaphore, #tpu.memory_space<semaphore_mem>>) src(%dma_wait3A_167 : memref<10240x128xf32, #tpu.memory_space<hbm>>) dst(%arg10 : memref<128x128xf32, #tpu.memory_space<vmem>>)
      %dma_start3A_168 = arith.constant 4 : i32
      %dma_start3A_169 = arith.constant 0 : i32
      %dma_start3A_170 = tpu.memref_slice %arg7[%dma_start3A_168, %dma_start3A_169] : memref<8x128xi32, #tpu.memory_space<vmem>> -> memref<1x128xi32, #tpu.memory_space<vmem>>
      %dma_start3A_171 = tpu.memref_squeeze %dma_start3A_170 : memref<1x128xi32, #tpu.memory_space<vmem>> -> memref<128xi32, #tpu.memory_space<vmem>>
      %dma_start3A_172 = arith.constant 0 : i32
      %dma_start3A_173 = arith.constant 0 : i32
      %dma_start3A_174 = tpu.memref_slice %arg9[%dma_start3A_172, %dma_start3A_173] : memref<10240x128xf32, #tpu.memory_space<vmem_shared>> -> memref<10240x128xf32, #tpu.memory_space<vmem_shared>>
      tpu.enqueue_indirect_dma source(%arg10 : memref<128x128xf32, #tpu.memory_space<vmem>>) target(%dma_start3A_174 : memref<10240x128xf32, #tpu.memory_space<vmem_shared>>) offsets(%dma_start3A_171 : memref<128xi32, #tpu.memory_space<vmem>>) semaphore(%arg14 : memref<!tpu.dma_semaphore, #tpu.memory_space<semaphore_mem>>) {add = true}
      %dma_wait3A_175 = arith.constant 4 : i32
      %dma_wait3A_176 = arith.constant 0 : i32
      %dma_wait3A_177 = tpu.memref_slice %arg7[%dma_wait3A_175, %dma_wait3A_176] : memref<8x128xi32, #tpu.memory_space<vmem>> -> memref<1x128xi32, #tpu.memory_space<vmem>>
      %dma_wait3A_178 = tpu.memref_squeeze %dma_wait3A_177 : memref<1x128xi32, #tpu.memory_space<vmem>> -> memref<128xi32, #tpu.memory_space<vmem>>
      %dma_wait3A_179 = arith.constant 0 : i32
      %dma_wait3A_180 = arith.constant 0 : i32
      %dma_wait3A_181 = tpu.memref_slice %arg9[%dma_wait3A_179, %dma_wait3A_180] : memref<10240x128xf32, #tpu.memory_space<vmem_shared>> -> memref<10240x128xf32, #tpu.memory_space<vmem_shared>>
      tpu.wait_indirect_dma semaphore(%arg14 : memref<!tpu.dma_semaphore, #tpu.memory_space<semaphore_mem>>) src(%arg10 : memref<128x128xf32, #tpu.memory_space<vmem>>) dst(%dma_wait3A_181 : memref<10240x128xf32, #tpu.memory_space<vmem_shared>>)
      %dma_start3A_182 = arith.constant 6 : i32
      %dma_start3A_183 = arith.constant 0 : i32
      %dma_start3A_184 = tpu.memref_slice %arg6[%dma_start3A_182, %dma_start3A_183] : memref<8x128xi32, #tpu.memory_space<vmem>> -> memref<1x128xi32, #tpu.memory_space<vmem>>
      %dma_start3A_185 = tpu.memref_squeeze %dma_start3A_184 : memref<1x128xi32, #tpu.memory_space<vmem>> -> memref<128xi32, #tpu.memory_space<vmem>>
      %dma_start3A_186 = arith.constant 0 : i32
      %dma_start3A_187 = arith.constant 0 : i32
      %dma_start3A_188 = tpu.memref_slice %arg2[%dma_start3A_186, %dma_start3A_187] : memref<10240x128xf32, #tpu.memory_space<hbm>> -> memref<10240x128xf32, #tpu.memory_space<hbm>>
      tpu.enqueue_indirect_dma source(%dma_start3A_188 : memref<10240x128xf32, #tpu.memory_space<hbm>>) target(%arg10 : memref<128x128xf32, #tpu.memory_space<vmem>>) offsets(%dma_start3A_185 : memref<128xi32, #tpu.memory_space<vmem>>) semaphore(%arg12 : memref<!tpu.dma_semaphore, #tpu.memory_space<semaphore_mem>>)
      %dma_wait3A_189 = arith.constant 5 : i32
      %dma_wait3A_190 = arith.constant 0 : i32
      %dma_wait3A_191 = tpu.memref_slice %arg6[%dma_wait3A_189, %dma_wait3A_190] : memref<8x128xi32, #tpu.memory_space<vmem>> -> memref<1x128xi32, #tpu.memory_space<vmem>>
      %dma_wait3A_192 = tpu.memref_squeeze %dma_wait3A_191 : memref<1x128xi32, #tpu.memory_space<vmem>> -> memref<128xi32, #tpu.memory_space<vmem>>
      %dma_wait3A_193 = arith.constant 0 : i32
      %dma_wait3A_194 = arith.constant 0 : i32
      %dma_wait3A_195 = tpu.memref_slice %arg2[%dma_wait3A_193, %dma_wait3A_194] : memref<10240x128xf32, #tpu.memory_space<hbm>> -> memref<10240x128xf32, #tpu.memory_space<hbm>>
      tpu.wait_indirect_dma semaphore(%arg13 : memref<!tpu.dma_semaphore, #tpu.memory_space<semaphore_mem>>) src(%dma_wait3A_195 : memref<10240x128xf32, #tpu.memory_space<hbm>>) dst(%arg11 : memref<128x128xf32, #tpu.memory_space<vmem>>)
      %dma_start3A_196 = arith.constant 5 : i32
      %dma_start3A_197 = arith.constant 0 : i32
      %dma_start3A_198 = tpu.memref_slice %arg7[%dma_start3A_196, %dma_start3A_197] : memref<8x128xi32, #tpu.memory_space<vmem>> -> memref<1x128xi32, #tpu.memory_space<vmem>>
      %dma_start3A_199 = tpu.memref_squeeze %dma_start3A_198 : memref<1x128xi32, #tpu.memory_space<vmem>> -> memref<128xi32, #tpu.memory_space<vmem>>
      %dma_start3A_200 = arith.constant 0 : i32
      %dma_start3A_201 = arith.constant 0 : i32
      %dma_start3A_202 = tpu.memref_slice %arg9[%dma_start3A_200, %dma_start3A_201] : memref<10240x128xf32, #tpu.memory_space<vmem_shared>> -> memref<10240x128xf32, #tpu.memory_space<vmem_shared>>
      tpu.enqueue_indirect_dma source(%arg11 : memref<128x128xf32, #tpu.memory_space<vmem>>) target(%dma_start3A_202 : memref<10240x128xf32, #tpu.memory_space<vmem_shared>>) offsets(%dma_start3A_199 : memref<128xi32, #tpu.memory_space<vmem>>) semaphore(%arg15 : memref<!tpu.dma_semaphore, #tpu.memory_space<semaphore_mem>>) {add = true}
      %dma_wait3A_203 = arith.constant 5 : i32
      %dma_wait3A_204 = arith.constant 0 : i32
      %dma_wait3A_205 = tpu.memref_slice %arg7[%dma_wait3A_203, %dma_wait3A_204] : memref<8x128xi32, #tpu.memory_space<vmem>> -> memref<1x128xi32, #tpu.memory_space<vmem>>
      %dma_wait3A_206 = tpu.memref_squeeze %dma_wait3A_205 : memref<1x128xi32, #tpu.memory_space<vmem>> -> memref<128xi32, #tpu.memory_space<vmem>>
      %dma_wait3A_207 = arith.constant 0 : i32
      %dma_wait3A_208 = arith.constant 0 : i32
      %dma_wait3A_209 = tpu.memref_slice %arg9[%dma_wait3A_207, %dma_wait3A_208] : memref<10240x128xf32, #tpu.memory_space<vmem_shared>> -> memref<10240x128xf32, #tpu.memory_space<vmem_shared>>
      tpu.wait_indirect_dma semaphore(%arg15 : memref<!tpu.dma_semaphore, #tpu.memory_space<semaphore_mem>>) src(%arg11 : memref<128x128xf32, #tpu.memory_space<vmem>>) dst(%dma_wait3A_209 : memref<10240x128xf32, #tpu.memory_space<vmem_shared>>)
      %dma_start3A_210 = arith.constant 7 : i32
      %dma_start3A_211 = arith.constant 0 : i32
      %dma_start3A_212 = tpu.memref_slice %arg6[%dma_start3A_210, %dma_start3A_211] : memref<8x128xi32, #tpu.memory_space<vmem>> -> memref<1x128xi32, #tpu.memory_space<vmem>>
      %dma_start3A_213 = tpu.memref_squeeze %dma_start3A_212 : memref<1x128xi32, #tpu.memory_space<vmem>> -> memref<128xi32, #tpu.memory_space<vmem>>
      %dma_start3A_214 = arith.constant 0 : i32
      %dma_start3A_215 = arith.constant 0 : i32
      %dma_start3A_216 = tpu.memref_slice %arg2[%dma_start3A_214, %dma_start3A_215] : memref<10240x128xf32, #tpu.memory_space<hbm>> -> memref<10240x128xf32, #tpu.memory_space<hbm>>
      tpu.enqueue_indirect_dma source(%dma_start3A_216 : memref<10240x128xf32, #tpu.memory_space<hbm>>) target(%arg11 : memref<128x128xf32, #tpu.memory_space<vmem>>) offsets(%dma_start3A_213 : memref<128xi32, #tpu.memory_space<vmem>>) semaphore(%arg13 : memref<!tpu.dma_semaphore, #tpu.memory_space<semaphore_mem>>)
      %dma_wait3A_217 = arith.constant 6 : i32
      %dma_wait3A_218 = arith.constant 0 : i32
      %dma_wait3A_219 = tpu.memref_slice %arg6[%dma_wait3A_217, %dma_wait3A_218] : memref<8x128xi32, #tpu.memory_space<vmem>> -> memref<1x128xi32, #tpu.memory_space<vmem>>
      %dma_wait3A_220 = tpu.memref_squeeze %dma_wait3A_219 : memref<1x128xi32, #tpu.memory_space<vmem>> -> memref<128xi32, #tpu.memory_space<vmem>>
      %dma_wait3A_221 = arith.constant 0 : i32
      %dma_wait3A_222 = arith.constant 0 : i32
      %dma_wait3A_223 = tpu.memref_slice %arg2[%dma_wait3A_221, %dma_wait3A_222] : memref<10240x128xf32, #tpu.memory_space<hbm>> -> memref<10240x128xf32, #tpu.memory_space<hbm>>
      tpu.wait_indirect_dma semaphore(%arg12 : memref<!tpu.dma_semaphore, #tpu.memory_space<semaphore_mem>>) src(%dma_wait3A_223 : memref<10240x128xf32, #tpu.memory_space<hbm>>) dst(%arg10 : memref<128x128xf32, #tpu.memory_space<vmem>>)
      %dma_start3A_224 = arith.constant 6 : i32
      %dma_start3A_225 = arith.constant 0 : i32
      %dma_start3A_226 = tpu.memref_slice %arg7[%dma_start3A_224, %dma_start3A_225] : memref<8x128xi32, #tpu.memory_space<vmem>> -> memref<1x128xi32, #tpu.memory_space<vmem>>
      %dma_start3A_227 = tpu.memref_squeeze %dma_start3A_226 : memref<1x128xi32, #tpu.memory_space<vmem>> -> memref<128xi32, #tpu.memory_space<vmem>>
      %dma_start3A_228 = arith.constant 0 : i32
      %dma_start3A_229 = arith.constant 0 : i32
      %dma_start3A_230 = tpu.memref_slice %arg9[%dma_start3A_228, %dma_start3A_229] : memref<10240x128xf32, #tpu.memory_space<vmem_shared>> -> memref<10240x128xf32, #tpu.memory_space<vmem_shared>>
      tpu.enqueue_indirect_dma source(%arg10 : memref<128x128xf32, #tpu.memory_space<vmem>>) target(%dma_start3A_230 : memref<10240x128xf32, #tpu.memory_space<vmem_shared>>) offsets(%dma_start3A_227 : memref<128xi32, #tpu.memory_space<vmem>>) semaphore(%arg14 : memref<!tpu.dma_semaphore, #tpu.memory_space<semaphore_mem>>) {add = true}
      %dma_wait3A_231 = arith.constant 7 : i32
      %dma_wait3A_232 = arith.constant 0 : i32
      %dma_wait3A_233 = tpu.memref_slice %arg6[%dma_wait3A_231, %dma_wait3A_232] : memref<8x128xi32, #tpu.memory_space<vmem>> -> memref<1x128xi32, #tpu.memory_space<vmem>>
      %dma_wait3A_234 = tpu.memref_squeeze %dma_wait3A_233 : memref<1x128xi32, #tpu.memory_space<vmem>> -> memref<128xi32, #tpu.memory_space<vmem>>
      %dma_wait3A_235 = arith.constant 0 : i32
      %dma_wait3A_236 = arith.constant 0 : i32
      %dma_wait3A_237 = tpu.memref_slice %arg2[%dma_wait3A_235, %dma_wait3A_236] : memref<10240x128xf32, #tpu.memory_space<hbm>> -> memref<10240x128xf32, #tpu.memory_space<hbm>>
      tpu.wait_indirect_dma semaphore(%arg13 : memref<!tpu.dma_semaphore, #tpu.memory_space<semaphore_mem>>) src(%dma_wait3A_237 : memref<10240x128xf32, #tpu.memory_space<hbm>>) dst(%arg11 : memref<128x128xf32, #tpu.memory_space<vmem>>)
      %dma_start3A_238 = arith.constant 7 : i32
      %dma_start3A_239 = arith.constant 0 : i32
      %dma_start3A_240 = tpu.memref_slice %arg7[%dma_start3A_238, %dma_start3A_239] : memref<8x128xi32, #tpu.memory_space<vmem>> -> memref<1x128xi32, #tpu.memory_space<vmem>>
      %dma_start3A_241 = tpu.memref_squeeze %dma_start3A_240 : memref<1x128xi32, #tpu.memory_space<vmem>> -> memref<128xi32, #tpu.memory_space<vmem>>
      %dma_start3A_242 = arith.constant 0 : i32
      %dma_start3A_243 = arith.constant 0 : i32
      %dma_start3A_244 = tpu.memref_slice %arg9[%dma_start3A_242, %dma_start3A_243] : memref<10240x128xf32, #tpu.memory_space<vmem_shared>> -> memref<10240x128xf32, #tpu.memory_space<vmem_shared>>
      tpu.enqueue_indirect_dma source(%arg11 : memref<128x128xf32, #tpu.memory_space<vmem>>) target(%dma_start3A_244 : memref<10240x128xf32, #tpu.memory_space<vmem_shared>>) offsets(%dma_start3A_241 : memref<128xi32, #tpu.memory_space<vmem>>) semaphore(%arg15 : memref<!tpu.dma_semaphore, #tpu.memory_space<semaphore_mem>>) {add = true}
      %dma_wait3A_245 = arith.constant 6 : i32
      %dma_wait3A_246 = arith.constant 0 : i32
      %dma_wait3A_247 = tpu.memref_slice %arg7[%dma_wait3A_245, %dma_wait3A_246] : memref<8x128xi32, #tpu.memory_space<vmem>> -> memref<1x128xi32, #tpu.memory_space<vmem>>
      %dma_wait3A_248 = tpu.memref_squeeze %dma_wait3A_247 : memref<1x128xi32, #tpu.memory_space<vmem>> -> memref<128xi32, #tpu.memory_space<vmem>>
      %dma_wait3A_249 = arith.constant 0 : i32
      %dma_wait3A_250 = arith.constant 0 : i32
      %dma_wait3A_251 = tpu.memref_slice %arg9[%dma_wait3A_249, %dma_wait3A_250] : memref<10240x128xf32, #tpu.memory_space<vmem_shared>> -> memref<10240x128xf32, #tpu.memory_space<vmem_shared>>
      tpu.wait_indirect_dma semaphore(%arg14 : memref<!tpu.dma_semaphore, #tpu.memory_space<semaphore_mem>>) src(%arg10 : memref<128x128xf32, #tpu.memory_space<vmem>>) dst(%dma_wait3A_251 : memref<10240x128xf32, #tpu.memory_space<vmem_shared>>)
      %dma_wait3A_252 = arith.constant 7 : i32
      %dma_wait3A_253 = arith.constant 0 : i32
      %dma_wait3A_254 = tpu.memref_slice %arg7[%dma_wait3A_252, %dma_wait3A_253] : memref<8x128xi32, #tpu.memory_space<vmem>> -> memref<1x128xi32, #tpu.memory_space<vmem>>
      %dma_wait3A_255 = tpu.memref_squeeze %dma_wait3A_254 : memref<1x128xi32, #tpu.memory_space<vmem>> -> memref<128xi32, #tpu.memory_space<vmem>>
      %dma_wait3A_256 = arith.constant 0 : i32
      %dma_wait3A_257 = arith.constant 0 : i32
      %dma_wait3A_258 = tpu.memref_slice %arg9[%dma_wait3A_256, %dma_wait3A_257] : memref<10240x128xf32, #tpu.memory_space<vmem_shared>> -> memref<10240x128xf32, #tpu.memory_space<vmem_shared>>
      tpu.wait_indirect_dma semaphore(%arg15 : memref<!tpu.dma_semaphore, #tpu.memory_space<semaphore_mem>>) src(%arg11 : memref<128x128xf32, #tpu.memory_space<vmem>>) dst(%dma_wait3A_258 : memref<10240x128xf32, #tpu.memory_space<vmem_shared>>)
    }
    %scan3A_19 = arith.constant 10 : i32
    %barrier3A_20 = arith.constant 0 : index
    tpu.barrier barrier_id(%barrier3A_20)
    %add3A_21 = arith.constant 0 : i32
    %add3A_22 = arith.addi %mul3A_5, %add3A_21 : i32
    "tpu.region"() ({
      %run_scoped3A = tpu.sem_alloc : memref<!tpu.dma_semaphore, #tpu.memory_space<semaphore_mem>>
      %dma_start3A = arith.constant 0 : i32
      %dma_start3A_31 = tpu.memref_slice %arg5[%arg0, %add3A_22, %dma_start3A] : memref<2x10240x128xf32, #tpu.memory_space<hbm>> -> memref<1x128x128xf32, #tpu.memory_space<hbm>>
      %dma_start3A_32 = tpu.memref_squeeze %dma_start3A_31 : memref<1x128x128xf32, #tpu.memory_space<hbm>> -> memref<128x128xf32, #tpu.memory_space<hbm>>
      %dma_start3A_33 = arith.constant 0 : i32
      %dma_start3A_34 = tpu.memref_slice %arg9[%add3A_22, %dma_start3A_33] : memref<10240x128xf32, #tpu.memory_space<vmem_shared>> -> memref<128x128xf32, #tpu.memory_space<vmem_shared>>
      tpu.enqueue_dma source(%dma_start3A_34 : memref<128x128xf32, #tpu.memory_space<vmem_shared>>) target(%dma_start3A_32 : memref<128x128xf32, #tpu.memory_space<hbm>>) target_semaphore(%run_scoped3A : memref<!tpu.dma_semaphore, #tpu.memory_space<semaphore_mem>>)
      %dma_wait3A = arith.constant 0 : i32
      %dma_wait3A_35 = tpu.memref_slice %arg5[%arg0, %add3A_22, %dma_wait3A] : memref<2x10240x128xf32, #tpu.memory_space<hbm>> -> memref<1x128x128xf32, #tpu.memory_space<hbm>>
      %dma_wait3A_36 = tpu.memref_squeeze %dma_wait3A_35 : memref<1x128x128xf32, #tpu.memory_space<hbm>> -> memref<128x128xf32, #tpu.memory_space<hbm>>
      %dma_wait3A_37 = arith.constant 0 : i32
      %dma_wait3A_38 = tpu.memref_slice %arg9[%add3A_22, %dma_wait3A_37] : memref<10240x128xf32, #tpu.memory_space<vmem_shared>> -> memref<128x128xf32, #tpu.memory_space<vmem_shared>>
      tpu.wait_dma2 semaphore(%run_scoped3A : memref<!tpu.dma_semaphore, #tpu.memory_space<semaphore_mem>>) src(%dma_wait3A_38 : memref<128x128xf32, #tpu.memory_space<vmem_shared>>) dst(%dma_wait3A_36 : memref<128x128xf32, #tpu.memory_space<hbm>>)
      tpu.yield
    }) : () -> ()
    %add3A_23 = arith.constant 128 : i32
    %add3A_24 = arith.addi %mul3A_5, %add3A_23 : i32
    "tpu.region"() ({
      %run_scoped3A = tpu.sem_alloc : memref<!tpu.dma_semaphore, #tpu.memory_space<semaphore_mem>>
      %dma_start3A = arith.constant 0 : i32
      %dma_start3A_31 = tpu.memref_slice %arg5[%arg0, %add3A_24, %dma_start3A] : memref<2x10240x128xf32, #tpu.memory_space<hbm>> -> memref<1x128x128xf32, #tpu.memory_space<hbm>>
      %dma_start3A_32 = tpu.memref_squeeze %dma_start3A_31 : memref<1x128x128xf32, #tpu.memory_space<hbm>> -> memref<128x128xf32, #tpu.memory_space<hbm>>
      %dma_start3A_33 = arith.constant 0 : i32
      %dma_start3A_34 = tpu.memref_slice %arg9[%add3A_24, %dma_start3A_33] : memref<10240x128xf32, #tpu.memory_space<vmem_shared>> -> memref<128x128xf32, #tpu.memory_space<vmem_shared>>
      tpu.enqueue_dma source(%dma_start3A_34 : memref<128x128xf32, #tpu.memory_space<vmem_shared>>) target(%dma_start3A_32 : memref<128x128xf32, #tpu.memory_space<hbm>>) target_semaphore(%run_scoped3A : memref<!tpu.dma_semaphore, #tpu.memory_space<semaphore_mem>>)
      %dma_wait3A = arith.constant 0 : i32
      %dma_wait3A_35 = tpu.memref_slice %arg5[%arg0, %add3A_24, %dma_wait3A] : memref<2x10240x128xf32, #tpu.memory_space<hbm>> -> memref<1x128x128xf32, #tpu.memory_space<hbm>>
      %dma_wait3A_36 = tpu.memref_squeeze %dma_wait3A_35 : memref<1x128x128xf32, #tpu.memory_space<hbm>> -> memref<128x128xf32, #tpu.memory_space<hbm>>
      %dma_wait3A_37 = arith.constant 0 : i32
      %dma_wait3A_38 = tpu.memref_slice %arg9[%add3A_24, %dma_wait3A_37] : memref<10240x128xf32, #tpu.memory_space<vmem_shared>> -> memref<128x128xf32, #tpu.memory_space<vmem_shared>>
      tpu.wait_dma2 semaphore(%run_scoped3A : memref<!tpu.dma_semaphore, #tpu.memory_space<semaphore_mem>>) src(%dma_wait3A_38 : memref<128x128xf32, #tpu.memory_space<vmem_shared>>) dst(%dma_wait3A_36 : memref<128x128xf32, #tpu.memory_space<hbm>>)
      tpu.yield
    }) : () -> ()
    %add3A_25 = arith.constant 256 : i32
    %add3A_26 = arith.addi %mul3A_5, %add3A_25 : i32
    "tpu.region"() ({
      %run_scoped3A = tpu.sem_alloc : memref<!tpu.dma_semaphore, #tpu.memory_space<semaphore_mem>>
      %dma_start3A = arith.constant 0 : i32
      %dma_start3A_31 = tpu.memref_slice %arg5[%arg0, %add3A_26, %dma_start3A] : memref<2x10240x128xf32, #tpu.memory_space<hbm>> -> memref<1x128x128xf32, #tpu.memory_space<hbm>>
      %dma_start3A_32 = tpu.memref_squeeze %dma_start3A_31 : memref<1x128x128xf32, #tpu.memory_space<hbm>> -> memref<128x128xf32, #tpu.memory_space<hbm>>
      %dma_start3A_33 = arith.constant 0 : i32
      %dma_start3A_34 = tpu.memref_slice %arg9[%add3A_26, %dma_start3A_33] : memref<10240x128xf32, #tpu.memory_space<vmem_shared>> -> memref<128x128xf32, #tpu.memory_space<vmem_shared>>
      tpu.enqueue_dma source(%dma_start3A_34 : memref<128x128xf32, #tpu.memory_space<vmem_shared>>) target(%dma_start3A_32 : memref<128x128xf32, #tpu.memory_space<hbm>>) target_semaphore(%run_scoped3A : memref<!tpu.dma_semaphore, #tpu.memory_space<semaphore_mem>>)
      %dma_wait3A = arith.constant 0 : i32
      %dma_wait3A_35 = tpu.memref_slice %arg5[%arg0, %add3A_26, %dma_wait3A] : memref<2x10240x128xf32, #tpu.memory_space<hbm>> -> memref<1x128x128xf32, #tpu.memory_space<hbm>>
      %dma_wait3A_36 = tpu.memref_squeeze %dma_wait3A_35 : memref<1x128x128xf32, #tpu.memory_space<hbm>> -> memref<128x128xf32, #tpu.memory_space<hbm>>
      %dma_wait3A_37 = arith.constant 0 : i32
      %dma_wait3A_38 = tpu.memref_slice %arg9[%add3A_26, %dma_wait3A_37] : memref<10240x128xf32, #tpu.memory_space<vmem_shared>> -> memref<128x128xf32, #tpu.memory_space<vmem_shared>>
      tpu.wait_dma2 semaphore(%run_scoped3A : memref<!tpu.dma_semaphore, #tpu.memory_space<semaphore_mem>>) src(%dma_wait3A_38 : memref<128x128xf32, #tpu.memory_space<vmem_shared>>) dst(%dma_wait3A_36 : memref<128x128xf32, #tpu.memory_space<hbm>>)
      tpu.yield
    }) : () -> ()
    %add3A_27 = arith.constant 384 : i32
    %add3A_28 = arith.addi %mul3A_5, %add3A_27 : i32
    "tpu.region"() ({
      %run_scoped3A = tpu.sem_alloc : memref<!tpu.dma_semaphore, #tpu.memory_space<semaphore_mem>>
      %dma_start3A = arith.constant 0 : i32
      %dma_start3A_31 = tpu.memref_slice %arg5[%arg0, %add3A_28, %dma_start3A] : memref<2x10240x128xf32, #tpu.memory_space<hbm>> -> memref<1x128x128xf32, #tpu.memory_space<hbm>>
      %dma_start3A_32 = tpu.memref_squeeze %dma_start3A_31 : memref<1x128x128xf32, #tpu.memory_space<hbm>> -> memref<128x128xf32, #tpu.memory_space<hbm>>
      %dma_start3A_33 = arith.constant 0 : i32
      %dma_start3A_34 = tpu.memref_slice %arg9[%add3A_28, %dma_start3A_33] : memref<10240x128xf32, #tpu.memory_space<vmem_shared>> -> memref<128x128xf32, #tpu.memory_space<vmem_shared>>
      tpu.enqueue_dma source(%dma_start3A_34 : memref<128x128xf32, #tpu.memory_space<vmem_shared>>) target(%dma_start3A_32 : memref<128x128xf32, #tpu.memory_space<hbm>>) target_semaphore(%run_scoped3A : memref<!tpu.dma_semaphore, #tpu.memory_space<semaphore_mem>>)
      %dma_wait3A = arith.constant 0 : i32
      %dma_wait3A_35 = tpu.memref_slice %arg5[%arg0, %add3A_28, %dma_wait3A] : memref<2x10240x128xf32, #tpu.memory_space<hbm>> -> memref<1x128x128xf32, #tpu.memory_space<hbm>>
      %dma_wait3A_36 = tpu.memref_squeeze %dma_wait3A_35 : memref<1x128x128xf32, #tpu.memory_space<hbm>> -> memref<128x128xf32, #tpu.memory_space<hbm>>
      %dma_wait3A_37 = arith.constant 0 : i32
      %dma_wait3A_38 = tpu.memref_slice %arg9[%add3A_28, %dma_wait3A_37] : memref<10240x128xf32, #tpu.memory_space<vmem_shared>> -> memref<128x128xf32, #tpu.memory_space<vmem_shared>>
      tpu.wait_dma2 semaphore(%run_scoped3A : memref<!tpu.dma_semaphore, #tpu.memory_space<semaphore_mem>>) src(%dma_wait3A_38 : memref<128x128xf32, #tpu.memory_space<vmem_shared>>) dst(%dma_wait3A_36 : memref<128x128xf32, #tpu.memory_space<hbm>>)
      tpu.yield
    }) : () -> ()
    %add3A_29 = arith.constant 512 : i32
    %add3A_30 = arith.addi %mul3A_5, %add3A_29 : i32
    "tpu.region"() ({
      %run_scoped3A = tpu.sem_alloc : memref<!tpu.dma_semaphore, #tpu.memory_space<semaphore_mem>>
      %dma_start3A = arith.constant 0 : i32
      %dma_start3A_31 = tpu.memref_slice %arg5[%arg0, %add3A_30, %dma_start3A] : memref<2x10240x128xf32, #tpu.memory_space<hbm>> -> memref<1x128x128xf32, #tpu.memory_space<hbm>>
      %dma_start3A_32 = tpu.memref_squeeze %dma_start3A_31 : memref<1x128x128xf32, #tpu.memory_space<hbm>> -> memref<128x128xf32, #tpu.memory_space<hbm>>
      %dma_start3A_33 = arith.constant 0 : i32
      %dma_start3A_34 = tpu.memref_slice %arg9[%add3A_30, %dma_start3A_33] : memref<10240x128xf32, #tpu.memory_space<vmem_shared>> -> memref<128x128xf32, #tpu.memory_space<vmem_shared>>
      tpu.enqueue_dma source(%dma_start3A_34 : memref<128x128xf32, #tpu.memory_space<vmem_shared>>) target(%dma_start3A_32 : memref<128x128xf32, #tpu.memory_space<hbm>>) target_semaphore(%run_scoped3A : memref<!tpu.dma_semaphore, #tpu.memory_space<semaphore_mem>>)
      %dma_wait3A = arith.constant 0 : i32
      %dma_wait3A_35 = tpu.memref_slice %arg5[%arg0, %add3A_30, %dma_wait3A] : memref<2x10240x128xf32, #tpu.memory_space<hbm>> -> memref<1x128x128xf32, #tpu.memory_space<hbm>>
      %dma_wait3A_36 = tpu.memref_squeeze %dma_wait3A_35 : memref<1x128x128xf32, #tpu.memory_space<hbm>> -> memref<128x128xf32, #tpu.memory_space<hbm>>
      %dma_wait3A_37 = arith.constant 0 : i32
      %dma_wait3A_38 = tpu.memref_slice %arg9[%add3A_30, %dma_wait3A_37] : memref<10240x128xf32, #tpu.memory_space<vmem_shared>> -> memref<128x128xf32, #tpu.memory_space<vmem_shared>>
      tpu.wait_dma2 semaphore(%run_scoped3A : memref<!tpu.dma_semaphore, #tpu.memory_space<semaphore_mem>>) src(%dma_wait3A_38 : memref<128x128xf32, #tpu.memory_space<vmem_shared>>) dst(%dma_wait3A_36 : memref<128x128xf32, #tpu.memory_space<hbm>>)
      tpu.yield
    }) : () -> ()
    return
  }
}

#map = affine_map<(d0, d1) -> (0, 0)>
#map1 = affine_map<(d0, d1) -> (0, 0, 0)>
module attributes {stable_mosaic.version = 14 : i64} {
  func.func @body(%arg0: i32, %arg1: i32, %arg2: memref<10240x128xf32, #tpu.memory_space<hbm>>, %arg3: memref<2560x128xi32, #tpu.memory_space<hbm>>, %arg4: memref<2560x128xi32, #tpu.memory_space<hbm>>, %arg5: memref<2x10240x128xf32, #tpu.memory_space<hbm>>, %arg6: memref<2x10240xf32, #tpu.memory_space<hbm>>, %arg7: memref<8x128xi32, #tpu.memory_space<vmem>>, %arg8: memref<8x128xi32, #tpu.memory_space<vmem>>, %arg9: memref<16x128xf32, #tpu.memory_space<vmem>>, %arg10: memref<10240x128xf32, #tpu.memory_space<vmem_shared>>, %arg11: memref<128x128xf32, #tpu.memory_space<vmem>>, %arg12: memref<128x128xf32, #tpu.memory_space<vmem>>, %arg13: memref<128xf32, #tpu.memory_space<vmem>>, %arg14: memref<10240xf32, #tpu.memory_space<vmem_shared>>, %arg15: memref<!tpu.dma_semaphore, #tpu.memory_space<semaphore_mem>>, %arg16: memref<!tpu.dma_semaphore, #tpu.memory_space<semaphore_mem>>, %arg17: memref<!tpu.dma_semaphore, #tpu.memory_space<semaphore_mem>>, %arg18: memref<!tpu.dma_semaphore, #tpu.memory_space<semaphore_mem>>, %arg19: memref<!tpu.dma_semaphore, #tpu.memory_space<semaphore_mem>>) attributes {dimension_semantics = [#tpu.dimension_semantics<core_parallel>, #tpu.dimension_semantics<subcore_parallel>], iteration_bounds = array<i64: 2, 16>, scalar_prefetch = 0 : i64, scratch_operands = 13 : i64, tpu.core_type = #tpu.core_type<sc_vector_subcore>, window_params = [{transform_indices = #map}, {transform_indices = #map}, {transform_indices = #map}, {transform_indices = #map1}, {transform_indices = #map}]} {
    %scan3A = arith.constant 0 : i32
    %scan3A_0 = arith.constant 0 : i32
    %scan3A_1 = arith.constant 16 : i32
    %scan3A_2 = arith.addi %scan3A_0, %scan3A_1 : i32
    %scan3A_3 = arith.constant 1 : i32
    scf.for %scan3A_91 = %scan3A_0 to %scan3A_2 step %scan3A_3  : i32 {
      %broadcast_in_dim3A_92 = arith.constant 0.000000e+00 : f32
      %broadcast_in_dim3A_93 = vector.broadcast %broadcast_in_dim3A_92 : f32 to vector<16xf32>
      %swap3A_94 = arith.index_cast %scan3A_91 : i32 to index
      %swap3A_95 = arith.constant 0 : index
      %swap3A_96 = tpu.vector_load %arg9[%swap3A_94, %swap3A_95] {strides = array<i32>} : memref<16x128xf32, #tpu.memory_space<vmem>>, vector<1x16xf32>,
      %swap3A_97 = vector.shape_cast %swap3A_96 : vector<1x16xf32> to vector<16xf32>
      %swap3A_98 = vector.shape_cast %broadcast_in_dim3A_93 : vector<16xf32> to vector<1x16xf32>
      tpu.vector_store %arg9[%swap3A_94, %swap3A_95], %swap3A_98 {strides = array<i32>} : memref<16x128xf32, #tpu.memory_space<vmem>>, vector<1x16xf32>,
      %broadcast_in_dim3A_99 = arith.constant 0.000000e+00 : f32
      %broadcast_in_dim3A_100 = vector.broadcast %broadcast_in_dim3A_99 : f32 to vector<16xf32>
      %swap3A_101 = arith.index_cast %scan3A_91 : i32 to index
      %swap3A_102 = arith.constant 16 : index
      %swap3A_103 = tpu.vector_load %arg9[%swap3A_101, %swap3A_102] {strides = array<i32>} : memref<16x128xf32, #tpu.memory_space<vmem>>, vector<1x16xf32>,
      %swap3A_104 = vector.shape_cast %swap3A_103 : vector<1x16xf32> to vector<16xf32>
      %swap3A_105 = vector.shape_cast %broadcast_in_dim3A_100 : vector<16xf32> to vector<1x16xf32>
      tpu.vector_store %arg9[%swap3A_101, %swap3A_102], %swap3A_105 {strides = array<i32>} : memref<16x128xf32, #tpu.memory_space<vmem>>, vector<1x16xf32>,
      %broadcast_in_dim3A_106 = arith.constant 0.000000e+00 : f32
      %broadcast_in_dim3A_107 = vector.broadcast %broadcast_in_dim3A_106 : f32 to vector<16xf32>
      %swap3A_108 = arith.index_cast %scan3A_91 : i32 to index
      %swap3A_109 = arith.constant 32 : index
      %swap3A_110 = tpu.vector_load %arg9[%swap3A_108, %swap3A_109] {strides = array<i32>} : memref<16x128xf32, #tpu.memory_space<vmem>>, vector<1x16xf32>,
      %swap3A_111 = vector.shape_cast %swap3A_110 : vector<1x16xf32> to vector<16xf32>
      %swap3A_112 = vector.shape_cast %broadcast_in_dim3A_107 : vector<16xf32> to vector<1x16xf32>
      tpu.vector_store %arg9[%swap3A_108, %swap3A_109], %swap3A_112 {strides = array<i32>} : memref<16x128xf32, #tpu.memory_space<vmem>>, vector<1x16xf32>,
      %broadcast_in_dim3A_113 = arith.constant 0.000000e+00 : f32
      %broadcast_in_dim3A_114 = vector.broadcast %broadcast_in_dim3A_113 : f32 to vector<16xf32>
      %swap3A_115 = arith.index_cast %scan3A_91 : i32 to index
      %swap3A_116 = arith.constant 48 : index
      %swap3A_117 = tpu.vector_load %arg9[%swap3A_115, %swap3A_116] {strides = array<i32>} : memref<16x128xf32, #tpu.memory_space<vmem>>, vector<1x16xf32>,
      %swap3A_118 = vector.shape_cast %swap3A_117 : vector<1x16xf32> to vector<16xf32>
      %swap3A_119 = vector.shape_cast %broadcast_in_dim3A_114 : vector<16xf32> to vector<1x16xf32>
      tpu.vector_store %arg9[%swap3A_115, %swap3A_116], %swap3A_119 {strides = array<i32>} : memref<16x128xf32, #tpu.memory_space<vmem>>, vector<1x16xf32>,
      %broadcast_in_dim3A_120 = arith.constant 0.000000e+00 : f32
      %broadcast_in_dim3A_121 = vector.broadcast %broadcast_in_dim3A_120 : f32 to vector<16xf32>
      %swap3A_122 = arith.index_cast %scan3A_91 : i32 to index
      %swap3A_123 = arith.constant 64 : index
      %swap3A_124 = tpu.vector_load %arg9[%swap3A_122, %swap3A_123] {strides = array<i32>} : memref<16x128xf32, #tpu.memory_space<vmem>>, vector<1x16xf32>,
      %swap3A_125 = vector.shape_cast %swap3A_124 : vector<1x16xf32> to vector<16xf32>
      %swap3A_126 = vector.shape_cast %broadcast_in_dim3A_121 : vector<16xf32> to vector<1x16xf32>
      tpu.vector_store %arg9[%swap3A_122, %swap3A_123], %swap3A_126 {strides = array<i32>} : memref<16x128xf32, #tpu.memory_space<vmem>>, vector<1x16xf32>,
      %broadcast_in_dim3A_127 = arith.constant 0.000000e+00 : f32
      %broadcast_in_dim3A_128 = vector.broadcast %broadcast_in_dim3A_127 : f32 to vector<16xf32>
      %swap3A_129 = arith.index_cast %scan3A_91 : i32 to index
      %swap3A_130 = arith.constant 80 : index
      %swap3A_131 = tpu.vector_load %arg9[%swap3A_129, %swap3A_130] {strides = array<i32>} : memref<16x128xf32, #tpu.memory_space<vmem>>, vector<1x16xf32>,
      %swap3A_132 = vector.shape_cast %swap3A_131 : vector<1x16xf32> to vector<16xf32>
      %swap3A_133 = vector.shape_cast %broadcast_in_dim3A_128 : vector<16xf32> to vector<1x16xf32>
      tpu.vector_store %arg9[%swap3A_129, %swap3A_130], %swap3A_133 {strides = array<i32>} : memref<16x128xf32, #tpu.memory_space<vmem>>, vector<1x16xf32>,
      %broadcast_in_dim3A_134 = arith.constant 0.000000e+00 : f32
      %broadcast_in_dim3A_135 = vector.broadcast %broadcast_in_dim3A_134 : f32 to vector<16xf32>
      %swap3A_136 = arith.index_cast %scan3A_91 : i32 to index
      %swap3A_137 = arith.constant 96 : index
      %swap3A_138 = tpu.vector_load %arg9[%swap3A_136, %swap3A_137] {strides = array<i32>} : memref<16x128xf32, #tpu.memory_space<vmem>>, vector<1x16xf32>,
      %swap3A_139 = vector.shape_cast %swap3A_138 : vector<1x16xf32> to vector<16xf32>
      %swap3A_140 = vector.shape_cast %broadcast_in_dim3A_135 : vector<16xf32> to vector<1x16xf32>
      tpu.vector_store %arg9[%swap3A_136, %swap3A_137], %swap3A_140 {strides = array<i32>} : memref<16x128xf32, #tpu.memory_space<vmem>>, vector<1x16xf32>,
      %broadcast_in_dim3A_141 = arith.constant 0.000000e+00 : f32
      %broadcast_in_dim3A_142 = vector.broadcast %broadcast_in_dim3A_141 : f32 to vector<16xf32>
      %swap3A_143 = arith.index_cast %scan3A_91 : i32 to index
      %swap3A_144 = arith.constant 112 : index
      %swap3A_145 = tpu.vector_load %arg9[%swap3A_143, %swap3A_144] {strides = array<i32>} : memref<16x128xf32, #tpu.memory_space<vmem>>, vector<1x16xf32>,
      %swap3A_146 = vector.shape_cast %swap3A_145 : vector<1x16xf32> to vector<16xf32>
      %swap3A_147 = vector.shape_cast %broadcast_in_dim3A_142 : vector<16xf32> to vector<1x16xf32>
      tpu.vector_store %arg9[%swap3A_143, %swap3A_144], %swap3A_147 {strides = array<i32>} : memref<16x128xf32, #tpu.memory_space<vmem>>, vector<1x16xf32>,
    }
    %scan3A_4 = arith.constant 16 : i32
    %broadcast_in_dim3A = arith.constant 1.000000e+00 : f32
    %broadcast_in_dim3A_5 = vector.broadcast %broadcast_in_dim3A : f32 to vector<16xf32>
    %swap3A = arith.constant 0 : index
    %swap3A_6 = tpu.vector_load %arg13[%swap3A] {strides = array<i32>} : memref<128xf32, #tpu.memory_space<vmem>>, vector<16xf32>,
    %swap3A_7 = vector.shape_cast %swap3A_6 : vector<16xf32> to vector<16xf32>
    %swap3A_8 = vector.shape_cast %broadcast_in_dim3A_5 : vector<16xf32> to vector<16xf32>
    tpu.vector_store %arg13[%swap3A], %swap3A_8 {strides = array<i32>} : memref<128xf32, #tpu.memory_space<vmem>>, vector<16xf32>,
    %broadcast_in_dim3A_9 = arith.constant 1.000000e+00 : f32
    %broadcast_in_dim3A_10 = vector.broadcast %broadcast_in_dim3A_9 : f32 to vector<16xf32>
    %swap3A_11 = arith.constant 16 : index
    %swap3A_12 = tpu.vector_load %arg13[%swap3A_11] {strides = array<i32>} : memref<128xf32, #tpu.memory_space<vmem>>, vector<16xf32>,
    %swap3A_13 = vector.shape_cast %swap3A_12 : vector<16xf32> to vector<16xf32>
    %swap3A_14 = vector.shape_cast %broadcast_in_dim3A_10 : vector<16xf32> to vector<16xf32>
    tpu.vector_store %arg13[%swap3A_11], %swap3A_14 {strides = array<i32>} : memref<128xf32, #tpu.memory_space<vmem>>, vector<16xf32>,
    %broadcast_in_dim3A_15 = arith.constant 1.000000e+00 : f32
    %broadcast_in_dim3A_16 = vector.broadcast %broadcast_in_dim3A_15 : f32 to vector<16xf32>
    %swap3A_17 = arith.constant 32 : index
    %swap3A_18 = tpu.vector_load %arg13[%swap3A_17] {strides = array<i32>} : memref<128xf32, #tpu.memory_space<vmem>>, vector<16xf32>,
    %swap3A_19 = vector.shape_cast %swap3A_18 : vector<16xf32> to vector<16xf32>
    %swap3A_20 = vector.shape_cast %broadcast_in_dim3A_16 : vector<16xf32> to vector<16xf32>
    tpu.vector_store %arg13[%swap3A_17], %swap3A_20 {strides = array<i32>} : memref<128xf32, #tpu.memory_space<vmem>>, vector<16xf32>,
    %broadcast_in_dim3A_21 = arith.constant 1.000000e+00 : f32
    %broadcast_in_dim3A_22 = vector.broadcast %broadcast_in_dim3A_21 : f32 to vector<16xf32>
    %swap3A_23 = arith.constant 48 : index
    %swap3A_24 = tpu.vector_load %arg13[%swap3A_23] {strides = array<i32>} : memref<128xf32, #tpu.memory_space<vmem>>, vector<16xf32>,
    %swap3A_25 = vector.shape_cast %swap3A_24 : vector<16xf32> to vector<16xf32>
    %swap3A_26 = vector.shape_cast %broadcast_in_dim3A_22 : vector<16xf32> to vector<16xf32>
    tpu.vector_store %arg13[%swap3A_23], %swap3A_26 {strides = array<i32>} : memref<128xf32, #tpu.memory_space<vmem>>, vector<16xf32>,
    %broadcast_in_dim3A_27 = arith.constant 1.000000e+00 : f32
    %broadcast_in_dim3A_28 = vector.broadcast %broadcast_in_dim3A_27 : f32 to vector<16xf32>
    %swap3A_29 = arith.constant 64 : index
    %swap3A_30 = tpu.vector_load %arg13[%swap3A_29] {strides = array<i32>} : memref<128xf32, #tpu.memory_space<vmem>>, vector<16xf32>,
    %swap3A_31 = vector.shape_cast %swap3A_30 : vector<16xf32> to vector<16xf32>
    %swap3A_32 = vector.shape_cast %broadcast_in_dim3A_28 : vector<16xf32> to vector<16xf32>
    tpu.vector_store %arg13[%swap3A_29], %swap3A_32 {strides = array<i32>} : memref<128xf32, #tpu.memory_space<vmem>>, vector<16xf32>,
    %broadcast_in_dim3A_33 = arith.constant 1.000000e+00 : f32
    %broadcast_in_dim3A_34 = vector.broadcast %broadcast_in_dim3A_33 : f32 to vector<16xf32>
    %swap3A_35 = arith.constant 80 : index
    %swap3A_36 = tpu.vector_load %arg13[%swap3A_35] {strides = array<i32>} : memref<128xf32, #tpu.memory_space<vmem>>, vector<16xf32>,
    %swap3A_37 = vector.shape_cast %swap3A_36 : vector<16xf32> to vector<16xf32>
    %swap3A_38 = vector.shape_cast %broadcast_in_dim3A_34 : vector<16xf32> to vector<16xf32>
    tpu.vector_store %arg13[%swap3A_35], %swap3A_38 {strides = array<i32>} : memref<128xf32, #tpu.memory_space<vmem>>, vector<16xf32>,
    %broadcast_in_dim3A_39 = arith.constant 1.000000e+00 : f32
    %broadcast_in_dim3A_40 = vector.broadcast %broadcast_in_dim3A_39 : f32 to vector<16xf32>
    %swap3A_41 = arith.constant 96 : index
    %swap3A_42 = tpu.vector_load %arg13[%swap3A_41] {strides = array<i32>} : memref<128xf32, #tpu.memory_space<vmem>>, vector<16xf32>,
    %swap3A_43 = vector.shape_cast %swap3A_42 : vector<16xf32> to vector<16xf32>
    %swap3A_44 = vector.shape_cast %broadcast_in_dim3A_40 : vector<16xf32> to vector<16xf32>
    tpu.vector_store %arg13[%swap3A_41], %swap3A_44 {strides = array<i32>} : memref<128xf32, #tpu.memory_space<vmem>>, vector<16xf32>,
    %broadcast_in_dim3A_45 = arith.constant 1.000000e+00 : f32
    %broadcast_in_dim3A_46 = vector.broadcast %broadcast_in_dim3A_45 : f32 to vector<16xf32>
    %swap3A_47 = arith.constant 112 : index
    %swap3A_48 = tpu.vector_load %arg13[%swap3A_47] {strides = array<i32>} : memref<128xf32, #tpu.memory_space<vmem>>, vector<16xf32>,
    %swap3A_49 = vector.shape_cast %swap3A_48 : vector<16xf32> to vector<16xf32>
    %swap3A_50 = vector.shape_cast %broadcast_in_dim3A_46 : vector<16xf32> to vector<16xf32>
    tpu.vector_store %arg13[%swap3A_47], %swap3A_50 {strides = array<i32>} : memref<128xf32, #tpu.memory_space<vmem>>, vector<16xf32>,
    %mul3A = arith.constant 640 : i32
    %mul3A_51 = arith.muli %arg1, %mul3A : i32
    %scan3A_52 = arith.constant 0 : i32
    %scan3A_53 = arith.constant 0 : i32
    %scan3A_54 = arith.constant 40 : i32
    %scan3A_55 = arith.addi %scan3A_53, %scan3A_54 : i32
    %scan3A_56 = arith.constant 1 : i32
    scf.for %scan3A_91 = %scan3A_53 to %scan3A_55 step %scan3A_56  : i32 {
      %mul3A_92 = arith.constant 16 : i32
      %mul3A_93 = arith.muli %scan3A_91, %mul3A_92 : i32
      %add3A_94 = arith.addi %mul3A_51, %mul3A_93 : i32
      "tpu.region"() ({
        %run_scoped3A_95 = tpu.sem_alloc : memref<!tpu.dma_semaphore, #tpu.memory_space<semaphore_mem>>
        %dma_start3A = arith.constant 0 : i32
        %dma_start3A_96 = tpu.memref_slice %arg10[%add3A_94, %dma_start3A] : memref<10240x128xf32, #tpu.memory_space<vmem_shared>> -> memref<16x128xf32, #tpu.memory_space<vmem_shared>>
        %dma_start3A_97 = arith.constant 0 : i32
        %dma_start3A_98 = tpu.memref_slice %arg10[%add3A_94, %dma_start3A_97] : memref<10240x128xf32, #tpu.memory_space<vmem_shared>> -> memref<16x128xf32, #tpu.memory_space<vmem_shared>>
        tpu.enqueue_dma source(%arg9 : memref<16x128xf32, #tpu.memory_space<vmem>>) target(%dma_start3A_98 : memref<16x128xf32, #tpu.memory_space<vmem_shared>>) target_semaphore(%run_scoped3A_95 : memref<!tpu.dma_semaphore, #tpu.memory_space<semaphore_mem>>)
        %dma_wait3A = arith.constant 0 : i32
        %dma_wait3A_99 = tpu.memref_slice %arg10[%add3A_94, %dma_wait3A] : memref<10240x128xf32, #tpu.memory_space<vmem_shared>> -> memref<16x128xf32, #tpu.memory_space<vmem_shared>>
        %dma_wait3A_100 = arith.constant 0 : i32
        %dma_wait3A_101 = tpu.memref_slice %arg10[%add3A_94, %dma_wait3A_100] : memref<10240x128xf32, #tpu.memory_space<vmem_shared>> -> memref<16x128xf32, #tpu.memory_space<vmem_shared>>
        tpu.wait_dma2 semaphore(%run_scoped3A_95 : memref<!tpu.dma_semaphore, #tpu.memory_space<semaphore_mem>>) src(%arg9 : memref<16x128xf32, #tpu.memory_space<vmem>>) dst(%dma_wait3A_101 : memref<16x128xf32, #tpu.memory_space<vmem_shared>>)
        tpu.yield
      }) : () -> ()
    }
    %scan3A_57 = arith.constant 40 : i32
    %add3A = arith.constant 0 : i32
    %add3A_58 = arith.addi %mul3A_51, %add3A : i32
    %run_scoped3A = arith.constant 0 : i32
    "tpu.region"() ({
      %run_scoped3A_91 = tpu.sem_alloc : memref<!tpu.dma_semaphore, #tpu.memory_space<semaphore_mem>>
      %dma_start3A = arith.constant 0 : i32
      %dma_start3A_92 = tpu.memref_slice %arg9[%run_scoped3A, %dma_start3A] : memref<16x128xf32, #tpu.memory_space<vmem>> -> memref<1x128xf32, #tpu.memory_space<vmem>>
      %dma_start3A_93 = tpu.memref_squeeze %dma_start3A_92 : memref<1x128xf32, #tpu.memory_space<vmem>> -> memref<128xf32, #tpu.memory_space<vmem>>
      %dma_start3A_94 = tpu.memref_slice %arg14[%add3A_58] : memref<10240xf32, #tpu.memory_space<vmem_shared>> -> memref<128xf32, #tpu.memory_space<vmem_shared>>
      %dma_start3A_95 = tpu.memref_slice %arg14[%add3A_58] : memref<10240xf32, #tpu.memory_space<vmem_shared>> -> memref<128xf32, #tpu.memory_space<vmem_shared>>
      %dma_start3A_96 = arith.constant 0 : i32
      %dma_start3A_97 = tpu.memref_slice %arg9[%run_scoped3A, %dma_start3A_96] : memref<16x128xf32, #tpu.memory_space<vmem>> -> memref<1x128xf32, #tpu.memory_space<vmem>>
      %dma_start3A_98 = tpu.memref_squeeze %dma_start3A_97 : memref<1x128xf32, #tpu.memory_space<vmem>> -> memref<128xf32, #tpu.memory_space<vmem>>
      tpu.enqueue_dma source(%dma_start3A_98 : memref<128xf32, #tpu.memory_space<vmem>>) target(%dma_start3A_95 : memref<128xf32, #tpu.memory_space<vmem_shared>>) target_semaphore(%run_scoped3A_91 : memref<!tpu.dma_semaphore, #tpu.memory_space<semaphore_mem>>)
      %dma_wait3A = arith.constant 0 : i32
      %dma_wait3A_99 = tpu.memref_slice %arg9[%run_scoped3A, %dma_wait3A] : memref<16x128xf32, #tpu.memory_space<vmem>> -> memref<1x128xf32, #tpu.memory_space<vmem>>
      %dma_wait3A_100 = tpu.memref_squeeze %dma_wait3A_99 : memref<1x128xf32, #tpu.memory_space<vmem>> -> memref<128xf32, #tpu.memory_space<vmem>>
      %dma_wait3A_101 = tpu.memref_slice %arg14[%add3A_58] : memref<10240xf32, #tpu.memory_space<vmem_shared>> -> memref<128xf32, #tpu.memory_space<vmem_shared>>
      %dma_wait3A_102 = tpu.memref_slice %arg14[%add3A_58] : memref<10240xf32, #tpu.memory_space<vmem_shared>> -> memref<128xf32, #tpu.memory_space<vmem_shared>>
      %dma_wait3A_103 = arith.constant 0 : i32
      %dma_wait3A_104 = tpu.memref_slice %arg9[%run_scoped3A, %dma_wait3A_103] : memref<16x128xf32, #tpu.memory_space<vmem>> -> memref<1x128xf32, #tpu.memory_space<vmem>>
      %dma_wait3A_105 = tpu.memref_squeeze %dma_wait3A_104 : memref<1x128xf32, #tpu.memory_space<vmem>> -> memref<128xf32, #tpu.memory_space<vmem>>
      tpu.wait_dma2 semaphore(%run_scoped3A_91 : memref<!tpu.dma_semaphore, #tpu.memory_space<semaphore_mem>>) src(%dma_wait3A_105 : memref<128xf32, #tpu.memory_space<vmem>>) dst(%dma_wait3A_102 : memref<128xf32, #tpu.memory_space<vmem_shared>>)
      tpu.yield
    }) : () -> ()
    %add3A_59 = arith.constant 128 : i32
    %add3A_60 = arith.addi %mul3A_51, %add3A_59 : i32
    %run_scoped3A_61 = arith.constant 0 : i32
    "tpu.region"() ({
      %run_scoped3A_91 = tpu.sem_alloc : memref<!tpu.dma_semaphore, #tpu.memory_space<semaphore_mem>>
      %dma_start3A = arith.constant 0 : i32
      %dma_start3A_92 = tpu.memref_slice %arg9[%run_scoped3A_61, %dma_start3A] : memref<16x128xf32, #tpu.memory_space<vmem>> -> memref<1x128xf32, #tpu.memory_space<vmem>>
      %dma_start3A_93 = tpu.memref_squeeze %dma_start3A_92 : memref<1x128xf32, #tpu.memory_space<vmem>> -> memref<128xf32, #tpu.memory_space<vmem>>
      %dma_start3A_94 = tpu.memref_slice %arg14[%add3A_60] : memref<10240xf32, #tpu.memory_space<vmem_shared>> -> memref<128xf32, #tpu.memory_space<vmem_shared>>
      %dma_start3A_95 = tpu.memref_slice %arg14[%add3A_60] : memref<10240xf32, #tpu.memory_space<vmem_shared>> -> memref<128xf32, #tpu.memory_space<vmem_shared>>
      %dma_start3A_96 = arith.constant 0 : i32
      %dma_start3A_97 = tpu.memref_slice %arg9[%run_scoped3A_61, %dma_start3A_96] : memref<16x128xf32, #tpu.memory_space<vmem>> -> memref<1x128xf32, #tpu.memory_space<vmem>>
      %dma_start3A_98 = tpu.memref_squeeze %dma_start3A_97 : memref<1x128xf32, #tpu.memory_space<vmem>> -> memref<128xf32, #tpu.memory_space<vmem>>
      tpu.enqueue_dma source(%dma_start3A_98 : memref<128xf32, #tpu.memory_space<vmem>>) target(%dma_start3A_95 : memref<128xf32, #tpu.memory_space<vmem_shared>>) target_semaphore(%run_scoped3A_91 : memref<!tpu.dma_semaphore, #tpu.memory_space<semaphore_mem>>)
      %dma_wait3A = arith.constant 0 : i32
      %dma_wait3A_99 = tpu.memref_slice %arg9[%run_scoped3A_61, %dma_wait3A] : memref<16x128xf32, #tpu.memory_space<vmem>> -> memref<1x128xf32, #tpu.memory_space<vmem>>
      %dma_wait3A_100 = tpu.memref_squeeze %dma_wait3A_99 : memref<1x128xf32, #tpu.memory_space<vmem>> -> memref<128xf32, #tpu.memory_space<vmem>>
      %dma_wait3A_101 = tpu.memref_slice %arg14[%add3A_60] : memref<10240xf32, #tpu.memory_space<vmem_shared>> -> memref<128xf32, #tpu.memory_space<vmem_shared>>
      %dma_wait3A_102 = tpu.memref_slice %arg14[%add3A_60] : memref<10240xf32, #tpu.memory_space<vmem_shared>> -> memref<128xf32, #tpu.memory_space<vmem_shared>>
      %dma_wait3A_103 = arith.constant 0 : i32
      %dma_wait3A_104 = tpu.memref_slice %arg9[%run_scoped3A_61, %dma_wait3A_103] : memref<16x128xf32, #tpu.memory_space<vmem>> -> memref<1x128xf32, #tpu.memory_space<vmem>>
      %dma_wait3A_105 = tpu.memref_squeeze %dma_wait3A_104 : memref<1x128xf32, #tpu.memory_space<vmem>> -> memref<128xf32, #tpu.memory_space<vmem>>
      tpu.wait_dma2 semaphore(%run_scoped3A_91 : memref<!tpu.dma_semaphore, #tpu.memory_space<semaphore_mem>>) src(%dma_wait3A_105 : memref<128xf32, #tpu.memory_space<vmem>>) dst(%dma_wait3A_102 : memref<128xf32, #tpu.memory_space<vmem_shared>>)
      tpu.yield
    }) : () -> ()
    %add3A_62 = arith.constant 256 : i32
    %add3A_63 = arith.addi %mul3A_51, %add3A_62 : i32
    %run_scoped3A_64 = arith.constant 0 : i32
    "tpu.region"() ({
      %run_scoped3A_91 = tpu.sem_alloc : memref<!tpu.dma_semaphore, #tpu.memory_space<semaphore_mem>>
      %dma_start3A = arith.constant 0 : i32
      %dma_start3A_92 = tpu.memref_slice %arg9[%run_scoped3A_64, %dma_start3A] : memref<16x128xf32, #tpu.memory_space<vmem>> -> memref<1x128xf32, #tpu.memory_space<vmem>>
      %dma_start3A_93 = tpu.memref_squeeze %dma_start3A_92 : memref<1x128xf32, #tpu.memory_space<vmem>> -> memref<128xf32, #tpu.memory_space<vmem>>
      %dma_start3A_94 = tpu.memref_slice %arg14[%add3A_63] : memref<10240xf32, #tpu.memory_space<vmem_shared>> -> memref<128xf32, #tpu.memory_space<vmem_shared>>
      %dma_start3A_95 = tpu.memref_slice %arg14[%add3A_63] : memref<10240xf32, #tpu.memory_space<vmem_shared>> -> memref<128xf32, #tpu.memory_space<vmem_shared>>
      %dma_start3A_96 = arith.constant 0 : i32
      %dma_start3A_97 = tpu.memref_slice %arg9[%run_scoped3A_64, %dma_start3A_96] : memref<16x128xf32, #tpu.memory_space<vmem>> -> memref<1x128xf32, #tpu.memory_space<vmem>>
      %dma_start3A_98 = tpu.memref_squeeze %dma_start3A_97 : memref<1x128xf32, #tpu.memory_space<vmem>> -> memref<128xf32, #tpu.memory_space<vmem>>
      tpu.enqueue_dma source(%dma_start3A_98 : memref<128xf32, #tpu.memory_space<vmem>>) target(%dma_start3A_95 : memref<128xf32, #tpu.memory_space<vmem_shared>>) target_semaphore(%run_scoped3A_91 : memref<!tpu.dma_semaphore, #tpu.memory_space<semaphore_mem>>)
      %dma_wait3A = arith.constant 0 : i32
      %dma_wait3A_99 = tpu.memref_slice %arg9[%run_scoped3A_64, %dma_wait3A] : memref<16x128xf32, #tpu.memory_space<vmem>> -> memref<1x128xf32, #tpu.memory_space<vmem>>
      %dma_wait3A_100 = tpu.memref_squeeze %dma_wait3A_99 : memref<1x128xf32, #tpu.memory_space<vmem>> -> memref<128xf32, #tpu.memory_space<vmem>>
      %dma_wait3A_101 = tpu.memref_slice %arg14[%add3A_63] : memref<10240xf32, #tpu.memory_space<vmem_shared>> -> memref<128xf32, #tpu.memory_space<vmem_shared>>
      %dma_wait3A_102 = tpu.memref_slice %arg14[%add3A_63] : memref<10240xf32, #tpu.memory_space<vmem_shared>> -> memref<128xf32, #tpu.memory_space<vmem_shared>>
      %dma_wait3A_103 = arith.constant 0 : i32
      %dma_wait3A_104 = tpu.memref_slice %arg9[%run_scoped3A_64, %dma_wait3A_103] : memref<16x128xf32, #tpu.memory_space<vmem>> -> memref<1x128xf32, #tpu.memory_space<vmem>>
      %dma_wait3A_105 = tpu.memref_squeeze %dma_wait3A_104 : memref<1x128xf32, #tpu.memory_space<vmem>> -> memref<128xf32, #tpu.memory_space<vmem>>
      tpu.wait_dma2 semaphore(%run_scoped3A_91 : memref<!tpu.dma_semaphore, #tpu.memory_space<semaphore_mem>>) src(%dma_wait3A_105 : memref<128xf32, #tpu.memory_space<vmem>>) dst(%dma_wait3A_102 : memref<128xf32, #tpu.memory_space<vmem_shared>>)
      tpu.yield
    }) : () -> ()
    %add3A_65 = arith.constant 384 : i32
    %add3A_66 = arith.addi %mul3A_51, %add3A_65 : i32
    %run_scoped3A_67 = arith.constant 0 : i32
    "tpu.region"() ({
      %run_scoped3A_91 = tpu.sem_alloc : memref<!tpu.dma_semaphore, #tpu.memory_space<semaphore_mem>>
      %dma_start3A = arith.constant 0 : i32
      %dma_start3A_92 = tpu.memref_slice %arg9[%run_scoped3A_67, %dma_start3A] : memref<16x128xf32, #tpu.memory_space<vmem>> -> memref<1x128xf32, #tpu.memory_space<vmem>>
      %dma_start3A_93 = tpu.memref_squeeze %dma_start3A_92 : memref<1x128xf32, #tpu.memory_space<vmem>> -> memref<128xf32, #tpu.memory_space<vmem>>
      %dma_start3A_94 = tpu.memref_slice %arg14[%add3A_66] : memref<10240xf32, #tpu.memory_space<vmem_shared>> -> memref<128xf32, #tpu.memory_space<vmem_shared>>
      %dma_start3A_95 = tpu.memref_slice %arg14[%add3A_66] : memref<10240xf32, #tpu.memory_space<vmem_shared>> -> memref<128xf32, #tpu.memory_space<vmem_shared>>
      %dma_start3A_96 = arith.constant 0 : i32
      %dma_start3A_97 = tpu.memref_slice %arg9[%run_scoped3A_67, %dma_start3A_96] : memref<16x128xf32, #tpu.memory_space<vmem>> -> memref<1x128xf32, #tpu.memory_space<vmem>>
      %dma_start3A_98 = tpu.memref_squeeze %dma_start3A_97 : memref<1x128xf32, #tpu.memory_space<vmem>> -> memref<128xf32, #tpu.memory_space<vmem>>
      tpu.enqueue_dma source(%dma_start3A_98 : memref<128xf32, #tpu.memory_space<vmem>>) target(%dma_start3A_95 : memref<128xf32, #tpu.memory_space<vmem_shared>>) target_semaphore(%run_scoped3A_91 : memref<!tpu.dma_semaphore, #tpu.memory_space<semaphore_mem>>)
      %dma_wait3A = arith.constant 0 : i32
      %dma_wait3A_99 = tpu.memref_slice %arg9[%run_scoped3A_67, %dma_wait3A] : memref<16x128xf32, #tpu.memory_space<vmem>> -> memref<1x128xf32, #tpu.memory_space<vmem>>
      %dma_wait3A_100 = tpu.memref_squeeze %dma_wait3A_99 : memref<1x128xf32, #tpu.memory_space<vmem>> -> memref<128xf32, #tpu.memory_space<vmem>>
      %dma_wait3A_101 = tpu.memref_slice %arg14[%add3A_66] : memref<10240xf32, #tpu.memory_space<vmem_shared>> -> memref<128xf32, #tpu.memory_space<vmem_shared>>
      %dma_wait3A_102 = tpu.memref_slice %arg14[%add3A_66] : memref<10240xf32, #tpu.memory_space<vmem_shared>> -> memref<128xf32, #tpu.memory_space<vmem_shared>>
      %dma_wait3A_103 = arith.constant 0 : i32
      %dma_wait3A_104 = tpu.memref_slice %arg9[%run_scoped3A_67, %dma_wait3A_103] : memref<16x128xf32, #tpu.memory_space<vmem>> -> memref<1x128xf32, #tpu.memory_space<vmem>>
      %dma_wait3A_105 = tpu.memref_squeeze %dma_wait3A_104 : memref<1x128xf32, #tpu.memory_space<vmem>> -> memref<128xf32, #tpu.memory_space<vmem>>
      tpu.wait_dma2 semaphore(%run_scoped3A_91 : memref<!tpu.dma_semaphore, #tpu.memory_space<semaphore_mem>>) src(%dma_wait3A_105 : memref<128xf32, #tpu.memory_space<vmem>>) dst(%dma_wait3A_102 : memref<128xf32, #tpu.memory_space<vmem_shared>>)
      tpu.yield
    }) : () -> ()
    %add3A_68 = arith.constant 512 : i32
    %add3A_69 = arith.addi %mul3A_51, %add3A_68 : i32
    %run_scoped3A_70 = arith.constant 0 : i32
    "tpu.region"() ({
      %run_scoped3A_91 = tpu.sem_alloc : memref<!tpu.dma_semaphore, #tpu.memory_space<semaphore_mem>>
      %dma_start3A = arith.constant 0 : i32
      %dma_start3A_92 = tpu.memref_slice %arg9[%run_scoped3A_70, %dma_start3A] : memref<16x128xf32, #tpu.memory_space<vmem>> -> memref<1x128xf32, #tpu.memory_space<vmem>>
      %dma_start3A_93 = tpu.memref_squeeze %dma_start3A_92 : memref<1x128xf32, #tpu.memory_space<vmem>> -> memref<128xf32, #tpu.memory_space<vmem>>
      %dma_start3A_94 = tpu.memref_slice %arg14[%add3A_69] : memref<10240xf32, #tpu.memory_space<vmem_shared>> -> memref<128xf32, #tpu.memory_space<vmem_shared>>
      %dma_start3A_95 = tpu.memref_slice %arg14[%add3A_69] : memref<10240xf32, #tpu.memory_space<vmem_shared>> -> memref<128xf32, #tpu.memory_space<vmem_shared>>
      %dma_start3A_96 = arith.constant 0 : i32
      %dma_start3A_97 = tpu.memref_slice %arg9[%run_scoped3A_70, %dma_start3A_96] : memref<16x128xf32, #tpu.memory_space<vmem>> -> memref<1x128xf32, #tpu.memory_space<vmem>>
      %dma_start3A_98 = tpu.memref_squeeze %dma_start3A_97 : memref<1x128xf32, #tpu.memory_space<vmem>> -> memref<128xf32, #tpu.memory_space<vmem>>
      tpu.enqueue_dma source(%dma_start3A_98 : memref<128xf32, #tpu.memory_space<vmem>>) target(%dma_start3A_95 : memref<128xf32, #tpu.memory_space<vmem_shared>>) target_semaphore(%run_scoped3A_91 : memref<!tpu.dma_semaphore, #tpu.memory_space<semaphore_mem>>)
      %dma_wait3A = arith.constant 0 : i32
      %dma_wait3A_99 = tpu.memref_slice %arg9[%run_scoped3A_70, %dma_wait3A] : memref<16x128xf32, #tpu.memory_space<vmem>> -> memref<1x128xf32, #tpu.memory_space<vmem>>
      %dma_wait3A_100 = tpu.memref_squeeze %dma_wait3A_99 : memref<1x128xf32, #tpu.memory_space<vmem>> -> memref<128xf32, #tpu.memory_space<vmem>>
      %dma_wait3A_101 = tpu.memref_slice %arg14[%add3A_69] : memref<10240xf32, #tpu.memory_space<vmem_shared>> -> memref<128xf32, #tpu.memory_space<vmem_shared>>
      %dma_wait3A_102 = tpu.memref_slice %arg14[%add3A_69] : memref<10240xf32, #tpu.memory_space<vmem_shared>> -> memref<128xf32, #tpu.memory_space<vmem_shared>>
      %dma_wait3A_103 = arith.constant 0 : i32
      %dma_wait3A_104 = tpu.memref_slice %arg9[%run_scoped3A_70, %dma_wait3A_103] : memref<16x128xf32, #tpu.memory_space<vmem>> -> memref<1x128xf32, #tpu.memory_space<vmem>>
      %dma_wait3A_105 = tpu.memref_squeeze %dma_wait3A_104 : memref<1x128xf32, #tpu.memory_space<vmem>> -> memref<128xf32, #tpu.memory_space<vmem>>
      tpu.wait_dma2 semaphore(%run_scoped3A_91 : memref<!tpu.dma_semaphore, #tpu.memory_space<semaphore_mem>>) src(%dma_wait3A_105 : memref<128xf32, #tpu.memory_space<vmem>>) dst(%dma_wait3A_102 : memref<128xf32, #tpu.memory_space<vmem_shared>>)
      tpu.yield
    }) : () -> ()
    %barrier3A = arith.constant 0 : index
    tpu.barrier barrier_id(%barrier3A)
    %mul3A_71 = arith.constant 16 : i32
    %mul3A_72 = arith.muli %arg0, %mul3A_71 : i32
    %add3A_73 = arith.addi %mul3A_72, %arg1 : i32
    %scan3A_74 = arith.constant 0 : i32
    %scan3A_75 = arith.constant 0 : i32
    %scan3A_76 = arith.constant 10 : i32
    %scan3A_77 = arith.addi %scan3A_75, %scan3A_76 : i32
    %scan3A_78 = arith.constant 1 : i32
    scf.for %scan3A_91 = %scan3A_75 to %scan3A_77 step %scan3A_78  : i32 {
      %mul3A_92 = arith.constant 80 : i32
      %mul3A_93 = arith.muli %add3A_73, %mul3A_92 : i32
      %mul3A_94 = arith.constant 8 : i32
      %mul3A_95 = arith.muli %scan3A_91, %mul3A_94 : i32
      %add3A_96 = arith.addi %mul3A_93, %mul3A_95 : i32
      "tpu.region"() ({
        %run_scoped3A_415 = tpu.sem_alloc : memref<!tpu.dma_semaphore, #tpu.memory_space<semaphore_mem>>
        %dma_start3A_416 = arith.constant 0 : i32
        %dma_start3A_417 = tpu.memref_slice %arg3[%add3A_96, %dma_start3A_416] : memref<2560x128xi32, #tpu.memory_space<hbm>> -> memref<8x128xi32, #tpu.memory_space<hbm>>
        %dma_start3A_418 = arith.constant 0 : i32
        %dma_start3A_419 = tpu.memref_slice %arg3[%add3A_96, %dma_start3A_418] : memref<2560x128xi32, #tpu.memory_space<hbm>> -> memref<8x128xi32, #tpu.memory_space<hbm>>
        tpu.enqueue_dma source(%dma_start3A_419 : memref<8x128xi32, #tpu.memory_space<hbm>>) target(%arg7 : memref<8x128xi32, #tpu.memory_space<vmem>>) target_semaphore(%run_scoped3A_415 : memref<!tpu.dma_semaphore, #tpu.memory_space<semaphore_mem>>)
        %dma_wait3A_420 = arith.constant 0 : i32
        %dma_wait3A_421 = tpu.memref_slice %arg3[%add3A_96, %dma_wait3A_420] : memref<2560x128xi32, #tpu.memory_space<hbm>> -> memref<8x128xi32, #tpu.memory_space<hbm>>
        %dma_wait3A_422 = arith.constant 0 : i32
        %dma_wait3A_423 = tpu.memref_slice %arg3[%add3A_96, %dma_wait3A_422] : memref<2560x128xi32, #tpu.memory_space<hbm>> -> memref<8x128xi32, #tpu.memory_space<hbm>>
        tpu.wait_dma2 semaphore(%run_scoped3A_415 : memref<!tpu.dma_semaphore, #tpu.memory_space<semaphore_mem>>) src(%dma_wait3A_423 : memref<8x128xi32, #tpu.memory_space<hbm>>) dst(%arg7 : memref<8x128xi32, #tpu.memory_space<vmem>>)
        tpu.yield
      }) : () -> ()
      "tpu.region"() ({
        %run_scoped3A_415 = tpu.sem_alloc : memref<!tpu.dma_semaphore, #tpu.memory_space<semaphore_mem>>
        %dma_start3A_416 = arith.constant 0 : i32
        %dma_start3A_417 = tpu.memref_slice %arg4[%add3A_96, %dma_start3A_416] : memref<2560x128xi32, #tpu.memory_space<hbm>> -> memref<8x128xi32, #tpu.memory_space<hbm>>
        %dma_start3A_418 = arith.constant 0 : i32
        %dma_start3A_419 = tpu.memref_slice %arg4[%add3A_96, %dma_start3A_418] : memref<2560x128xi32, #tpu.memory_space<hbm>> -> memref<8x128xi32, #tpu.memory_space<hbm>>
        tpu.enqueue_dma source(%dma_start3A_419 : memref<8x128xi32, #tpu.memory_space<hbm>>) target(%arg8 : memref<8x128xi32, #tpu.memory_space<vmem>>) target_semaphore(%run_scoped3A_415 : memref<!tpu.dma_semaphore, #tpu.memory_space<semaphore_mem>>)
        %dma_wait3A_420 = arith.constant 0 : i32
        %dma_wait3A_421 = tpu.memref_slice %arg4[%add3A_96, %dma_wait3A_420] : memref<2560x128xi32, #tpu.memory_space<hbm>> -> memref<8x128xi32, #tpu.memory_space<hbm>>
        %dma_wait3A_422 = arith.constant 0 : i32
        %dma_wait3A_423 = tpu.memref_slice %arg4[%add3A_96, %dma_wait3A_422] : memref<2560x128xi32, #tpu.memory_space<hbm>> -> memref<8x128xi32, #tpu.memory_space<hbm>>
        tpu.wait_dma2 semaphore(%run_scoped3A_415 : memref<!tpu.dma_semaphore, #tpu.memory_space<semaphore_mem>>) src(%dma_wait3A_423 : memref<8x128xi32, #tpu.memory_space<hbm>>) dst(%arg8 : memref<8x128xi32, #tpu.memory_space<vmem>>)
        tpu.yield
      }) : () -> ()
      %dma_start3A = arith.constant 0 : i32
      %dma_start3A_97 = arith.constant 0 : i32
      %dma_start3A_98 = tpu.memref_slice %arg7[%dma_start3A, %dma_start3A_97] : memref<8x128xi32, #tpu.memory_space<vmem>> -> memref<1x128xi32, #tpu.memory_space<vmem>>
      %dma_start3A_99 = tpu.memref_squeeze %dma_start3A_98 : memref<1x128xi32, #tpu.memory_space<vmem>> -> memref<128xi32, #tpu.memory_space<vmem>>
      %dma_start3A_100 = arith.constant 0 : i32
      %dma_start3A_101 = arith.constant 0 : i32
      %dma_start3A_102 = tpu.memref_slice %arg2[%dma_start3A_100, %dma_start3A_101] : memref<10240x128xf32, #tpu.memory_space<hbm>> -> memref<10240x128xf32, #tpu.memory_space<hbm>>
      tpu.enqueue_indirect_dma source(%dma_start3A_102 : memref<10240x128xf32, #tpu.memory_space<hbm>>) target(%arg11 : memref<128x128xf32, #tpu.memory_space<vmem>>) offsets(%dma_start3A_99 : memref<128xi32, #tpu.memory_space<vmem>>) semaphore(%arg15 : memref<!tpu.dma_semaphore, #tpu.memory_space<semaphore_mem>>)
      %dma_start3A_103 = arith.constant 1 : i32
      %dma_start3A_104 = arith.constant 0 : i32
      %dma_start3A_105 = tpu.memref_slice %arg7[%dma_start3A_103, %dma_start3A_104] : memref<8x128xi32, #tpu.memory_space<vmem>> -> memref<1x128xi32, #tpu.memory_space<vmem>>
      %dma_start3A_106 = tpu.memref_squeeze %dma_start3A_105 : memref<1x128xi32, #tpu.memory_space<vmem>> -> memref<128xi32, #tpu.memory_space<vmem>>
      %dma_start3A_107 = arith.constant 0 : i32
      %dma_start3A_108 = arith.constant 0 : i32
      %dma_start3A_109 = tpu.memref_slice %arg2[%dma_start3A_107, %dma_start3A_108] : memref<10240x128xf32, #tpu.memory_space<hbm>> -> memref<10240x128xf32, #tpu.memory_space<hbm>>
      tpu.enqueue_indirect_dma source(%dma_start3A_109 : memref<10240x128xf32, #tpu.memory_space<hbm>>) target(%arg12 : memref<128x128xf32, #tpu.memory_space<vmem>>) offsets(%dma_start3A_106 : memref<128xi32, #tpu.memory_space<vmem>>) semaphore(%arg16 : memref<!tpu.dma_semaphore, #tpu.memory_space<semaphore_mem>>)
      %dma_wait3A = arith.constant 0 : i32
      %dma_wait3A_110 = arith.constant 0 : i32
      %dma_wait3A_111 = tpu.memref_slice %arg7[%dma_wait3A, %dma_wait3A_110] : memref<8x128xi32, #tpu.memory_space<vmem>> -> memref<1x128xi32, #tpu.memory_space<vmem>>
      %dma_wait3A_112 = tpu.memref_squeeze %dma_wait3A_111 : memref<1x128xi32, #tpu.memory_space<vmem>> -> memref<128xi32, #tpu.memory_space<vmem>>
      %dma_wait3A_113 = arith.constant 0 : i32
      %dma_wait3A_114 = arith.constant 0 : i32
      %dma_wait3A_115 = tpu.memref_slice %arg2[%dma_wait3A_113, %dma_wait3A_114] : memref<10240x128xf32, #tpu.memory_space<hbm>> -> memref<10240x128xf32, #tpu.memory_space<hbm>>
      tpu.wait_indirect_dma semaphore(%arg15 : memref<!tpu.dma_semaphore, #tpu.memory_space<semaphore_mem>>) src(%dma_wait3A_115 : memref<10240x128xf32, #tpu.memory_space<hbm>>) dst(%arg11 : memref<128x128xf32, #tpu.memory_space<vmem>>)
      %dma_start3A_116 = arith.constant 0 : i32
      %dma_start3A_117 = arith.constant 0 : i32
      %dma_start3A_118 = tpu.memref_slice %arg8[%dma_start3A_116, %dma_start3A_117] : memref<8x128xi32, #tpu.memory_space<vmem>> -> memref<1x128xi32, #tpu.memory_space<vmem>>
      %dma_start3A_119 = tpu.memref_squeeze %dma_start3A_118 : memref<1x128xi32, #tpu.memory_space<vmem>> -> memref<128xi32, #tpu.memory_space<vmem>>
      %dma_start3A_120 = arith.constant 0 : i32
      %dma_start3A_121 = arith.constant 0 : i32
      %dma_start3A_122 = tpu.memref_slice %arg10[%dma_start3A_120, %dma_start3A_121] : memref<10240x128xf32, #tpu.memory_space<vmem_shared>> -> memref<10240x128xf32, #tpu.memory_space<vmem_shared>>
      tpu.enqueue_indirect_dma source(%arg11 : memref<128x128xf32, #tpu.memory_space<vmem>>) target(%dma_start3A_122 : memref<10240x128xf32, #tpu.memory_space<vmem_shared>>) offsets(%dma_start3A_119 : memref<128xi32, #tpu.memory_space<vmem>>) semaphore(%arg17 : memref<!tpu.dma_semaphore, #tpu.memory_space<semaphore_mem>>) {add = true}
      %dma_start3A_123 = arith.constant 0 : i32
      %dma_start3A_124 = arith.constant 0 : i32
      %dma_start3A_125 = tpu.memref_slice %arg8[%dma_start3A_123, %dma_start3A_124] : memref<8x128xi32, #tpu.memory_space<vmem>> -> memref<1x128xi32, #tpu.memory_space<vmem>>
      %dma_start3A_126 = tpu.memref_squeeze %dma_start3A_125 : memref<1x128xi32, #tpu.memory_space<vmem>> -> memref<128xi32, #tpu.memory_space<vmem>>
      %dma_start3A_127 = arith.constant 0 : i32
      %dma_start3A_128 = tpu.memref_slice %arg14[%dma_start3A_127] : memref<10240xf32, #tpu.memory_space<vmem_shared>> -> memref<10240xf32, #tpu.memory_space<vmem_shared>>
      tpu.enqueue_indirect_dma source(%arg13 : memref<128xf32, #tpu.memory_space<vmem>>) target(%dma_start3A_128 : memref<10240xf32, #tpu.memory_space<vmem_shared>>) offsets(%dma_start3A_126 : memref<128xi32, #tpu.memory_space<vmem>>) semaphore(%arg19 : memref<!tpu.dma_semaphore, #tpu.memory_space<semaphore_mem>>) {add = true}
      %dma_wait3A_129 = arith.constant 0 : i32
      %dma_wait3A_130 = arith.constant 0 : i32
      %dma_wait3A_131 = tpu.memref_slice %arg8[%dma_wait3A_129, %dma_wait3A_130] : memref<8x128xi32, #tpu.memory_space<vmem>> -> memref<1x128xi32, #tpu.memory_space<vmem>>
      %dma_wait3A_132 = tpu.memref_squeeze %dma_wait3A_131 : memref<1x128xi32, #tpu.memory_space<vmem>> -> memref<128xi32, #tpu.memory_space<vmem>>
      %dma_wait3A_133 = arith.constant 0 : i32
      %dma_wait3A_134 = arith.constant 0 : i32
      %dma_wait3A_135 = tpu.memref_slice %arg10[%dma_wait3A_133, %dma_wait3A_134] : memref<10240x128xf32, #tpu.memory_space<vmem_shared>> -> memref<10240x128xf32, #tpu.memory_space<vmem_shared>>
      tpu.wait_indirect_dma semaphore(%arg17 : memref<!tpu.dma_semaphore, #tpu.memory_space<semaphore_mem>>) src(%arg11 : memref<128x128xf32, #tpu.memory_space<vmem>>) dst(%dma_wait3A_135 : memref<10240x128xf32, #tpu.memory_space<vmem_shared>>)
      %dma_start3A_136 = arith.constant 2 : i32
      %dma_start3A_137 = arith.constant 0 : i32
      %dma_start3A_138 = tpu.memref_slice %arg7[%dma_start3A_136, %dma_start3A_137] : memref<8x128xi32, #tpu.memory_space<vmem>> -> memref<1x128xi32, #tpu.memory_space<vmem>>
      %dma_start3A_139 = tpu.memref_squeeze %dma_start3A_138 : memref<1x128xi32, #tpu.memory_space<vmem>> -> memref<128xi32, #tpu.memory_space<vmem>>
      %dma_start3A_140 = arith.constant 0 : i32
      %dma_start3A_141 = arith.constant 0 : i32
      %dma_start3A_142 = tpu.memref_slice %arg2[%dma_start3A_140, %dma_start3A_141] : memref<10240x128xf32, #tpu.memory_space<hbm>> -> memref<10240x128xf32, #tpu.memory_space<hbm>>
      tpu.enqueue_indirect_dma source(%dma_start3A_142 : memref<10240x128xf32, #tpu.memory_space<hbm>>) target(%arg11 : memref<128x128xf32, #tpu.memory_space<vmem>>) offsets(%dma_start3A_139 : memref<128xi32, #tpu.memory_space<vmem>>) semaphore(%arg15 : memref<!tpu.dma_semaphore, #tpu.memory_space<semaphore_mem>>)
      %dma_wait3A_143 = arith.constant 1 : i32
      %dma_wait3A_144 = arith.constant 0 : i32
      %dma_wait3A_145 = tpu.memref_slice %arg7[%dma_wait3A_143, %dma_wait3A_144] : memref<8x128xi32, #tpu.memory_space<vmem>> -> memref<1x128xi32, #tpu.memory_space<vmem>>
      %dma_wait3A_146 = tpu.memref_squeeze %dma_wait3A_145 : memref<1x128xi32, #tpu.memory_space<vmem>> -> memref<128xi32, #tpu.memory_space<vmem>>
      %dma_wait3A_147 = arith.constant 0 : i32
      %dma_wait3A_148 = arith.constant 0 : i32
      %dma_wait3A_149 = tpu.memref_slice %arg2[%dma_wait3A_147, %dma_wait3A_148] : memref<10240x128xf32, #tpu.memory_space<hbm>> -> memref<10240x128xf32, #tpu.memory_space<hbm>>
      tpu.wait_indirect_dma semaphore(%arg16 : memref<!tpu.dma_semaphore, #tpu.memory_space<semaphore_mem>>) src(%dma_wait3A_149 : memref<10240x128xf32, #tpu.memory_space<hbm>>) dst(%arg12 : memref<128x128xf32, #tpu.memory_space<vmem>>)
      %dma_start3A_150 = arith.constant 1 : i32
      %dma_start3A_151 = arith.constant 0 : i32
      %dma_start3A_152 = tpu.memref_slice %arg8[%dma_start3A_150, %dma_start3A_151] : memref<8x128xi32, #tpu.memory_space<vmem>> -> memref<1x128xi32, #tpu.memory_space<vmem>>
      %dma_start3A_153 = tpu.memref_squeeze %dma_start3A_152 : memref<1x128xi32, #tpu.memory_space<vmem>> -> memref<128xi32, #tpu.memory_space<vmem>>
      %dma_start3A_154 = arith.constant 0 : i32
      %dma_start3A_155 = arith.constant 0 : i32
      %dma_start3A_156 = tpu.memref_slice %arg10[%dma_start3A_154, %dma_start3A_155] : memref<10240x128xf32, #tpu.memory_space<vmem_shared>> -> memref<10240x128xf32, #tpu.memory_space<vmem_shared>>
      tpu.enqueue_indirect_dma source(%arg12 : memref<128x128xf32, #tpu.memory_space<vmem>>) target(%dma_start3A_156 : memref<10240x128xf32, #tpu.memory_space<vmem_shared>>) offsets(%dma_start3A_153 : memref<128xi32, #tpu.memory_space<vmem>>) semaphore(%arg18 : memref<!tpu.dma_semaphore, #tpu.memory_space<semaphore_mem>>) {add = true}
      %dma_start3A_157 = arith.constant 1 : i32
      %dma_start3A_158 = arith.constant 0 : i32
      %dma_start3A_159 = tpu.memref_slice %arg8[%dma_start3A_157, %dma_start3A_158] : memref<8x128xi32, #tpu.memory_space<vmem>> -> memref<1x128xi32, #tpu.memory_space<vmem>>
      %dma_start3A_160 = tpu.memref_squeeze %dma_start3A_159 : memref<1x128xi32, #tpu.memory_space<vmem>> -> memref<128xi32, #tpu.memory_space<vmem>>
      %dma_start3A_161 = arith.constant 0 : i32
      %dma_start3A_162 = tpu.memref_slice %arg14[%dma_start3A_161] : memref<10240xf32, #tpu.memory_space<vmem_shared>> -> memref<10240xf32, #tpu.memory_space<vmem_shared>>
      tpu.enqueue_indirect_dma source(%arg13 : memref<128xf32, #tpu.memory_space<vmem>>) target(%dma_start3A_162 : memref<10240xf32, #tpu.memory_space<vmem_shared>>) offsets(%dma_start3A_160 : memref<128xi32, #tpu.memory_space<vmem>>) semaphore(%arg19 : memref<!tpu.dma_semaphore, #tpu.memory_space<semaphore_mem>>) {add = true}
      %dma_wait3A_163 = arith.constant 1 : i32
      %dma_wait3A_164 = arith.constant 0 : i32
      %dma_wait3A_165 = tpu.memref_slice %arg8[%dma_wait3A_163, %dma_wait3A_164] : memref<8x128xi32, #tpu.memory_space<vmem>> -> memref<1x128xi32, #tpu.memory_space<vmem>>
      %dma_wait3A_166 = tpu.memref_squeeze %dma_wait3A_165 : memref<1x128xi32, #tpu.memory_space<vmem>> -> memref<128xi32, #tpu.memory_space<vmem>>
      %dma_wait3A_167 = arith.constant 0 : i32
      %dma_wait3A_168 = arith.constant 0 : i32
      %dma_wait3A_169 = tpu.memref_slice %arg10[%dma_wait3A_167, %dma_wait3A_168] : memref<10240x128xf32, #tpu.memory_space<vmem_shared>> -> memref<10240x128xf32, #tpu.memory_space<vmem_shared>>
      tpu.wait_indirect_dma semaphore(%arg18 : memref<!tpu.dma_semaphore, #tpu.memory_space<semaphore_mem>>) src(%arg12 : memref<128x128xf32, #tpu.memory_space<vmem>>) dst(%dma_wait3A_169 : memref<10240x128xf32, #tpu.memory_space<vmem_shared>>)
      %dma_start3A_170 = arith.constant 3 : i32
      %dma_start3A_171 = arith.constant 0 : i32
      %dma_start3A_172 = tpu.memref_slice %arg7[%dma_start3A_170, %dma_start3A_171] : memref<8x128xi32, #tpu.memory_space<vmem>> -> memref<1x128xi32, #tpu.memory_space<vmem>>
      %dma_start3A_173 = tpu.memref_squeeze %dma_start3A_172 : memref<1x128xi32, #tpu.memory_space<vmem>> -> memref<128xi32, #tpu.memory_space<vmem>>
      %dma_start3A_174 = arith.constant 0 : i32
      %dma_start3A_175 = arith.constant 0 : i32
      %dma_start3A_176 = tpu.memref_slice %arg2[%dma_start3A_174, %dma_start3A_175] : memref<10240x128xf32, #tpu.memory_space<hbm>> -> memref<10240x128xf32, #tpu.memory_space<hbm>>
      tpu.enqueue_indirect_dma source(%dma_start3A_176 : memref<10240x128xf32, #tpu.memory_space<hbm>>) target(%arg12 : memref<128x128xf32, #tpu.memory_space<vmem>>) offsets(%dma_start3A_173 : memref<128xi32, #tpu.memory_space<vmem>>) semaphore(%arg16 : memref<!tpu.dma_semaphore, #tpu.memory_space<semaphore_mem>>)
      %dma_wait3A_177 = arith.constant 2 : i32
      %dma_wait3A_178 = arith.constant 0 : i32
      %dma_wait3A_179 = tpu.memref_slice %arg7[%dma_wait3A_177, %dma_wait3A_178] : memref<8x128xi32, #tpu.memory_space<vmem>> -> memref<1x128xi32, #tpu.memory_space<vmem>>
      %dma_wait3A_180 = tpu.memref_squeeze %dma_wait3A_179 : memref<1x128xi32, #tpu.memory_space<vmem>> -> memref<128xi32, #tpu.memory_space<vmem>>
      %dma_wait3A_181 = arith.constant 0 : i32
      %dma_wait3A_182 = arith.constant 0 : i32
      %dma_wait3A_183 = tpu.memref_slice %arg2[%dma_wait3A_181, %dma_wait3A_182] : memref<10240x128xf32, #tpu.memory_space<hbm>> -> memref<10240x128xf32, #tpu.memory_space<hbm>>
      tpu.wait_indirect_dma semaphore(%arg15 : memref<!tpu.dma_semaphore, #tpu.memory_space<semaphore_mem>>) src(%dma_wait3A_183 : memref<10240x128xf32, #tpu.memory_space<hbm>>) dst(%arg11 : memref<128x128xf32, #tpu.memory_space<vmem>>)
      %dma_start3A_184 = arith.constant 2 : i32
      %dma_start3A_185 = arith.constant 0 : i32
      %dma_start3A_186 = tpu.memref_slice %arg8[%dma_start3A_184, %dma_start3A_185] : memref<8x128xi32, #tpu.memory_space<vmem>> -> memref<1x128xi32, #tpu.memory_space<vmem>>
      %dma_start3A_187 = tpu.memref_squeeze %dma_start3A_186 : memref<1x128xi32, #tpu.memory_space<vmem>> -> memref<128xi32, #tpu.memory_space<vmem>>
      %dma_start3A_188 = arith.constant 0 : i32
      %dma_start3A_189 = arith.constant 0 : i32
      %dma_start3A_190 = tpu.memref_slice %arg10[%dma_start3A_188, %dma_start3A_189] : memref<10240x128xf32, #tpu.memory_space<vmem_shared>> -> memref<10240x128xf32, #tpu.memory_space<vmem_shared>>
      tpu.enqueue_indirect_dma source(%arg11 : memref<128x128xf32, #tpu.memory_space<vmem>>) target(%dma_start3A_190 : memref<10240x128xf32, #tpu.memory_space<vmem_shared>>) offsets(%dma_start3A_187 : memref<128xi32, #tpu.memory_space<vmem>>) semaphore(%arg17 : memref<!tpu.dma_semaphore, #tpu.memory_space<semaphore_mem>>) {add = true}
      %dma_start3A_191 = arith.constant 2 : i32
      %dma_start3A_192 = arith.constant 0 : i32
      %dma_start3A_193 = tpu.memref_slice %arg8[%dma_start3A_191, %dma_start3A_192] : memref<8x128xi32, #tpu.memory_space<vmem>> -> memref<1x128xi32, #tpu.memory_space<vmem>>
      %dma_start3A_194 = tpu.memref_squeeze %dma_start3A_193 : memref<1x128xi32, #tpu.memory_space<vmem>> -> memref<128xi32, #tpu.memory_space<vmem>>
      %dma_start3A_195 = arith.constant 0 : i32
      %dma_start3A_196 = tpu.memref_slice %arg14[%dma_start3A_195] : memref<10240xf32, #tpu.memory_space<vmem_shared>> -> memref<10240xf32, #tpu.memory_space<vmem_shared>>
      tpu.enqueue_indirect_dma source(%arg13 : memref<128xf32, #tpu.memory_space<vmem>>) target(%dma_start3A_196 : memref<10240xf32, #tpu.memory_space<vmem_shared>>) offsets(%dma_start3A_194 : memref<128xi32, #tpu.memory_space<vmem>>) semaphore(%arg19 : memref<!tpu.dma_semaphore, #tpu.memory_space<semaphore_mem>>) {add = true}
      %dma_wait3A_197 = arith.constant 2 : i32
      %dma_wait3A_198 = arith.constant 0 : i32
      %dma_wait3A_199 = tpu.memref_slice %arg8[%dma_wait3A_197, %dma_wait3A_198] : memref<8x128xi32, #tpu.memory_space<vmem>> -> memref<1x128xi32, #tpu.memory_space<vmem>>
      %dma_wait3A_200 = tpu.memref_squeeze %dma_wait3A_199 : memref<1x128xi32, #tpu.memory_space<vmem>> -> memref<128xi32, #tpu.memory_space<vmem>>
      %dma_wait3A_201 = arith.constant 0 : i32
      %dma_wait3A_202 = arith.constant 0 : i32
      %dma_wait3A_203 = tpu.memref_slice %arg10[%dma_wait3A_201, %dma_wait3A_202] : memref<10240x128xf32, #tpu.memory_space<vmem_shared>> -> memref<10240x128xf32, #tpu.memory_space<vmem_shared>>
      tpu.wait_indirect_dma semaphore(%arg17 : memref<!tpu.dma_semaphore, #tpu.memory_space<semaphore_mem>>) src(%arg11 : memref<128x128xf32, #tpu.memory_space<vmem>>) dst(%dma_wait3A_203 : memref<10240x128xf32, #tpu.memory_space<vmem_shared>>)
      %dma_start3A_204 = arith.constant 4 : i32
      %dma_start3A_205 = arith.constant 0 : i32
      %dma_start3A_206 = tpu.memref_slice %arg7[%dma_start3A_204, %dma_start3A_205] : memref<8x128xi32, #tpu.memory_space<vmem>> -> memref<1x128xi32, #tpu.memory_space<vmem>>
      %dma_start3A_207 = tpu.memref_squeeze %dma_start3A_206 : memref<1x128xi32, #tpu.memory_space<vmem>> -> memref<128xi32, #tpu.memory_space<vmem>>
      %dma_start3A_208 = arith.constant 0 : i32
      %dma_start3A_209 = arith.constant 0 : i32
      %dma_start3A_210 = tpu.memref_slice %arg2[%dma_start3A_208, %dma_start3A_209] : memref<10240x128xf32, #tpu.memory_space<hbm>> -> memref<10240x128xf32, #tpu.memory_space<hbm>>
      tpu.enqueue_indirect_dma source(%dma_start3A_210 : memref<10240x128xf32, #tpu.memory_space<hbm>>) target(%arg11 : memref<128x128xf32, #tpu.memory_space<vmem>>) offsets(%dma_start3A_207 : memref<128xi32, #tpu.memory_space<vmem>>) semaphore(%arg15 : memref<!tpu.dma_semaphore, #tpu.memory_space<semaphore_mem>>)
      %dma_wait3A_211 = arith.constant 3 : i32
      %dma_wait3A_212 = arith.constant 0 : i32
      %dma_wait3A_213 = tpu.memref_slice %arg7[%dma_wait3A_211, %dma_wait3A_212] : memref<8x128xi32, #tpu.memory_space<vmem>> -> memref<1x128xi32, #tpu.memory_space<vmem>>
      %dma_wait3A_214 = tpu.memref_squeeze %dma_wait3A_213 : memref<1x128xi32, #tpu.memory_space<vmem>> -> memref<128xi32, #tpu.memory_space<vmem>>
      %dma_wait3A_215 = arith.constant 0 : i32
      %dma_wait3A_216 = arith.constant 0 : i32
      %dma_wait3A_217 = tpu.memref_slice %arg2[%dma_wait3A_215, %dma_wait3A_216] : memref<10240x128xf32, #tpu.memory_space<hbm>> -> memref<10240x128xf32, #tpu.memory_space<hbm>>
      tpu.wait_indirect_dma semaphore(%arg16 : memref<!tpu.dma_semaphore, #tpu.memory_space<semaphore_mem>>) src(%dma_wait3A_217 : memref<10240x128xf32, #tpu.memory_space<hbm>>) dst(%arg12 : memref<128x128xf32, #tpu.memory_space<vmem>>)
      %dma_start3A_218 = arith.constant 3 : i32
      %dma_start3A_219 = arith.constant 0 : i32
      %dma_start3A_220 = tpu.memref_slice %arg8[%dma_start3A_218, %dma_start3A_219] : memref<8x128xi32, #tpu.memory_space<vmem>> -> memref<1x128xi32, #tpu.memory_space<vmem>>
      %dma_start3A_221 = tpu.memref_squeeze %dma_start3A_220 : memref<1x128xi32, #tpu.memory_space<vmem>> -> memref<128xi32, #tpu.memory_space<vmem>>
      %dma_start3A_222 = arith.constant 0 : i32
      %dma_start3A_223 = arith.constant 0 : i32
      %dma_start3A_224 = tpu.memref_slice %arg10[%dma_start3A_222, %dma_start3A_223] : memref<10240x128xf32, #tpu.memory_space<vmem_shared>> -> memref<10240x128xf32, #tpu.memory_space<vmem_shared>>
      tpu.enqueue_indirect_dma source(%arg12 : memref<128x128xf32, #tpu.memory_space<vmem>>) target(%dma_start3A_224 : memref<10240x128xf32, #tpu.memory_space<vmem_shared>>) offsets(%dma_start3A_221 : memref<128xi32, #tpu.memory_space<vmem>>) semaphore(%arg18 : memref<!tpu.dma_semaphore, #tpu.memory_space<semaphore_mem>>) {add = true}
      %dma_start3A_225 = arith.constant 3 : i32
      %dma_start3A_226 = arith.constant 0 : i32
      %dma_start3A_227 = tpu.memref_slice %arg8[%dma_start3A_225, %dma_start3A_226] : memref<8x128xi32, #tpu.memory_space<vmem>> -> memref<1x128xi32, #tpu.memory_space<vmem>>
      %dma_start3A_228 = tpu.memref_squeeze %dma_start3A_227 : memref<1x128xi32, #tpu.memory_space<vmem>> -> memref<128xi32, #tpu.memory_space<vmem>>
      %dma_start3A_229 = arith.constant 0 : i32
      %dma_start3A_230 = tpu.memref_slice %arg14[%dma_start3A_229] : memref<10240xf32, #tpu.memory_space<vmem_shared>> -> memref<10240xf32, #tpu.memory_space<vmem_shared>>
      tpu.enqueue_indirect_dma source(%arg13 : memref<128xf32, #tpu.memory_space<vmem>>) target(%dma_start3A_230 : memref<10240xf32, #tpu.memory_space<vmem_shared>>) offsets(%dma_start3A_228 : memref<128xi32, #tpu.memory_space<vmem>>) semaphore(%arg19 : memref<!tpu.dma_semaphore, #tpu.memory_space<semaphore_mem>>) {add = true}
      %dma_wait3A_231 = arith.constant 3 : i32
      %dma_wait3A_232 = arith.constant 0 : i32
      %dma_wait3A_233 = tpu.memref_slice %arg8[%dma_wait3A_231, %dma_wait3A_232] : memref<8x128xi32, #tpu.memory_space<vmem>> -> memref<1x128xi32, #tpu.memory_space<vmem>>
      %dma_wait3A_234 = tpu.memref_squeeze %dma_wait3A_233 : memref<1x128xi32, #tpu.memory_space<vmem>> -> memref<128xi32, #tpu.memory_space<vmem>>
      %dma_wait3A_235 = arith.constant 0 : i32
      %dma_wait3A_236 = arith.constant 0 : i32
      %dma_wait3A_237 = tpu.memref_slice %arg10[%dma_wait3A_235, %dma_wait3A_236] : memref<10240x128xf32, #tpu.memory_space<vmem_shared>> -> memref<10240x128xf32, #tpu.memory_space<vmem_shared>>
      tpu.wait_indirect_dma semaphore(%arg18 : memref<!tpu.dma_semaphore, #tpu.memory_space<semaphore_mem>>) src(%arg12 : memref<128x128xf32, #tpu.memory_space<vmem>>) dst(%dma_wait3A_237 : memref<10240x128xf32, #tpu.memory_space<vmem_shared>>)
      %dma_start3A_238 = arith.constant 5 : i32
      %dma_start3A_239 = arith.constant 0 : i32
      %dma_start3A_240 = tpu.memref_slice %arg7[%dma_start3A_238, %dma_start3A_239] : memref<8x128xi32, #tpu.memory_space<vmem>> -> memref<1x128xi32, #tpu.memory_space<vmem>>
      %dma_start3A_241 = tpu.memref_squeeze %dma_start3A_240 : memref<1x128xi32, #tpu.memory_space<vmem>> -> memref<128xi32, #tpu.memory_space<vmem>>
      %dma_start3A_242 = arith.constant 0 : i32
      %dma_start3A_243 = arith.constant 0 : i32
      %dma_start3A_244 = tpu.memref_slice %arg2[%dma_start3A_242, %dma_start3A_243] : memref<10240x128xf32, #tpu.memory_space<hbm>> -> memref<10240x128xf32, #tpu.memory_space<hbm>>
      tpu.enqueue_indirect_dma source(%dma_start3A_244 : memref<10240x128xf32, #tpu.memory_space<hbm>>) target(%arg12 : memref<128x128xf32, #tpu.memory_space<vmem>>) offsets(%dma_start3A_241 : memref<128xi32, #tpu.memory_space<vmem>>) semaphore(%arg16 : memref<!tpu.dma_semaphore, #tpu.memory_space<semaphore_mem>>)
      %dma_wait3A_245 = arith.constant 4 : i32
      %dma_wait3A_246 = arith.constant 0 : i32
      %dma_wait3A_247 = tpu.memref_slice %arg7[%dma_wait3A_245, %dma_wait3A_246] : memref<8x128xi32, #tpu.memory_space<vmem>> -> memref<1x128xi32, #tpu.memory_space<vmem>>
      %dma_wait3A_248 = tpu.memref_squeeze %dma_wait3A_247 : memref<1x128xi32, #tpu.memory_space<vmem>> -> memref<128xi32, #tpu.memory_space<vmem>>
      %dma_wait3A_249 = arith.constant 0 : i32
      %dma_wait3A_250 = arith.constant 0 : i32
      %dma_wait3A_251 = tpu.memref_slice %arg2[%dma_wait3A_249, %dma_wait3A_250] : memref<10240x128xf32, #tpu.memory_space<hbm>> -> memref<10240x128xf32, #tpu.memory_space<hbm>>
      tpu.wait_indirect_dma semaphore(%arg15 : memref<!tpu.dma_semaphore, #tpu.memory_space<semaphore_mem>>) src(%dma_wait3A_251 : memref<10240x128xf32, #tpu.memory_space<hbm>>) dst(%arg11 : memref<128x128xf32, #tpu.memory_space<vmem>>)
      %dma_start3A_252 = arith.constant 4 : i32
      %dma_start3A_253 = arith.constant 0 : i32
      %dma_start3A_254 = tpu.memref_slice %arg8[%dma_start3A_252, %dma_start3A_253] : memref<8x128xi32, #tpu.memory_space<vmem>> -> memref<1x128xi32, #tpu.memory_space<vmem>>
      %dma_start3A_255 = tpu.memref_squeeze %dma_start3A_254 : memref<1x128xi32, #tpu.memory_space<vmem>> -> memref<128xi32, #tpu.memory_space<vmem>>
      %dma_start3A_256 = arith.constant 0 : i32
      %dma_start3A_257 = arith.constant 0 : i32
      %dma_start3A_258 = tpu.memref_slice %arg10[%dma_start3A_256, %dma_start3A_257] : memref<10240x128xf32, #tpu.memory_space<vmem_shared>> -> memref<10240x128xf32, #tpu.memory_space<vmem_shared>>
      tpu.enqueue_indirect_dma source(%arg11 : memref<128x128xf32, #tpu.memory_space<vmem>>) target(%dma_start3A_258 : memref<10240x128xf32, #tpu.memory_space<vmem_shared>>) offsets(%dma_start3A_255 : memref<128xi32, #tpu.memory_space<vmem>>) semaphore(%arg17 : memref<!tpu.dma_semaphore, #tpu.memory_space<semaphore_mem>>) {add = true}
      %dma_start3A_259 = arith.constant 4 : i32
      %dma_start3A_260 = arith.constant 0 : i32
      %dma_start3A_261 = tpu.memref_slice %arg8[%dma_start3A_259, %dma_start3A_260] : memref<8x128xi32, #tpu.memory_space<vmem>> -> memref<1x128xi32, #tpu.memory_space<vmem>>
      %dma_start3A_262 = tpu.memref_squeeze %dma_start3A_261 : memref<1x128xi32, #tpu.memory_space<vmem>> -> memref<128xi32, #tpu.memory_space<vmem>>
      %dma_start3A_263 = arith.constant 0 : i32
      %dma_start3A_264 = tpu.memref_slice %arg14[%dma_start3A_263] : memref<10240xf32, #tpu.memory_space<vmem_shared>> -> memref<10240xf32, #tpu.memory_space<vmem_shared>>
      tpu.enqueue_indirect_dma source(%arg13 : memref<128xf32, #tpu.memory_space<vmem>>) target(%dma_start3A_264 : memref<10240xf32, #tpu.memory_space<vmem_shared>>) offsets(%dma_start3A_262 : memref<128xi32, #tpu.memory_space<vmem>>) semaphore(%arg19 : memref<!tpu.dma_semaphore, #tpu.memory_space<semaphore_mem>>) {add = true}
      %dma_wait3A_265 = arith.constant 4 : i32
      %dma_wait3A_266 = arith.constant 0 : i32
      %dma_wait3A_267 = tpu.memref_slice %arg8[%dma_wait3A_265, %dma_wait3A_266] : memref<8x128xi32, #tpu.memory_space<vmem>> -> memref<1x128xi32, #tpu.memory_space<vmem>>
      %dma_wait3A_268 = tpu.memref_squeeze %dma_wait3A_267 : memref<1x128xi32, #tpu.memory_space<vmem>> -> memref<128xi32, #tpu.memory_space<vmem>>
      %dma_wait3A_269 = arith.constant 0 : i32
      %dma_wait3A_270 = arith.constant 0 : i32
      %dma_wait3A_271 = tpu.memref_slice %arg10[%dma_wait3A_269, %dma_wait3A_270] : memref<10240x128xf32, #tpu.memory_space<vmem_shared>> -> memref<10240x128xf32, #tpu.memory_space<vmem_shared>>
      tpu.wait_indirect_dma semaphore(%arg17 : memref<!tpu.dma_semaphore, #tpu.memory_space<semaphore_mem>>) src(%arg11 : memref<128x128xf32, #tpu.memory_space<vmem>>) dst(%dma_wait3A_271 : memref<10240x128xf32, #tpu.memory_space<vmem_shared>>)
      %dma_start3A_272 = arith.constant 6 : i32
      %dma_start3A_273 = arith.constant 0 : i32
      %dma_start3A_274 = tpu.memref_slice %arg7[%dma_start3A_272, %dma_start3A_273] : memref<8x128xi32, #tpu.memory_space<vmem>> -> memref<1x128xi32, #tpu.memory_space<vmem>>
      %dma_start3A_275 = tpu.memref_squeeze %dma_start3A_274 : memref<1x128xi32, #tpu.memory_space<vmem>> -> memref<128xi32, #tpu.memory_space<vmem>>
      %dma_start3A_276 = arith.constant 0 : i32
      %dma_start3A_277 = arith.constant 0 : i32
      %dma_start3A_278 = tpu.memref_slice %arg2[%dma_start3A_276, %dma_start3A_277] : memref<10240x128xf32, #tpu.memory_space<hbm>> -> memref<10240x128xf32, #tpu.memory_space<hbm>>
      tpu.enqueue_indirect_dma source(%dma_start3A_278 : memref<10240x128xf32, #tpu.memory_space<hbm>>) target(%arg11 : memref<128x128xf32, #tpu.memory_space<vmem>>) offsets(%dma_start3A_275 : memref<128xi32, #tpu.memory_space<vmem>>) semaphore(%arg15 : memref<!tpu.dma_semaphore, #tpu.memory_space<semaphore_mem>>)
      %dma_wait3A_279 = arith.constant 5 : i32
      %dma_wait3A_280 = arith.constant 0 : i32
      %dma_wait3A_281 = tpu.memref_slice %arg7[%dma_wait3A_279, %dma_wait3A_280] : memref<8x128xi32, #tpu.memory_space<vmem>> -> memref<1x128xi32, #tpu.memory_space<vmem>>
      %dma_wait3A_282 = tpu.memref_squeeze %dma_wait3A_281 : memref<1x128xi32, #tpu.memory_space<vmem>> -> memref<128xi32, #tpu.memory_space<vmem>>
      %dma_wait3A_283 = arith.constant 0 : i32
      %dma_wait3A_284 = arith.constant 0 : i32
      %dma_wait3A_285 = tpu.memref_slice %arg2[%dma_wait3A_283, %dma_wait3A_284] : memref<10240x128xf32, #tpu.memory_space<hbm>> -> memref<10240x128xf32, #tpu.memory_space<hbm>>
      tpu.wait_indirect_dma semaphore(%arg16 : memref<!tpu.dma_semaphore, #tpu.memory_space<semaphore_mem>>) src(%dma_wait3A_285 : memref<10240x128xf32, #tpu.memory_space<hbm>>) dst(%arg12 : memref<128x128xf32, #tpu.memory_space<vmem>>)
      %dma_start3A_286 = arith.constant 5 : i32
      %dma_start3A_287 = arith.constant 0 : i32
      %dma_start3A_288 = tpu.memref_slice %arg8[%dma_start3A_286, %dma_start3A_287] : memref<8x128xi32, #tpu.memory_space<vmem>> -> memref<1x128xi32, #tpu.memory_space<vmem>>
      %dma_start3A_289 = tpu.memref_squeeze %dma_start3A_288 : memref<1x128xi32, #tpu.memory_space<vmem>> -> memref<128xi32, #tpu.memory_space<vmem>>
      %dma_start3A_290 = arith.constant 0 : i32
      %dma_start3A_291 = arith.constant 0 : i32
      %dma_start3A_292 = tpu.memref_slice %arg10[%dma_start3A_290, %dma_start3A_291] : memref<10240x128xf32, #tpu.memory_space<vmem_shared>> -> memref<10240x128xf32, #tpu.memory_space<vmem_shared>>
      tpu.enqueue_indirect_dma source(%arg12 : memref<128x128xf32, #tpu.memory_space<vmem>>) target(%dma_start3A_292 : memref<10240x128xf32, #tpu.memory_space<vmem_shared>>) offsets(%dma_start3A_289 : memref<128xi32, #tpu.memory_space<vmem>>) semaphore(%arg18 : memref<!tpu.dma_semaphore, #tpu.memory_space<semaphore_mem>>) {add = true}
      %dma_start3A_293 = arith.constant 5 : i32
      %dma_start3A_294 = arith.constant 0 : i32
      %dma_start3A_295 = tpu.memref_slice %arg8[%dma_start3A_293, %dma_start3A_294] : memref<8x128xi32, #tpu.memory_space<vmem>> -> memref<1x128xi32, #tpu.memory_space<vmem>>
      %dma_start3A_296 = tpu.memref_squeeze %dma_start3A_295 : memref<1x128xi32, #tpu.memory_space<vmem>> -> memref<128xi32, #tpu.memory_space<vmem>>
      %dma_start3A_297 = arith.constant 0 : i32
      %dma_start3A_298 = tpu.memref_slice %arg14[%dma_start3A_297] : memref<10240xf32, #tpu.memory_space<vmem_shared>> -> memref<10240xf32, #tpu.memory_space<vmem_shared>>
      tpu.enqueue_indirect_dma source(%arg13 : memref<128xf32, #tpu.memory_space<vmem>>) target(%dma_start3A_298 : memref<10240xf32, #tpu.memory_space<vmem_shared>>) offsets(%dma_start3A_296 : memref<128xi32, #tpu.memory_space<vmem>>) semaphore(%arg19 : memref<!tpu.dma_semaphore, #tpu.memory_space<semaphore_mem>>) {add = true}
      %dma_wait3A_299 = arith.constant 5 : i32
      %dma_wait3A_300 = arith.constant 0 : i32
      %dma_wait3A_301 = tpu.memref_slice %arg8[%dma_wait3A_299, %dma_wait3A_300] : memref<8x128xi32, #tpu.memory_space<vmem>> -> memref<1x128xi32, #tpu.memory_space<vmem>>
      %dma_wait3A_302 = tpu.memref_squeeze %dma_wait3A_301 : memref<1x128xi32, #tpu.memory_space<vmem>> -> memref<128xi32, #tpu.memory_space<vmem>>
      %dma_wait3A_303 = arith.constant 0 : i32
      %dma_wait3A_304 = arith.constant 0 : i32
      %dma_wait3A_305 = tpu.memref_slice %arg10[%dma_wait3A_303, %dma_wait3A_304] : memref<10240x128xf32, #tpu.memory_space<vmem_shared>> -> memref<10240x128xf32, #tpu.memory_space<vmem_shared>>
      tpu.wait_indirect_dma semaphore(%arg18 : memref<!tpu.dma_semaphore, #tpu.memory_space<semaphore_mem>>) src(%arg12 : memref<128x128xf32, #tpu.memory_space<vmem>>) dst(%dma_wait3A_305 : memref<10240x128xf32, #tpu.memory_space<vmem_shared>>)
      %dma_start3A_306 = arith.constant 7 : i32
      %dma_start3A_307 = arith.constant 0 : i32
      %dma_start3A_308 = tpu.memref_slice %arg7[%dma_start3A_306, %dma_start3A_307] : memref<8x128xi32, #tpu.memory_space<vmem>> -> memref<1x128xi32, #tpu.memory_space<vmem>>
      %dma_start3A_309 = tpu.memref_squeeze %dma_start3A_308 : memref<1x128xi32, #tpu.memory_space<vmem>> -> memref<128xi32, #tpu.memory_space<vmem>>
      %dma_start3A_310 = arith.constant 0 : i32
      %dma_start3A_311 = arith.constant 0 : i32
      %dma_start3A_312 = tpu.memref_slice %arg2[%dma_start3A_310, %dma_start3A_311] : memref<10240x128xf32, #tpu.memory_space<hbm>> -> memref<10240x128xf32, #tpu.memory_space<hbm>>
      tpu.enqueue_indirect_dma source(%dma_start3A_312 : memref<10240x128xf32, #tpu.memory_space<hbm>>) target(%arg12 : memref<128x128xf32, #tpu.memory_space<vmem>>) offsets(%dma_start3A_309 : memref<128xi32, #tpu.memory_space<vmem>>) semaphore(%arg16 : memref<!tpu.dma_semaphore, #tpu.memory_space<semaphore_mem>>)
      %dma_wait3A_313 = arith.constant 6 : i32
      %dma_wait3A_314 = arith.constant 0 : i32
      %dma_wait3A_315 = tpu.memref_slice %arg7[%dma_wait3A_313, %dma_wait3A_314] : memref<8x128xi32, #tpu.memory_space<vmem>> -> memref<1x128xi32, #tpu.memory_space<vmem>>
      %dma_wait3A_316 = tpu.memref_squeeze %dma_wait3A_315 : memref<1x128xi32, #tpu.memory_space<vmem>> -> memref<128xi32, #tpu.memory_space<vmem>>
      %dma_wait3A_317 = arith.constant 0 : i32
      %dma_wait3A_318 = arith.constant 0 : i32
      %dma_wait3A_319 = tpu.memref_slice %arg2[%dma_wait3A_317, %dma_wait3A_318] : memref<10240x128xf32, #tpu.memory_space<hbm>> -> memref<10240x128xf32, #tpu.memory_space<hbm>>
      tpu.wait_indirect_dma semaphore(%arg15 : memref<!tpu.dma_semaphore, #tpu.memory_space<semaphore_mem>>) src(%dma_wait3A_319 : memref<10240x128xf32, #tpu.memory_space<hbm>>) dst(%arg11 : memref<128x128xf32, #tpu.memory_space<vmem>>)
      %dma_start3A_320 = arith.constant 6 : i32
      %dma_start3A_321 = arith.constant 0 : i32
      %dma_start3A_322 = tpu.memref_slice %arg8[%dma_start3A_320, %dma_start3A_321] : memref<8x128xi32, #tpu.memory_space<vmem>> -> memref<1x128xi32, #tpu.memory_space<vmem>>
      %dma_start3A_323 = tpu.memref_squeeze %dma_start3A_322 : memref<1x128xi32, #tpu.memory_space<vmem>> -> memref<128xi32, #tpu.memory_space<vmem>>
      %dma_start3A_324 = arith.constant 0 : i32
      %dma_start3A_325 = arith.constant 0 : i32
      %dma_start3A_326 = tpu.memref_slice %arg10[%dma_start3A_324, %dma_start3A_325] : memref<10240x128xf32, #tpu.memory_space<vmem_shared>> -> memref<10240x128xf32, #tpu.memory_space<vmem_shared>>
      tpu.enqueue_indirect_dma source(%arg11 : memref<128x128xf32, #tpu.memory_space<vmem>>) target(%dma_start3A_326 : memref<10240x128xf32, #tpu.memory_space<vmem_shared>>) offsets(%dma_start3A_323 : memref<128xi32, #tpu.memory_space<vmem>>) semaphore(%arg17 : memref<!tpu.dma_semaphore, #tpu.memory_space<semaphore_mem>>) {add = true}
      %dma_start3A_327 = arith.constant 6 : i32
      %dma_start3A_328 = arith.constant 0 : i32
      %dma_start3A_329 = tpu.memref_slice %arg8[%dma_start3A_327, %dma_start3A_328] : memref<8x128xi32, #tpu.memory_space<vmem>> -> memref<1x128xi32, #tpu.memory_space<vmem>>
      %dma_start3A_330 = tpu.memref_squeeze %dma_start3A_329 : memref<1x128xi32, #tpu.memory_space<vmem>> -> memref<128xi32, #tpu.memory_space<vmem>>
      %dma_start3A_331 = arith.constant 0 : i32
      %dma_start3A_332 = tpu.memref_slice %arg14[%dma_start3A_331] : memref<10240xf32, #tpu.memory_space<vmem_shared>> -> memref<10240xf32, #tpu.memory_space<vmem_shared>>
      tpu.enqueue_indirect_dma source(%arg13 : memref<128xf32, #tpu.memory_space<vmem>>) target(%dma_start3A_332 : memref<10240xf32, #tpu.memory_space<vmem_shared>>) offsets(%dma_start3A_330 : memref<128xi32, #tpu.memory_space<vmem>>) semaphore(%arg19 : memref<!tpu.dma_semaphore, #tpu.memory_space<semaphore_mem>>) {add = true}
      %dma_wait3A_333 = arith.constant 7 : i32
      %dma_wait3A_334 = arith.constant 0 : i32
      %dma_wait3A_335 = tpu.memref_slice %arg7[%dma_wait3A_333, %dma_wait3A_334] : memref<8x128xi32, #tpu.memory_space<vmem>> -> memref<1x128xi32, #tpu.memory_space<vmem>>
      %dma_wait3A_336 = tpu.memref_squeeze %dma_wait3A_335 : memref<1x128xi32, #tpu.memory_space<vmem>> -> memref<128xi32, #tpu.memory_space<vmem>>
      %dma_wait3A_337 = arith.constant 0 : i32
      %dma_wait3A_338 = arith.constant 0 : i32
      %dma_wait3A_339 = tpu.memref_slice %arg2[%dma_wait3A_337, %dma_wait3A_338] : memref<10240x128xf32, #tpu.memory_space<hbm>> -> memref<10240x128xf32, #tpu.memory_space<hbm>>
      tpu.wait_indirect_dma semaphore(%arg16 : memref<!tpu.dma_semaphore, #tpu.memory_space<semaphore_mem>>) src(%dma_wait3A_339 : memref<10240x128xf32, #tpu.memory_space<hbm>>) dst(%arg12 : memref<128x128xf32, #tpu.memory_space<vmem>>)
      %dma_start3A_340 = arith.constant 7 : i32
      %dma_start3A_341 = arith.constant 0 : i32
      %dma_start3A_342 = tpu.memref_slice %arg8[%dma_start3A_340, %dma_start3A_341] : memref<8x128xi32, #tpu.memory_space<vmem>> -> memref<1x128xi32, #tpu.memory_space<vmem>>
      %dma_start3A_343 = tpu.memref_squeeze %dma_start3A_342 : memref<1x128xi32, #tpu.memory_space<vmem>> -> memref<128xi32, #tpu.memory_space<vmem>>
      %dma_start3A_344 = arith.constant 0 : i32
      %dma_start3A_345 = arith.constant 0 : i32
      %dma_start3A_346 = tpu.memref_slice %arg10[%dma_start3A_344, %dma_start3A_345] : memref<10240x128xf32, #tpu.memory_space<vmem_shared>> -> memref<10240x128xf32, #tpu.memory_space<vmem_shared>>
      tpu.enqueue_indirect_dma source(%arg12 : memref<128x128xf32, #tpu.memory_space<vmem>>) target(%dma_start3A_346 : memref<10240x128xf32, #tpu.memory_space<vmem_shared>>) offsets(%dma_start3A_343 : memref<128xi32, #tpu.memory_space<vmem>>) semaphore(%arg18 : memref<!tpu.dma_semaphore, #tpu.memory_space<semaphore_mem>>) {add = true}
      %dma_start3A_347 = arith.constant 7 : i32
      %dma_start3A_348 = arith.constant 0 : i32
      %dma_start3A_349 = tpu.memref_slice %arg8[%dma_start3A_347, %dma_start3A_348] : memref<8x128xi32, #tpu.memory_space<vmem>> -> memref<1x128xi32, #tpu.memory_space<vmem>>
      %dma_start3A_350 = tpu.memref_squeeze %dma_start3A_349 : memref<1x128xi32, #tpu.memory_space<vmem>> -> memref<128xi32, #tpu.memory_space<vmem>>
      %dma_start3A_351 = arith.constant 0 : i32
      %dma_start3A_352 = tpu.memref_slice %arg14[%dma_start3A_351] : memref<10240xf32, #tpu.memory_space<vmem_shared>> -> memref<10240xf32, #tpu.memory_space<vmem_shared>>
      tpu.enqueue_indirect_dma source(%arg13 : memref<128xf32, #tpu.memory_space<vmem>>) target(%dma_start3A_352 : memref<10240xf32, #tpu.memory_space<vmem_shared>>) offsets(%dma_start3A_350 : memref<128xi32, #tpu.memory_space<vmem>>) semaphore(%arg19 : memref<!tpu.dma_semaphore, #tpu.memory_space<semaphore_mem>>) {add = true}
      %dma_wait3A_353 = arith.constant 6 : i32
      %dma_wait3A_354 = arith.constant 0 : i32
      %dma_wait3A_355 = tpu.memref_slice %arg8[%dma_wait3A_353, %dma_wait3A_354] : memref<8x128xi32, #tpu.memory_space<vmem>> -> memref<1x128xi32, #tpu.memory_space<vmem>>
      %dma_wait3A_356 = tpu.memref_squeeze %dma_wait3A_355 : memref<1x128xi32, #tpu.memory_space<vmem>> -> memref<128xi32, #tpu.memory_space<vmem>>
      %dma_wait3A_357 = arith.constant 0 : i32
      %dma_wait3A_358 = arith.constant 0 : i32
      %dma_wait3A_359 = tpu.memref_slice %arg10[%dma_wait3A_357, %dma_wait3A_358] : memref<10240x128xf32, #tpu.memory_space<vmem_shared>> -> memref<10240x128xf32, #tpu.memory_space<vmem_shared>>
      tpu.wait_indirect_dma semaphore(%arg17 : memref<!tpu.dma_semaphore, #tpu.memory_space<semaphore_mem>>) src(%arg11 : memref<128x128xf32, #tpu.memory_space<vmem>>) dst(%dma_wait3A_359 : memref<10240x128xf32, #tpu.memory_space<vmem_shared>>)
      %dma_wait3A_360 = arith.constant 7 : i32
      %dma_wait3A_361 = arith.constant 0 : i32
      %dma_wait3A_362 = tpu.memref_slice %arg8[%dma_wait3A_360, %dma_wait3A_361] : memref<8x128xi32, #tpu.memory_space<vmem>> -> memref<1x128xi32, #tpu.memory_space<vmem>>
      %dma_wait3A_363 = tpu.memref_squeeze %dma_wait3A_362 : memref<1x128xi32, #tpu.memory_space<vmem>> -> memref<128xi32, #tpu.memory_space<vmem>>
      %dma_wait3A_364 = arith.constant 0 : i32
      %dma_wait3A_365 = arith.constant 0 : i32
      %dma_wait3A_366 = tpu.memref_slice %arg10[%dma_wait3A_364, %dma_wait3A_365] : memref<10240x128xf32, #tpu.memory_space<vmem_shared>> -> memref<10240x128xf32, #tpu.memory_space<vmem_shared>>
      tpu.wait_indirect_dma semaphore(%arg18 : memref<!tpu.dma_semaphore, #tpu.memory_space<semaphore_mem>>) src(%arg12 : memref<128x128xf32, #tpu.memory_space<vmem>>) dst(%dma_wait3A_366 : memref<10240x128xf32, #tpu.memory_space<vmem_shared>>)
      %dma_wait3A_367 = arith.constant 0 : i32
      %dma_wait3A_368 = arith.constant 0 : i32
      %dma_wait3A_369 = tpu.memref_slice %arg8[%dma_wait3A_367, %dma_wait3A_368] : memref<8x128xi32, #tpu.memory_space<vmem>> -> memref<1x128xi32, #tpu.memory_space<vmem>>
      %dma_wait3A_370 = tpu.memref_squeeze %dma_wait3A_369 : memref<1x128xi32, #tpu.memory_space<vmem>> -> memref<128xi32, #tpu.memory_space<vmem>>
      %dma_wait3A_371 = arith.constant 0 : i32
      %dma_wait3A_372 = tpu.memref_slice %arg14[%dma_wait3A_371] : memref<10240xf32, #tpu.memory_space<vmem_shared>> -> memref<10240xf32, #tpu.memory_space<vmem_shared>>
      tpu.wait_indirect_dma semaphore(%arg19 : memref<!tpu.dma_semaphore, #tpu.memory_space<semaphore_mem>>) src(%arg13 : memref<128xf32, #tpu.memory_space<vmem>>) dst(%dma_wait3A_372 : memref<10240xf32, #tpu.memory_space<vmem_shared>>)
      %dma_wait3A_373 = arith.constant 1 : i32
      %dma_wait3A_374 = arith.constant 0 : i32
      %dma_wait3A_375 = tpu.memref_slice %arg8[%dma_wait3A_373, %dma_wait3A_374] : memref<8x128xi32, #tpu.memory_space<vmem>> -> memref<1x128xi32, #tpu.memory_space<vmem>>
      %dma_wait3A_376 = tpu.memref_squeeze %dma_wait3A_375 : memref<1x128xi32, #tpu.memory_space<vmem>> -> memref<128xi32, #tpu.memory_space<vmem>>
      %dma_wait3A_377 = arith.constant 0 : i32
      %dma_wait3A_378 = tpu.memref_slice %arg14[%dma_wait3A_377] : memref<10240xf32, #tpu.memory_space<vmem_shared>> -> memref<10240xf32, #tpu.memory_space<vmem_shared>>
      tpu.wait_indirect_dma semaphore(%arg19 : memref<!tpu.dma_semaphore, #tpu.memory_space<semaphore_mem>>) src(%arg13 : memref<128xf32, #tpu.memory_space<vmem>>) dst(%dma_wait3A_378 : memref<10240xf32, #tpu.memory_space<vmem_shared>>)
      %dma_wait3A_379 = arith.constant 2 : i32
      %dma_wait3A_380 = arith.constant 0 : i32
      %dma_wait3A_381 = tpu.memref_slice %arg8[%dma_wait3A_379, %dma_wait3A_380] : memref<8x128xi32, #tpu.memory_space<vmem>> -> memref<1x128xi32, #tpu.memory_space<vmem>>
      %dma_wait3A_382 = tpu.memref_squeeze %dma_wait3A_381 : memref<1x128xi32, #tpu.memory_space<vmem>> -> memref<128xi32, #tpu.memory_space<vmem>>
      %dma_wait3A_383 = arith.constant 0 : i32
      %dma_wait3A_384 = tpu.memref_slice %arg14[%dma_wait3A_383] : memref<10240xf32, #tpu.memory_space<vmem_shared>> -> memref<10240xf32, #tpu.memory_space<vmem_shared>>
      tpu.wait_indirect_dma semaphore(%arg19 : memref<!tpu.dma_semaphore, #tpu.memory_space<semaphore_mem>>) src(%arg13 : memref<128xf32, #tpu.memory_space<vmem>>) dst(%dma_wait3A_384 : memref<10240xf32, #tpu.memory_space<vmem_shared>>)
      %dma_wait3A_385 = arith.constant 3 : i32
      %dma_wait3A_386 = arith.constant 0 : i32
      %dma_wait3A_387 = tpu.memref_slice %arg8[%dma_wait3A_385, %dma_wait3A_386] : memref<8x128xi32, #tpu.memory_space<vmem>> -> memref<1x128xi32, #tpu.memory_space<vmem>>
      %dma_wait3A_388 = tpu.memref_squeeze %dma_wait3A_387 : memref<1x128xi32, #tpu.memory_space<vmem>> -> memref<128xi32, #tpu.memory_space<vmem>>
      %dma_wait3A_389 = arith.constant 0 : i32
      %dma_wait3A_390 = tpu.memref_slice %arg14[%dma_wait3A_389] : memref<10240xf32, #tpu.memory_space<vmem_shared>> -> memref<10240xf32, #tpu.memory_space<vmem_shared>>
      tpu.wait_indirect_dma semaphore(%arg19 : memref<!tpu.dma_semaphore, #tpu.memory_space<semaphore_mem>>) src(%arg13 : memref<128xf32, #tpu.memory_space<vmem>>) dst(%dma_wait3A_390 : memref<10240xf32, #tpu.memory_space<vmem_shared>>)
      %dma_wait3A_391 = arith.constant 4 : i32
      %dma_wait3A_392 = arith.constant 0 : i32
      %dma_wait3A_393 = tpu.memref_slice %arg8[%dma_wait3A_391, %dma_wait3A_392] : memref<8x128xi32, #tpu.memory_space<vmem>> -> memref<1x128xi32, #tpu.memory_space<vmem>>
      %dma_wait3A_394 = tpu.memref_squeeze %dma_wait3A_393 : memref<1x128xi32, #tpu.memory_space<vmem>> -> memref<128xi32, #tpu.memory_space<vmem>>
      %dma_wait3A_395 = arith.constant 0 : i32
      %dma_wait3A_396 = tpu.memref_slice %arg14[%dma_wait3A_395] : memref<10240xf32, #tpu.memory_space<vmem_shared>> -> memref<10240xf32, #tpu.memory_space<vmem_shared>>
      tpu.wait_indirect_dma semaphore(%arg19 : memref<!tpu.dma_semaphore, #tpu.memory_space<semaphore_mem>>) src(%arg13 : memref<128xf32, #tpu.memory_space<vmem>>) dst(%dma_wait3A_396 : memref<10240xf32, #tpu.memory_space<vmem_shared>>)
      %dma_wait3A_397 = arith.constant 5 : i32
      %dma_wait3A_398 = arith.constant 0 : i32
      %dma_wait3A_399 = tpu.memref_slice %arg8[%dma_wait3A_397, %dma_wait3A_398] : memref<8x128xi32, #tpu.memory_space<vmem>> -> memref<1x128xi32, #tpu.memory_space<vmem>>
      %dma_wait3A_400 = tpu.memref_squeeze %dma_wait3A_399 : memref<1x128xi32, #tpu.memory_space<vmem>> -> memref<128xi32, #tpu.memory_space<vmem>>
      %dma_wait3A_401 = arith.constant 0 : i32
      %dma_wait3A_402 = tpu.memref_slice %arg14[%dma_wait3A_401] : memref<10240xf32, #tpu.memory_space<vmem_shared>> -> memref<10240xf32, #tpu.memory_space<vmem_shared>>
      tpu.wait_indirect_dma semaphore(%arg19 : memref<!tpu.dma_semaphore, #tpu.memory_space<semaphore_mem>>) src(%arg13 : memref<128xf32, #tpu.memory_space<vmem>>) dst(%dma_wait3A_402 : memref<10240xf32, #tpu.memory_space<vmem_shared>>)
      %dma_wait3A_403 = arith.constant 6 : i32
      %dma_wait3A_404 = arith.constant 0 : i32
      %dma_wait3A_405 = tpu.memref_slice %arg8[%dma_wait3A_403, %dma_wait3A_404] : memref<8x128xi32, #tpu.memory_space<vmem>> -> memref<1x128xi32, #tpu.memory_space<vmem>>
      %dma_wait3A_406 = tpu.memref_squeeze %dma_wait3A_405 : memref<1x128xi32, #tpu.memory_space<vmem>> -> memref<128xi32, #tpu.memory_space<vmem>>
      %dma_wait3A_407 = arith.constant 0 : i32
      %dma_wait3A_408 = tpu.memref_slice %arg14[%dma_wait3A_407] : memref<10240xf32, #tpu.memory_space<vmem_shared>> -> memref<10240xf32, #tpu.memory_space<vmem_shared>>
      tpu.wait_indirect_dma semaphore(%arg19 : memref<!tpu.dma_semaphore, #tpu.memory_space<semaphore_mem>>) src(%arg13 : memref<128xf32, #tpu.memory_space<vmem>>) dst(%dma_wait3A_408 : memref<10240xf32, #tpu.memory_space<vmem_shared>>)
      %dma_wait3A_409 = arith.constant 7 : i32
      %dma_wait3A_410 = arith.constant 0 : i32
      %dma_wait3A_411 = tpu.memref_slice %arg8[%dma_wait3A_409, %dma_wait3A_410] : memref<8x128xi32, #tpu.memory_space<vmem>> -> memref<1x128xi32, #tpu.memory_space<vmem>>
      %dma_wait3A_412 = tpu.memref_squeeze %dma_wait3A_411 : memref<1x128xi32, #tpu.memory_space<vmem>> -> memref<128xi32, #tpu.memory_space<vmem>>
      %dma_wait3A_413 = arith.constant 0 : i32
      %dma_wait3A_414 = tpu.memref_slice %arg14[%dma_wait3A_413] : memref<10240xf32, #tpu.memory_space<vmem_shared>> -> memref<10240xf32, #tpu.memory_space<vmem_shared>>
      tpu.wait_indirect_dma semaphore(%arg19 : memref<!tpu.dma_semaphore, #tpu.memory_space<semaphore_mem>>) src(%arg13 : memref<128xf32, #tpu.memory_space<vmem>>) dst(%dma_wait3A_414 : memref<10240xf32, #tpu.memory_space<vmem_shared>>)
    }
    %scan3A_79 = arith.constant 10 : i32
    %barrier3A_80 = arith.constant 0 : index
    tpu.barrier barrier_id(%barrier3A_80)
    %add3A_81 = arith.constant 0 : i32
    %add3A_82 = arith.addi %mul3A_51, %add3A_81 : i32
    "tpu.region"() ({
      %run_scoped3A_91 = tpu.sem_alloc : memref<!tpu.dma_semaphore, #tpu.memory_space<semaphore_mem>>
      %dma_start3A = arith.constant 0 : i32
      %dma_start3A_92 = tpu.memref_slice %arg5[%arg0, %add3A_82, %dma_start3A] : memref<2x10240x128xf32, #tpu.memory_space<hbm>> -> memref<1x128x128xf32, #tpu.memory_space<hbm>>
      %dma_start3A_93 = tpu.memref_squeeze %dma_start3A_92 : memref<1x128x128xf32, #tpu.memory_space<hbm>> -> memref<128x128xf32, #tpu.memory_space<hbm>>
      %dma_start3A_94 = arith.constant 0 : i32
      %dma_start3A_95 = tpu.memref_slice %arg10[%add3A_82, %dma_start3A_94] : memref<10240x128xf32, #tpu.memory_space<vmem_shared>> -> memref<128x128xf32, #tpu.memory_space<vmem_shared>>
      tpu.enqueue_dma source(%dma_start3A_95 : memref<128x128xf32, #tpu.memory_space<vmem_shared>>) target(%dma_start3A_93 : memref<128x128xf32, #tpu.memory_space<hbm>>) target_semaphore(%run_scoped3A_91 : memref<!tpu.dma_semaphore, #tpu.memory_space<semaphore_mem>>)
      %dma_wait3A = arith.constant 0 : i32
      %dma_wait3A_96 = tpu.memref_slice %arg5[%arg0, %add3A_82, %dma_wait3A] : memref<2x10240x128xf32, #tpu.memory_space<hbm>> -> memref<1x128x128xf32, #tpu.memory_space<hbm>>
      %dma_wait3A_97 = tpu.memref_squeeze %dma_wait3A_96 : memref<1x128x128xf32, #tpu.memory_space<hbm>> -> memref<128x128xf32, #tpu.memory_space<hbm>>
      %dma_wait3A_98 = arith.constant 0 : i32
      %dma_wait3A_99 = tpu.memref_slice %arg10[%add3A_82, %dma_wait3A_98] : memref<10240x128xf32, #tpu.memory_space<vmem_shared>> -> memref<128x128xf32, #tpu.memory_space<vmem_shared>>
      tpu.wait_dma2 semaphore(%run_scoped3A_91 : memref<!tpu.dma_semaphore, #tpu.memory_space<semaphore_mem>>) src(%dma_wait3A_99 : memref<128x128xf32, #tpu.memory_space<vmem_shared>>) dst(%dma_wait3A_97 : memref<128x128xf32, #tpu.memory_space<hbm>>)
      tpu.yield
    }) : () -> ()
    %add3A_83 = arith.constant 128 : i32
    %add3A_84 = arith.addi %mul3A_51, %add3A_83 : i32
    "tpu.region"() ({
      %run_scoped3A_91 = tpu.sem_alloc : memref<!tpu.dma_semaphore, #tpu.memory_space<semaphore_mem>>
      %dma_start3A = arith.constant 0 : i32
      %dma_start3A_92 = tpu.memref_slice %arg5[%arg0, %add3A_84, %dma_start3A] : memref<2x10240x128xf32, #tpu.memory_space<hbm>> -> memref<1x128x128xf32, #tpu.memory_space<hbm>>
      %dma_start3A_93 = tpu.memref_squeeze %dma_start3A_92 : memref<1x128x128xf32, #tpu.memory_space<hbm>> -> memref<128x128xf32, #tpu.memory_space<hbm>>
      %dma_start3A_94 = arith.constant 0 : i32
      %dma_start3A_95 = tpu.memref_slice %arg10[%add3A_84, %dma_start3A_94] : memref<10240x128xf32, #tpu.memory_space<vmem_shared>> -> memref<128x128xf32, #tpu.memory_space<vmem_shared>>
      tpu.enqueue_dma source(%dma_start3A_95 : memref<128x128xf32, #tpu.memory_space<vmem_shared>>) target(%dma_start3A_93 : memref<128x128xf32, #tpu.memory_space<hbm>>) target_semaphore(%run_scoped3A_91 : memref<!tpu.dma_semaphore, #tpu.memory_space<semaphore_mem>>)
      %dma_wait3A = arith.constant 0 : i32
      %dma_wait3A_96 = tpu.memref_slice %arg5[%arg0, %add3A_84, %dma_wait3A] : memref<2x10240x128xf32, #tpu.memory_space<hbm>> -> memref<1x128x128xf32, #tpu.memory_space<hbm>>
      %dma_wait3A_97 = tpu.memref_squeeze %dma_wait3A_96 : memref<1x128x128xf32, #tpu.memory_space<hbm>> -> memref<128x128xf32, #tpu.memory_space<hbm>>
      %dma_wait3A_98 = arith.constant 0 : i32
      %dma_wait3A_99 = tpu.memref_slice %arg10[%add3A_84, %dma_wait3A_98] : memref<10240x128xf32, #tpu.memory_space<vmem_shared>> -> memref<128x128xf32, #tpu.memory_space<vmem_shared>>
      tpu.wait_dma2 semaphore(%run_scoped3A_91 : memref<!tpu.dma_semaphore, #tpu.memory_space<semaphore_mem>>) src(%dma_wait3A_99 : memref<128x128xf32, #tpu.memory_space<vmem_shared>>) dst(%dma_wait3A_97 : memref<128x128xf32, #tpu.memory_space<hbm>>)
      tpu.yield
    }) : () -> ()
    %add3A_85 = arith.constant 256 : i32
    %add3A_86 = arith.addi %mul3A_51, %add3A_85 : i32
    "tpu.region"() ({
      %run_scoped3A_91 = tpu.sem_alloc : memref<!tpu.dma_semaphore, #tpu.memory_space<semaphore_mem>>
      %dma_start3A = arith.constant 0 : i32
      %dma_start3A_92 = tpu.memref_slice %arg5[%arg0, %add3A_86, %dma_start3A] : memref<2x10240x128xf32, #tpu.memory_space<hbm>> -> memref<1x128x128xf32, #tpu.memory_space<hbm>>
      %dma_start3A_93 = tpu.memref_squeeze %dma_start3A_92 : memref<1x128x128xf32, #tpu.memory_space<hbm>> -> memref<128x128xf32, #tpu.memory_space<hbm>>
      %dma_start3A_94 = arith.constant 0 : i32
      %dma_start3A_95 = tpu.memref_slice %arg10[%add3A_86, %dma_start3A_94] : memref<10240x128xf32, #tpu.memory_space<vmem_shared>> -> memref<128x128xf32, #tpu.memory_space<vmem_shared>>
      tpu.enqueue_dma source(%dma_start3A_95 : memref<128x128xf32, #tpu.memory_space<vmem_shared>>) target(%dma_start3A_93 : memref<128x128xf32, #tpu.memory_space<hbm>>) target_semaphore(%run_scoped3A_91 : memref<!tpu.dma_semaphore, #tpu.memory_space<semaphore_mem>>)
      %dma_wait3A = arith.constant 0 : i32
      %dma_wait3A_96 = tpu.memref_slice %arg5[%arg0, %add3A_86, %dma_wait3A] : memref<2x10240x128xf32, #tpu.memory_space<hbm>> -> memref<1x128x128xf32, #tpu.memory_space<hbm>>
      %dma_wait3A_97 = tpu.memref_squeeze %dma_wait3A_96 : memref<1x128x128xf32, #tpu.memory_space<hbm>> -> memref<128x128xf32, #tpu.memory_space<hbm>>
      %dma_wait3A_98 = arith.constant 0 : i32
      %dma_wait3A_99 = tpu.memref_slice %arg10[%add3A_86, %dma_wait3A_98] : memref<10240x128xf32, #tpu.memory_space<vmem_shared>> -> memref<128x128xf32, #tpu.memory_space<vmem_shared>>
      tpu.wait_dma2 semaphore(%run_scoped3A_91 : memref<!tpu.dma_semaphore, #tpu.memory_space<semaphore_mem>>) src(%dma_wait3A_99 : memref<128x128xf32, #tpu.memory_space<vmem_shared>>) dst(%dma_wait3A_97 : memref<128x128xf32, #tpu.memory_space<hbm>>)
      tpu.yield
    }) : () -> ()
    %add3A_87 = arith.constant 384 : i32
    %add3A_88 = arith.addi %mul3A_51, %add3A_87 : i32
    "tpu.region"() ({
      %run_scoped3A_91 = tpu.sem_alloc : memref<!tpu.dma_semaphore, #tpu.memory_space<semaphore_mem>>
      %dma_start3A = arith.constant 0 : i32
      %dma_start3A_92 = tpu.memref_slice %arg5[%arg0, %add3A_88, %dma_start3A] : memref<2x10240x128xf32, #tpu.memory_space<hbm>> -> memref<1x128x128xf32, #tpu.memory_space<hbm>>
      %dma_start3A_93 = tpu.memref_squeeze %dma_start3A_92 : memref<1x128x128xf32, #tpu.memory_space<hbm>> -> memref<128x128xf32, #tpu.memory_space<hbm>>
      %dma_start3A_94 = arith.constant 0 : i32
      %dma_start3A_95 = tpu.memref_slice %arg10[%add3A_88, %dma_start3A_94] : memref<10240x128xf32, #tpu.memory_space<vmem_shared>> -> memref<128x128xf32, #tpu.memory_space<vmem_shared>>
      tpu.enqueue_dma source(%dma_start3A_95 : memref<128x128xf32, #tpu.memory_space<vmem_shared>>) target(%dma_start3A_93 : memref<128x128xf32, #tpu.memory_space<hbm>>) target_semaphore(%run_scoped3A_91 : memref<!tpu.dma_semaphore, #tpu.memory_space<semaphore_mem>>)
      %dma_wait3A = arith.constant 0 : i32
      %dma_wait3A_96 = tpu.memref_slice %arg5[%arg0, %add3A_88, %dma_wait3A] : memref<2x10240x128xf32, #tpu.memory_space<hbm>> -> memref<1x128x128xf32, #tpu.memory_space<hbm>>
      %dma_wait3A_97 = tpu.memref_squeeze %dma_wait3A_96 : memref<1x128x128xf32, #tpu.memory_space<hbm>> -> memref<128x128xf32, #tpu.memory_space<hbm>>
      %dma_wait3A_98 = arith.constant 0 : i32
      %dma_wait3A_99 = tpu.memref_slice %arg10[%add3A_88, %dma_wait3A_98] : memref<10240x128xf32, #tpu.memory_space<vmem_shared>> -> memref<128x128xf32, #tpu.memory_space<vmem_shared>>
      tpu.wait_dma2 semaphore(%run_scoped3A_91 : memref<!tpu.dma_semaphore, #tpu.memory_space<semaphore_mem>>) src(%dma_wait3A_99 : memref<128x128xf32, #tpu.memory_space<vmem_shared>>) dst(%dma_wait3A_97 : memref<128x128xf32, #tpu.memory_space<hbm>>)
      tpu.yield
    }) : () -> ()
    %add3A_89 = arith.constant 512 : i32
    %add3A_90 = arith.addi %mul3A_51, %add3A_89 : i32
    "tpu.region"() ({
      %run_scoped3A_91 = tpu.sem_alloc : memref<!tpu.dma_semaphore, #tpu.memory_space<semaphore_mem>>
      %dma_start3A = arith.constant 0 : i32
      %dma_start3A_92 = tpu.memref_slice %arg5[%arg0, %add3A_90, %dma_start3A] : memref<2x10240x128xf32, #tpu.memory_space<hbm>> -> memref<1x128x128xf32, #tpu.memory_space<hbm>>
      %dma_start3A_93 = tpu.memref_squeeze %dma_start3A_92 : memref<1x128x128xf32, #tpu.memory_space<hbm>> -> memref<128x128xf32, #tpu.memory_space<hbm>>
      %dma_start3A_94 = arith.constant 0 : i32
      %dma_start3A_95 = tpu.memref_slice %arg10[%add3A_90, %dma_start3A_94] : memref<10240x128xf32, #tpu.memory_space<vmem_shared>> -> memref<128x128xf32, #tpu.memory_space<vmem_shared>>
      tpu.enqueue_dma source(%dma_start3A_95 : memref<128x128xf32, #tpu.memory_space<vmem_shared>>) target(%dma_start3A_93 : memref<128x128xf32, #tpu.memory_space<hbm>>) target_semaphore(%run_scoped3A_91 : memref<!tpu.dma_semaphore, #tpu.memory_space<semaphore_mem>>)
      %dma_wait3A = arith.constant 0 : i32
      %dma_wait3A_96 = tpu.memref_slice %arg5[%arg0, %add3A_90, %dma_wait3A] : memref<2x10240x128xf32, #tpu.memory_space<hbm>> -> memref<1x128x128xf32, #tpu.memory_space<hbm>>
      %dma_wait3A_97 = tpu.memref_squeeze %dma_wait3A_96 : memref<1x128x128xf32, #tpu.memory_space<hbm>> -> memref<128x128xf32, #tpu.memory_space<hbm>>
      %dma_wait3A_98 = arith.constant 0 : i32
      %dma_wait3A_99 = tpu.memref_slice %arg10[%add3A_90, %dma_wait3A_98] : memref<10240x128xf32, #tpu.memory_space<vmem_shared>> -> memref<128x128xf32, #tpu.memory_space<vmem_shared>>
      tpu.wait_dma2 semaphore(%run_scoped3A_91 : memref<!tpu.dma_semaphore, #tpu.memory_space<semaphore_mem>>) src(%dma_wait3A_99 : memref<128x128xf32, #tpu.memory_space<vmem_shared>>) dst(%dma_wait3A_97 : memref<128x128xf32, #tpu.memory_space<hbm>>)
      tpu.yield
    }) : () -> ()
    "tpu.region"() ({
      %run_scoped3A_91 = tpu.sem_alloc : memref<!tpu.dma_semaphore, #tpu.memory_space<semaphore_mem>>
      %dma_start3A = tpu.memref_slice %arg6[%arg0, %mul3A_51] : memref<2x10240xf32, #tpu.memory_space<hbm>> -> memref<1x640xf32, #tpu.memory_space<hbm>>
      %dma_start3A_92 = tpu.memref_squeeze %dma_start3A : memref<1x640xf32, #tpu.memory_space<hbm>> -> memref<640xf32, #tpu.memory_space<hbm>>
      %dma_start3A_93 = tpu.memref_slice %arg14[%mul3A_51] : memref<10240xf32, #tpu.memory_space<vmem_shared>> -> memref<640xf32, #tpu.memory_space<vmem_shared>>
      tpu.enqueue_dma source(%dma_start3A_93 : memref<640xf32, #tpu.memory_space<vmem_shared>>) target(%dma_start3A_92 : memref<640xf32, #tpu.memory_space<hbm>>) target_semaphore(%run_scoped3A_91 : memref<!tpu.dma_semaphore, #tpu.memory_space<semaphore_mem>>)
      %dma_wait3A = tpu.memref_slice %arg6[%arg0, %mul3A_51] : memref<2x10240xf32, #tpu.memory_space<hbm>> -> memref<1x640xf32, #tpu.memory_space<hbm>>
      %dma_wait3A_94 = tpu.memref_squeeze %dma_wait3A : memref<1x640xf32, #tpu.memory_space<hbm>> -> memref<640xf32, #tpu.memory_space<hbm>>
      %dma_wait3A_95 = tpu.memref_slice %arg14[%mul3A_51] : memref<10240xf32, #tpu.memory_space<vmem_shared>> -> memref<640xf32, #tpu.memory_space<vmem_shared>>
      tpu.wait_dma2 semaphore(%run_scoped3A_91 : memref<!tpu.dma_semaphore, #tpu.memory_space<semaphore_mem>>) src(%dma_wait3A_95 : memref<640xf32, #tpu.memory_space<vmem_shared>>) dst(%dma_wait3A_94 : memref<640xf32, #tpu.memory_space<hbm>>)
      tpu.yield
    }) : () -> ()
    return
  }
}

module attributes {stable_mosaic.version = 14 : i64} {
  func.func @_tc_body(%arg0: i32, %arg1: memref<2x512x128xf32, #tpu.memory_space<vmem>>, %arg2: memref<512xf32, #tpu.memory_space<vmem>>, %arg3: memref<512xf32, #tpu.memory_space<vmem>>, %arg4: memref<512x128xf32, #tpu.memory_space<vmem>>, %arg5: memref<128x128xf32, #tpu.memory_space<vmem>>, %arg6: memref<128x128xf32, #tpu.memory_space<vmem>>, %arg7: memref<1x128xf32, #tpu.memory_space<vmem>>, %arg8: memref<512x128xf32, #tpu.memory_space<vmem>>) attributes {dimension_semantics = [#tpu.dimension_semantics<arbitrary>], iteration_bounds = array<i64: 20>, scalar_prefetch = 0 : i64, scratch_operands = 0 : i64, tpu.core_type = #tpu.core_type<tc>, window_params = [{transform_indices = @transform_0, window_bounds = array<i64: 2, 512, 128>}, {transform_indices = @transform_1, window_bounds = array<i64: 512>}, {transform_indices = @transform_2, window_bounds = array<i64: 512>}, {transform_indices = @transform_3, window_bounds = array<i64: 512, 128>}, {pipeline_mode = #tpu.pipeline_mode<synchronous>, transform_indices = @transform_4, window_bounds = array<i64: 128, 128>}, {pipeline_mode = #tpu.pipeline_mode<synchronous>, transform_indices = @transform_5, window_bounds = array<i64: 128, 128>}, {pipeline_mode = #tpu.pipeline_mode<synchronous>, transform_indices = @transform_6, window_bounds = array<i64: 1, 128>}, {transform_indices = @transform_7, window_bounds = array<i64: 512, 128>}]} {
    %get3A = arith.constant 0 : index
    %get3A_0 = vector.load %arg2[%get3A] : memref<512xf32, #tpu.memory_space<vmem>>, vector<512xf32>
    %get3A_1 = arith.constant 0 : index
    %get3A_2 = vector.load %arg3[%get3A_1] : memref<512xf32, #tpu.memory_space<vmem>>, vector<512xf32>
    %add3A = arith.addf %get3A_0, %get3A_2 : vector<512xf32>
    %max3A = arith.constant 1.000000e+00 : f32
    %max3A_3 = vector.broadcast %max3A : f32 to vector<512xf32>
    %max3A_4 = arith.maximumf %add3A, %max3A_3 : vector<512xf32>
    %div3A = arith.constant 1.000000e+00 : f32
    %div3A_5 = vector.broadcast %div3A : f32 to vector<512xf32>
    %div3A_6 = arith.divf %div3A_5, %max3A_4 : vector<512xf32>
    %reshape3A = vector.shape_cast %div3A_6 : vector<512xf32> to vector<1x512xf32>
    %iota3A = tpu.iota {dimensions = array<i32: 0>} : vector<512x512xi32>
    %iota3A_7 = tpu.iota {dimensions = array<i32: 1>} : vector<512x512xi32>
    %eq3A = arith.cmpi eq, %iota3A, %iota3A_7 : vector<512x512xi32>
    %broadcast_in_dim3A = vector.shape_cast %reshape3A : vector<1x512xf32> to vector<1x512xf32>
    %broadcast_in_dim3A_8 = vector.broadcast %broadcast_in_dim3A : vector<1x512xf32> to vector<512x512xf32>
    %jit3A = arith.constant 0.000000e+00 : f32
    %broadcast_in_dim3A_9 = vector.broadcast %jit3A : f32 to vector<512x512xf32>
    %select_n3A = arith.select %eq3A, %broadcast_in_dim3A_8, %broadcast_in_dim3A_9 : vector<512x512xi1>, vector<512x512xf32>
    %reduce_sum3A = arith.constant dense<0.000000e+00> : vector<512xf32>
    %reduce_sum3A_10 = vector.multi_reduction <add>, %select_n3A, %reduce_sum3A [1] : vector<512x512xf32> to vector<512xf32>
    %broadcast_in_dim3A_11 = vector.shape_cast %reduce_sum3A_10 : vector<512xf32> to vector<512x1xf32>
    %get3A_12 = arith.constant 0 : index
    %get3A_13 = arith.constant 0 : index
    %get3A_14 = arith.constant 0 : index
    %get3A_15 = vector.load %arg1[%get3A_12, %get3A_13, %get3A_14] : memref<2x512x128xf32, #tpu.memory_space<vmem>>, vector<1x512x128xf32>
    %get3A_16 = vector.shape_cast %get3A_15 : vector<1x512x128xf32> to vector<512x128xf32>
    %get3A_17 = arith.constant 1 : index
    %get3A_18 = arith.constant 0 : index
    %get3A_19 = arith.constant 0 : index
    %get3A_20 = vector.load %arg1[%get3A_17, %get3A_18, %get3A_19] : memref<2x512x128xf32, #tpu.memory_space<vmem>>, vector<1x512x128xf32>
    %get3A_21 = vector.shape_cast %get3A_20 : vector<1x512x128xf32> to vector<512x128xf32>
    %add3A_22 = arith.addf %get3A_16, %get3A_21 : vector<512x128xf32>
    %mul3A = vector.broadcast %broadcast_in_dim3A_11 : vector<512x1xf32> to vector<512x128xf32>
    %mul3A_23 = arith.mulf %add3A_22, %mul3A : vector<512x128xf32>
    %get3A_24 = arith.constant 0 : index
    %get3A_25 = arith.constant 0 : index
    %get3A_26 = vector.load %arg5[%get3A_24, %get3A_25] : memref<128x128xf32, #tpu.memory_space<vmem>>, vector<128x128xf32>
    %dot_general3A = arith.constant dense<0.000000e+00> : vector<512x128xf32>
    %dot_general3A_27 = tpu.matmul %mul3A_23, %get3A_26, %dot_general3A {dimension_numbers = #tpu.dot_dimension_numbers<[1], [0], [0], [1], [0, 0, 1, 1], [], []>, transpose_lhs_hint = false} : vector<512x128xf32>, vector<128x128xf32>, vector<512x128xf32> -> vector<512x128xf32>
    %get3A_28 = arith.constant 0 : index
    %get3A_29 = arith.constant 0 : index
    %get3A_30 = vector.load %arg4[%get3A_28, %get3A_29] : memref<512x128xf32, #tpu.memory_space<vmem>>, vector<512x128xf32>
    %get3A_31 = arith.constant 0 : index
    %get3A_32 = arith.constant 0 : index
    %get3A_33 = vector.load %arg6[%get3A_31, %get3A_32] : memref<128x128xf32, #tpu.memory_space<vmem>>, vector<128x128xf32>
    %dot_general3A_34 = arith.constant dense<0.000000e+00> : vector<512x128xf32>
    %dot_general3A_35 = tpu.matmul %get3A_30, %get3A_33, %dot_general3A_34 {dimension_numbers = #tpu.dot_dimension_numbers<[1], [0], [0], [1], [0, 0, 1, 1], [], []>, transpose_lhs_hint = false} : vector<512x128xf32>, vector<128x128xf32>, vector<512x128xf32> -> vector<512x128xf32>
    %add3A_36 = arith.addf %dot_general3A_27, %dot_general3A_35 : vector<512x128xf32>
    %get3A_37 = arith.constant 0 : index
    %get3A_38 = arith.constant 0 : index
    %get3A_39 = vector.load %arg7[%get3A_37, %get3A_38] : memref<1x128xf32, #tpu.memory_space<vmem>>, vector<1x128xf32>
    %add3A_40 = vector.broadcast %get3A_39 : vector<1x128xf32> to vector<512x128xf32>
    %add3A_41 = arith.addf %add3A_36, %add3A_40 : vector<512x128xf32>
    %max3A_42 = arith.constant 0.000000e+00 : f32
    %max3A_43 = vector.broadcast %max3A_42 : f32 to vector<512x128xf32>
    %max3A_44 = arith.maximumf %add3A_41, %max3A_43 : vector<512x128xf32>
    %swap3A = arith.constant 0 : index
    %swap3A_45 = arith.constant 0 : index
    %swap3A_46 = vector.load %arg8[%swap3A, %swap3A_45] : memref<512x128xf32, #tpu.memory_space<vmem>>, vector<512x128xf32>
    tpu.vector_store %arg8[%swap3A, %swap3A_45], %max3A_44 {strides = array<i32>} : memref<512x128xf32, #tpu.memory_space<vmem>>, vector<512x128xf32>,
    return
  }
  func.func @transform_0(%arg0: i32) -> (i32, i32, i32) {
    %c0_i32 = arith.constant 0 : i32
    %c0_i32_0 = arith.constant 0 : i32
    %c0_i32_1 = arith.constant 0 : i32
    return %c0_i32, %arg0, %c0_i32_0 : i32, i32, i32
  }
  func.func @transform_1(%arg0: i32) -> i32 {
    %c0_i32 = arith.constant 0 : i32
    return %arg0 : i32
  }
  func.func @transform_2(%arg0: i32) -> i32 {
    %c0_i32 = arith.constant 0 : i32
    return %arg0 : i32
  }
  func.func @transform_3(%arg0: i32) -> (i32, i32) {
    %c0_i32 = arith.constant 0 : i32
    %c0_i32_0 = arith.constant 0 : i32
    return %arg0, %c0_i32 : i32, i32
  }
  func.func @transform_4(%arg0: i32) -> (i32, i32) {
    %c0_i32 = arith.constant 0 : i32
    %c0_i32_0 = arith.constant 0 : i32
    %c0_i32_1 = arith.constant 0 : i32
    return %c0_i32, %c0_i32_0 : i32, i32
  }
  func.func @transform_5(%arg0: i32) -> (i32, i32) {
    %c0_i32 = arith.constant 0 : i32
    %c0_i32_0 = arith.constant 0 : i32
    %c0_i32_1 = arith.constant 0 : i32
    return %c0_i32, %c0_i32_0 : i32, i32
  }
  func.func @transform_6(%arg0: i32) -> (i32, i32) {
    %c0_i32 = arith.constant 0 : i32
    %c0_i32_0 = arith.constant 0 : i32
    %c0_i32_1 = arith.constant 0 : i32
    return %c0_i32, %c0_i32_0 : i32, i32
  }
  func.func @transform_7(%arg0: i32) -> (i32, i32) {
    %c0_i32 = arith.constant 0 : i32
    %c0_i32_0 = arith.constant 0 : i32
    return %arg0, %c0_i32 : i32, i32
  }
}

module attributes {stable_mosaic.version = 14 : i64} {
  func.func @_tc_body(%arg0: i32, %arg1: memref<2x512x128xf32, #tpu.memory_space<vmem>>, %arg2: memref<512xf32, #tpu.memory_space<vmem>>, %arg3: memref<512xf32, #tpu.memory_space<vmem>>, %arg4: memref<512x128xf32, #tpu.memory_space<vmem>>, %arg5: memref<128x128xf32, #tpu.memory_space<vmem>>, %arg6: memref<128x128xf32, #tpu.memory_space<vmem>>, %arg7: memref<1x128xf32, #tpu.memory_space<vmem>>, %arg8: memref<512x128xf32, #tpu.memory_space<vmem>>) attributes {dimension_semantics = [#tpu.dimension_semantics<arbitrary>], iteration_bounds = array<i64: 20>, scalar_prefetch = 0 : i64, scratch_operands = 0 : i64, tpu.core_type = #tpu.core_type<tc>, window_params = [{transform_indices = @transform_0, window_bounds = array<i64: 2, 512, 128>}, {transform_indices = @transform_1, window_bounds = array<i64: 512>}, {transform_indices = @transform_2, window_bounds = array<i64: 512>}, {transform_indices = @transform_3, window_bounds = array<i64: 512, 128>}, {pipeline_mode = #tpu.pipeline_mode<synchronous>, transform_indices = @transform_4, window_bounds = array<i64: 128, 128>}, {pipeline_mode = #tpu.pipeline_mode<synchronous>, transform_indices = @transform_5, window_bounds = array<i64: 128, 128>}, {pipeline_mode = #tpu.pipeline_mode<synchronous>, transform_indices = @transform_6, window_bounds = array<i64: 1, 128>}, {transform_indices = @transform_7, window_bounds = array<i64: 512, 128>}]} {
    %get3A = arith.constant 0 : index
    %get3A_0 = vector.load %arg2[%get3A] : memref<512xf32, #tpu.memory_space<vmem>>, vector<512xf32>
    %get3A_1 = arith.constant 0 : index
    %get3A_2 = vector.load %arg3[%get3A_1] : memref<512xf32, #tpu.memory_space<vmem>>, vector<512xf32>
    %add3A = arith.addf %get3A_0, %get3A_2 : vector<512xf32>
    %max3A = arith.constant 1.000000e+00 : f32
    %max3A_3 = vector.broadcast %max3A : f32 to vector<512xf32>
    %max3A_4 = arith.maximumf %add3A, %max3A_3 : vector<512xf32>
    %div3A = arith.constant 1.000000e+00 : f32
    %div3A_5 = vector.broadcast %div3A : f32 to vector<512xf32>
    %div3A_6 = arith.divf %div3A_5, %max3A_4 : vector<512xf32>
    %reshape3A = vector.shape_cast %div3A_6 : vector<512xf32> to vector<1x512xf32>
    %iota3A = tpu.iota {dimensions = array<i32: 0>} : vector<512x512xi32>
    %iota3A_7 = tpu.iota {dimensions = array<i32: 1>} : vector<512x512xi32>
    %eq3A = arith.cmpi eq, %iota3A, %iota3A_7 : vector<512x512xi32>
    %broadcast_in_dim3A = vector.shape_cast %reshape3A : vector<1x512xf32> to vector<1x512xf32>
    %broadcast_in_dim3A_8 = vector.broadcast %broadcast_in_dim3A : vector<1x512xf32> to vector<512x512xf32>
    %jit3A = arith.constant 0.000000e+00 : f32
    %broadcast_in_dim3A_9 = vector.broadcast %jit3A : f32 to vector<512x512xf32>
    %select_n3A = arith.select %eq3A, %broadcast_in_dim3A_8, %broadcast_in_dim3A_9 : vector<512x512xi1>, vector<512x512xf32>
    %reduce_sum3A = arith.constant dense<0.000000e+00> : vector<512xf32>
    %reduce_sum3A_10 = vector.multi_reduction <add>, %select_n3A, %reduce_sum3A [1] : vector<512x512xf32> to vector<512xf32>
    %broadcast_in_dim3A_11 = vector.shape_cast %reduce_sum3A_10 : vector<512xf32> to vector<512x1xf32>
    %get3A_12 = arith.constant 0 : index
    %get3A_13 = arith.constant 0 : index
    %get3A_14 = arith.constant 0 : index
    %get3A_15 = vector.load %arg1[%get3A_12, %get3A_13, %get3A_14] : memref<2x512x128xf32, #tpu.memory_space<vmem>>, vector<1x512x128xf32>
    %get3A_16 = vector.shape_cast %get3A_15 : vector<1x512x128xf32> to vector<512x128xf32>
    %get3A_17 = arith.constant 1 : index
    %get3A_18 = arith.constant 0 : index
    %get3A_19 = arith.constant 0 : index
    %get3A_20 = vector.load %arg1[%get3A_17, %get3A_18, %get3A_19] : memref<2x512x128xf32, #tpu.memory_space<vmem>>, vector<1x512x128xf32>
    %get3A_21 = vector.shape_cast %get3A_20 : vector<1x512x128xf32> to vector<512x128xf32>
    %add3A_22 = arith.addf %get3A_16, %get3A_21 : vector<512x128xf32>
    %mul3A = vector.broadcast %broadcast_in_dim3A_11 : vector<512x1xf32> to vector<512x128xf32>
    %mul3A_23 = arith.mulf %add3A_22, %mul3A : vector<512x128xf32>
    %get3A_24 = arith.constant 0 : index
    %get3A_25 = arith.constant 0 : index
    %get3A_26 = vector.load %arg5[%get3A_24, %get3A_25] : memref<128x128xf32, #tpu.memory_space<vmem>>, vector<128x128xf32>
    %dot_general3A = arith.constant dense<0.000000e+00> : vector<512x128xf32>
    %dot_general3A_27 = tpu.matmul %mul3A_23, %get3A_26, %dot_general3A {dimension_numbers = #tpu.dot_dimension_numbers<[1], [0], [0], [1], [0, 0, 1, 1], [], []>, transpose_lhs_hint = false} : vector<512x128xf32>, vector<128x128xf32>, vector<512x128xf32> -> vector<512x128xf32>
    %get3A_28 = arith.constant 0 : index
    %get3A_29 = arith.constant 0 : index
    %get3A_30 = vector.load %arg4[%get3A_28, %get3A_29] : memref<512x128xf32, #tpu.memory_space<vmem>>, vector<512x128xf32>
    %get3A_31 = arith.constant 0 : index
    %get3A_32 = arith.constant 0 : index
    %get3A_33 = vector.load %arg6[%get3A_31, %get3A_32] : memref<128x128xf32, #tpu.memory_space<vmem>>, vector<128x128xf32>
    %dot_general3A_34 = arith.constant dense<0.000000e+00> : vector<512x128xf32>
    %dot_general3A_35 = tpu.matmul %get3A_30, %get3A_33, %dot_general3A_34 {dimension_numbers = #tpu.dot_dimension_numbers<[1], [0], [0], [1], [0, 0, 1, 1], [], []>, transpose_lhs_hint = false} : vector<512x128xf32>, vector<128x128xf32>, vector<512x128xf32> -> vector<512x128xf32>
    %add3A_36 = arith.addf %dot_general3A_27, %dot_general3A_35 : vector<512x128xf32>
    %get3A_37 = arith.constant 0 : index
    %get3A_38 = arith.constant 0 : index
    %get3A_39 = vector.load %arg7[%get3A_37, %get3A_38] : memref<1x128xf32, #tpu.memory_space<vmem>>, vector<1x128xf32>
    %add3A_40 = vector.broadcast %get3A_39 : vector<1x128xf32> to vector<512x128xf32>
    %add3A_41 = arith.addf %add3A_36, %add3A_40 : vector<512x128xf32>
    %swap3A = arith.constant 0 : index
    %swap3A_42 = arith.constant 0 : index
    %swap3A_43 = vector.load %arg8[%swap3A, %swap3A_42] : memref<512x128xf32, #tpu.memory_space<vmem>>, vector<512x128xf32>
    tpu.vector_store %arg8[%swap3A, %swap3A_42], %add3A_41 {strides = array<i32>} : memref<512x128xf32, #tpu.memory_space<vmem>>, vector<512x128xf32>,
    return
  }
  func.func @transform_0(%arg0: i32) -> (i32, i32, i32) {
    %c0_i32 = arith.constant 0 : i32
    %c0_i32_0 = arith.constant 0 : i32
    %c0_i32_1 = arith.constant 0 : i32
    return %c0_i32, %arg0, %c0_i32_0 : i32, i32, i32
  }
  func.func @transform_1(%arg0: i32) -> i32 {
    %c0_i32 = arith.constant 0 : i32
    return %arg0 : i32
  }
  func.func @transform_2(%arg0: i32) -> i32 {
    %c0_i32 = arith.constant 0 : i32
    return %arg0 : i32
  }
  func.func @transform_3(%arg0: i32) -> (i32, i32) {
    %c0_i32 = arith.constant 0 : i32
    %c0_i32_0 = arith.constant 0 : i32
    return %arg0, %c0_i32 : i32, i32
  }
  func.func @transform_4(%arg0: i32) -> (i32, i32) {
    %c0_i32 = arith.constant 0 : i32
    %c0_i32_0 = arith.constant 0 : i32
    %c0_i32_1 = arith.constant 0 : i32
    return %c0_i32, %c0_i32_0 : i32, i32
  }
  func.func @transform_5(%arg0: i32) -> (i32, i32) {
    %c0_i32 = arith.constant 0 : i32
    %c0_i32_0 = arith.constant 0 : i32
    %c0_i32_1 = arith.constant 0 : i32
    return %c0_i32, %c0_i32_0 : i32, i32
  }
  func.func @transform_6(%arg0: i32) -> (i32, i32) {
    %c0_i32 = arith.constant 0 : i32
    %c0_i32_0 = arith.constant 0 : i32
    %c0_i32_1 = arith.constant 0 : i32
    return %c0_i32, %c0_i32_0 : i32, i32
  }
  func.func @transform_7(%arg0: i32) -> (i32, i32) {
    %c0_i32 = arith.constant 0 : i32
    %c0_i32_0 = arith.constant 0 : i32
    return %arg0, %c0_i32 : i32, i32
  }
}

</mosaic_0001>

<sc_bundles>
// kernel: kernel.6.cloned.1.call-start
scs
__scs_entry_jumppad:
0x0: {  	(pc) =	sbr.rel $0x88, $3  }
0x1: {  	(tag) =	ssettag $0x0;
	lr =	simm.s32 $0x1  }
0x2: {  	[smem:$0x3F99] =	sst lr;
	_ =	strace $0xD0000000  }
0x3: {  	_ = 	snop  }
0x4: {  	_ = 	snop  }
0x5: {  	_ = 	snop  }
0x6: {  	_ = 	snop  }
0x7: {  	_ = 	snop  }
__scs_overlays_trampoline_lowered:
0x8: {  	[smem:$0x3FA8] =	sst s0  }
0x9: {  	[smem:$0x3FA9] =	sst s1  }
0xa: {  	[smem:$0x3FAA] =	sst s2  }
0xb: {  	[smem:$0x3FAB] =	sst s3  }
0xc: {  	[smem:$0x3FAC] =	sst s4  }
0xd: {  	[smem:$0x3FAD] =	sst s5  }
0xe: {  	[smem:$0x3FAE] =	sst s6  }
0xf: {  	[smem:$0x3FAF] =	sst s7  }
0x10: {  	[smem:$0x3FB0] =	sst s8  }
0x11: {  	[smem:$0x3FB1] =	sst s9;
	s0 =	simm.s32 @!p0 $0x0  }
0x12: {  	s1 =	sld [smem:$0x3F97];
	s0 =	simm.s32 @p0 $0x1  }
0x13: {  	[smem:$0x3FB2] =	sst s0;
	s0 =	simm.s32 @!p1 $0x0  }
0x14: {  	s2 =	sld [smem:$0x3F96];
	s0 =	simm.s32 @p1 $0x1  }
0x15: {  	[smem:$0x3FB3] =	sst s0;
	s0 =	simm.s32 @!p2 $0x0  }
0x16: {  	s3 =	sld [smem:$0x3FDB];
	s0 =	simm.s32 @p2 $0x1  }
0x17: {  	s4 =	simm.s32 $0x1BF5;
	[smem:$0x3FB5] =	sst s0  }
0x18: {  	s0 =	sld [smem:$0x3F98];
	_ =	swait.ge [sflag:s4], $0x0  }
0x19: {  	s7 =	sld [smem:$0x3F99]  }
0x1a: {  	s8 =	sadd.s32 $0xFFFFE003, lr  }
0x1b: {  	s9 =	sadd.s32 $0xFFFFFEF7, lr;
	s5 =	simm.s32 $0xFFFFFFFF;
	p2 =	slt.u32 s8, $0xFFFFF086  }
0x1c: {  	p1 =	slt.u32 s9, $0xF7A;
	s5 =	simm.s32 @!p2 $0x0  }
0x1d: {  	s5 =	simm.s32 @p1 $0x1;
	p0 =	seq.s32 s7, s2  }
0x1e: {  	s7 =	smul.u32 @!p0 $0xF7A, s2;
	p2 =	seq.s32 @!p0 s5, $0x0  }
0x1f: {  	s9 =	smul.u32 $0xF7A, s1;
	s8 =	simm.s32 @!p0 $0x1BF5;
	p2 =	por !p2, p0  }
0x20: {  	[sflag:s8] =	ssyncset.s32 @!p0 $0xFFFFF086;
	s6 =	sadd.s32 @!p0 s3, s7;
	s7 =	simm.s32 @!p0 $0x108  }
0x21: {  	s3 =	sadd.s32 s3, s9;
	s6 =	sadd.s32 @!p0 $0x88, s6;
	s7 =	simm.s32 @p2 $0x1082  }
0x22: {  	[simem:s7], [sflag:s8] =	dma.local @!p0 [hbm:s6], $0xF7A  }
0x23: {  	s9 =	sor.u32 $0xD0000000, s2;
	s6 =	simm.s32 $0x108;
	_ =	swait.ge @!p0 [sflag:s8], $0x0  }
0x24: {  	s3 =	sadd.s32 $0x88, s3;
	s6 =	simm.s32 @!p1 $0x1082;
	[sflag:s4] =	ssyncset.s32 $0xFFFFF086  }
0x25: {  	[simem:s6], [sflag:s4] =	dma.local [hbm:s3], $0xF7A  }
0x26: {  	[smem:$0x3F99] =	sst s1;
	(tag) =	ssettag s2;
	_ =	strace s9  }
0x27: {  	s1 =	sld [smem:$0x3FA9]  }
0x28: {  	s2 =	sld [smem:$0x3FAA]  }
0x29: {  	s4 =	sld [smem:$0x3FAC]  }
0x2a: {  	p0 =	seq.s32 s5, $0x0;
	s5 =	sld [smem:$0x3FAD]  }
0x2b: {  	s6 =	sld [smem:$0x3FAE]  }
0x2c: {  	s7 =	sld [smem:$0x3FAF]  }
0x2d: {  	s3 =	simm.s32 $0x108;
	s8 =	sld [smem:$0x3FB0]  }
0x2e: {  	s3 =	simm.s32 @!p0 $0x1082;
	s9 =	sld [smem:$0x3FB1]  }
0x2f: {  	lr =	sadd.s32 s0, s3;
	s0 =	sld [smem:$0x3FA8]  }
0x30: {  	s3 =	sld [smem:$0x3FAB]  }
0x31: {  	[smem:$0x3FB4] =	sst s10  }
0x32: {  	s10 =	sld [smem:$0x3FB2];
	_ =	sdelay $0x3  }
0x33: {  	p0 =	seq.s32 s10, $0x1;
	s10 =	sld [smem:$0x3FB4];
	_ =	sdelay $0x3  }
0x34: {  	[smem:$0x3FB4] =	sst s10  }
0x35: {  	s10 =	sld [smem:$0x3FB3];
	_ =	sdelay $0x3  }
0x36: {  	p1 =	seq.s32 s10, $0x1;
	s10 =	sld [smem:$0x3FB4];
	_ =	sdelay $0x3  }
0x37: {  	[smem:$0x3FB4] =	sst s10  }
0x38: {  	s10 =	sld [smem:$0x3FB5]  }
0x39: {  	_ = 	snop;
	(pc) =	sbr.ind lr, $3  }
0x3a: {  	_ = 	snop  }
0x3b: {  	_ = 	snop  }
0x3c: {  	p2 =	seq.s32 s10, $0x1;
	s10 =	sld [smem:$0x3FB4]  }
0x3d: {  	_ =	shalt  }
0x3e: {  	_ =	shalt  }
0x3f: {  	_ =	shalt  }
0x40: {  	_ =	shalt  }
0x41: {  	_ =	shalt  }
0x42: {  	_ =	shalt  }
0x43: {  	_ =	shalt  }
0x44: {  	_ =	shalt  }
0x45: {  	_ =	shalt  }
0x46: {  	_ =	shalt  }
0x47: {  	_ =	shalt  }
0x48: {  	_ =	shalt  }
0x49: {  	_ =	shalt  }
0x4a: {  	_ =	shalt  }
0x4b: {  	_ =	shalt  }
0x4c: {  	_ =	shalt  }
0x4d: {  	_ =	shalt  }
0x4e: {  	_ =	shalt  }
0x4f: {  	_ =	shalt  }
0x50: {  	_ =	shalt  }
0x51: {  	_ =	shalt  }
0x52: {  	_ =	shalt  }
0x53: {  	_ =	shalt  }
0x54: {  	_ =	shalt  }
0x55: {  	_ =	shalt  }
0x56: {  	_ =	shalt  }
0x57: {  	_ =	shalt  }
0x58: {  	_ =	shalt  }
0x59: {  	_ =	shalt  }
0x5a: {  	_ =	shalt  }
0x5b: {  	_ =	shalt  }
0x5c: {  	_ =	shalt  }
0x5d: {  	_ =	shalt  }
0x5e: {  	_ =	shalt  }
0x5f: {  	_ =	shalt  }
0x60: {  	_ =	shalt  }
0x61: {  	_ =	shalt  }
0x62: {  	_ =	shalt  }
0x63: {  	_ =	shalt  }
0x64: {  	_ =	shalt  }
0x65: {  	_ =	shalt  }
0x66: {  	_ =	shalt  }
0x67: {  	_ =	shalt  }
0x68: {  	_ =	shalt  }
0x69: {  	_ =	shalt  }
0x6a: {  	_ =	shalt  }
0x6b: {  	_ =	shalt  }
0x6c: {  	_ =	shalt  }
0x6d: {  	_ =	shalt  }
0x6e: {  	_ =	shalt  }
0x6f: {  	_ =	shalt  }
0x70: {  	_ =	shalt  }
0x71: {  	_ =	shalt  }
0x72: {  	_ =	shalt  }
0x73: {  	_ =	shalt  }
0x74: {  	_ =	shalt  }
0x75: {  	_ =	shalt  }
0x76: {  	_ =	shalt  }
0x77: {  	_ =	shalt  }
0x78: {  	_ =	shalt  }
0x79: {  	_ =	shalt  }
0x7a: {  	_ =	shalt  }
0x7b: {  	_ =	shalt  }
0x7c: {  	_ =	shalt  }
0x7d: {  	_ =	shalt  }
0x7e: {  	_ =	shalt  }
0x7f: {  	_ =	shalt  }
0x80: {  	_ =	shalt  }
0x81: {  	_ =	shalt  }
0x82: {  	_ =	shalt  }
0x83: {  	_ =	shalt  }
0x84: {  	_ =	shalt  }
0x85: {  	_ =	shalt  }
0x86: {  	_ =	shalt  }
0x87: {  	_ =	shalt  }
.Lfunc_end0:
.L_simem_size_0:
called_computation_lowered:
.L_overlay_start_0:
0x88: {  	s2 =	sld [smem:$0x3FD9]  }
0x89: {  	s3 =	sld [smem:$0x3FFE];
	_ =	sdelay $0x1  }
0x8a: {  	s1 =	srdreg.scid  }
0x8b: {  	s0 =	sand.u32 $0x1, s1  }
0x8c: {  	s17 =	sshll.u32 s0, $0xA;
	s2 =	sadd.s32 s3, s2  }
0x8d: {  	s2 =	sadd.s32 s2, s17  }
0x8e: {  	[smem:$0x3FC0] =	sst s2  }
0x8f: {  	_ = 	snop  }
0x90: {  	s2 =	sld [smem:$0x3FD0];
	(tm) =	ssettm $0x1  }
0x91: {  	s18 =	sld [smem:$0x3FFB];
	_ =	sdelay $0x3  }
0x92: {  	_ =	strace s18  }
0x93: {  	s3 =	sld [smem:$0x3FFC];
	_ =	sdelay $0x3  }
0x94: {  	_ =	strace s3  }
0x95: {  	s3 =	sld [smem:$0x3FFD];
	_ =	sdelay $0x3  }
0x96: {  	_ =	strace s3  }
0x97: {  	_ =	strace $0x8FFFFFFF  }
0x98: {  	s19 =	sld [smem:$0x3FDB];
	_ =	sdelay $0x1  }
0x99: {  	s4 =	simm.s32 $_scs_section_size  }
0x9a: {  	s5 =	simm.s32 $_size__tile_overlayer_lowered;
	s6 =	simm.s32 $_tile_overlayer_lowered  }
0x9b: {  	s22 =	simm.s32 $0x1BFF;
	s21 =	sshll.u32 s6, $0x1;
	s3 =	sadd.s32 s4, s19  }
0x9c: {  	s7 =	simm.s32 $0x0;
	s20 =	sshll.u32 s5, $0x1;
	s5 =	sadd.s32 s21, s3  }
0x9d: {  	[timem:s7], [sflag:s22] =	dma.local [hbm:s5], s20  }
0x9e: {  	_ =	swait.ge [sflag:s22], s20  }
0x9f: {  	s4 =	ssub.s32 $0x0, s20;
	[sflag:s22] =	ssyncset.done $0x0  }
0xa0: {  	[sflag:s22] =	ssyncadd.s32 s4;
	_ =	sdelay $0x1  }
0xa1: {  	s23 =	simm.s32 $0x1B8B  }
0xa2: {  	_ =	swait.ge [sflag:s23], $0x1  }
0xa3: {  	[sflag:s23] =	ssyncset.done $0x0  }
0xa4: {  	s25 =	simm.s32 $0x1B8E;
	s24 =	sld [smem:$0x3FFE];
	[sflag:s23] =	ssyncadd.s32 $0xFFFFFFFF  }
0xa5: {  	s26 =	simm.s32 $execute0_lowered;
	[smem:$0x3FD2] =	sst s25  }
0xa6: {  	s5 =	sshll.u32 s26, $0x1;
	_ =	strace $0x80000046;
	[dreg:$0x1] =	wrdreg $0xFFFFFFFF  }
0xa7: {  	s28 =	simm.s32 $_size_execute0_lowered;
	s3 =	sadd.s32 s3, s5;
	[dreg:$0x0] =	wrdreg $0x0  }
0xa8: {  	s5 =	sshll.u32 s28, $0x1;
	[dreg:$0x2] =	wrdreg s3  }
0xa9: {  	[dreg:$0x3] =	wrdreg s5  }
0xaa: {  	[dreg:$0x4] =	wrdreg $0xC0  }
0xab: {  	_ =	task [dreg:s7], $0x5FFFF  }
0xac: {  	[dreg:$0x1] =	wrdreg $0xFFFFFFFF  }
0xad: {  	[dreg:$0x0] =	wrdreg $0x60  }
0xae: {  	[dreg:$0x2] =	wrdreg s24  }
0xaf: {  	[dreg:$0x3] =	wrdreg s2  }
0xb0: {  	[dreg:$0x4] =	wrdreg $0x10000  }
0xb1: {  	[dreg:$0x5] =	wrdreg $0x1D0800  }
0xb2: {  	[dreg:$0x6] =	wrdreg $0x9  }
0xb3: {  	_ =	task.clear_ibuf [dreg:s7], $0x7FFFF;
	_ =	strace $0x90000046  }
0xb4: {  	s29 =	simm.s32 $0x9;
	_ =	strace $0x80000048  }
0xb5: {  	_ =	swait.ge [sflag:s29], $0x1  }
0xb6: {  	[sflag:s29] =	ssyncadd.s32 $0xFFFFFFFF  }
0xb7: {  	_ =	strace $0x90000048  }
0xb8: {  	_ =	sfence  }
0xb9: {  	s30 =	sld [smem:$0x0];
	_ =	sdelay $0x2  }
0xba: {  	s31 =	sshll.u32 s1, $0xD;
	s1 =	sshrl.u32 s1, $0x2  }
0xbb: {  	s3 =	sand.u32 $0x4000, s31;
	s1 =	sadd.s32 s1, s30  }
0xbc: {  	s0 =	sor.u32 s3, s0;
	s1 =	sshll.u32 s1, $0x11  }
0xbd: {  	s0 =	sor.u32 s1, s0  }
0xbe: {  	s0 =	sadd.s32 $0x8F2B, s0  }
0xbf: {  	[sflag:s0] =	ssyncadd.remote.s32 $0x1  }
0xc0: {  	_ =	sfence.sel $0xFFFF  }
0xc1: {  	[dreg:$0x0] =	wrdreg $0xFFFFFFFF;
	(pc) =	sbr.abs _section_cstart, $3  }
0xc2: {  	[dreg:$0x1] =	wrdreg $0xFFFFFFFF  }
0xc3: {  	_ =	task.clear_ibuf [dreg:s7], $0x2FFFF;
	_ =	strace $0x9FFFFFFF  }
0xc4: {  	(tm) =	ssettm $0x7FFFFFFF  }
0xc5: {  	_ =	shalt  }
tec
execute0_lowered:
.L_overlay_start_1:
0x0: {  	(tag) =	ssettag $0x1  }
0x1: {  	s0 =	rddreg [dreg:$0x0]  }
0x2: {  	s3 =	rddreg [dreg:$0x1]  }
0x3: {  	s1 =	rddreg [dreg:$0x2]  }
0x4: {  	s2 =	rddreg [dreg:$0x3]  }
0x5: {  	s4 =	srdreg.scid;
	s22 =	stileid.u32  }
0x6: {  	s28 =	simm.s32 $0x15000;
	s29 =	simm.s32 $0x19000;
	s7 =	smul.u32 $0x500, s22  }
0x7: {  	s30 =	simm.s32 $0x1;
	s31 =	simm.s32 $0x1D000;
	s12 =	smul.u32 $0x280, s22  }
0x8: {  	s5 =	sand.u32 $0x1, s4;
	s4 =	simm.s32 $0x0;
	s14 =	smul.u32 $0x14000, s22  }
0x9: {  	s8 =	sadd.s32 $0x35000, s0;
	s6 =	smul.u32 $0x5000, s5;
	[smem:$0x7FF] =	sst s4  }
0xa: {  	s9 =	sshll.u32 s5, $0x7;
	s10 =	ssub.s32 $0x2, s5;
	s5 =	smul.u32 $0x140000, s5  }
0xb: {  	s9 =	sor.u32 s9, s7;
	s11 =	sshrl.u32 s10, $0x1;
	s13 =	sadd.s32 $0x80, s12  }
0xc: {  	s16 =	sadd.s32 $0x100, s12;
	s18 =	sadd.s32 $0x180, s12;
	s15 =	ssub.s32 s10, s11  }
0xd: {  	s17 =	sshll.u32 s13, $0x7;
	s24 =	sadd.s32 s14, s5;
	s14 =	sadd.s32 $0x200, s12  }
0xe: {  	s19 =	sshll.u32 s16, $0x7;
	s20 =	sshll.u32 s18, $0x7;
	s3 =	sadd.s32 s6, s3  }
0xf: {  	s6 =	sadd.s32 s6, s0;
	s25 =	sadd.s32 s5, s17;
	s10 =	sshrl.u32 s24, $0x3  }
0x10: {  	s21 =	sshll.u32 s14, $0x7;
	s23 =	sadd.s32 s5, s20;
	s14 =	sadd.s32 s14, s2  }
0x11: {  	s3 =	sadd.s32 s7, s3;
	s6 =	sadd.s32 s7, s6;
	s11 =	sshrl.u32 s25, $0x3  }
0x12: {  	s10 =	sadd.s32 s8, s10;
	s24 =	sshrl.u32 s23, $0x3;
	s25 =	smul.u32 $0x50000, s22  }
0x13: {  	s22 =	smax.u32 s15, $0x1;
	s26 =	sadd.s32 s8, s11;
	s11 =	sadd.s32 s5, s19  }
0x14: {  	[dreg:$0x8] =	wrdreg s10;
	s5 =	sadd.s32 s5, s21;
	s10 =	sshrl.u32 s11, $0x3  }
0x15: {  	[dreg:$0x9] =	wrdreg s26;
	s5 =	sshrl.u32 s5, $0x3;
	s10 =	sadd.s32 s8, s10  }
0x16: {  	s26 =	sshrl.u32 s9, $0x3;
	s5 =	sadd.s32 s8, s5;
	[dreg:$0xa] =	wrdreg s10  }
0x17: {  	s10 =	sadd.s32 s8, s24;
	[dreg:$0xc] =	wrdreg s5;
	s5 =	sshrl.u32 s25, $0x2  }
0x18: {  	[dreg:$0xb] =	wrdreg s10;
	s11 =	sadd.s32 s5, s1;
	s5 =	sadd.s32 s12, s2  }
0x19: {  	s9 =	sadd.s32 s13, s2;
	_ =	strace $0x80000047;
	[dreg:$0xd] =	wrdreg s5  }
0x1a: {  	s23 =	simm.s32 $0x100;
	s12 =	sadd.s32 s16, s2;
	[dreg:$0xe] =	wrdreg s9  }
0x1b: {  	s15 =	simm.s32 $0x600;
	s13 =	sadd.s32 s18, s2;
	[dreg:$0xf] =	wrdreg s12  }
0x1c: {  	s18 =	sadd.s32 s20, s1;
	s8 =	sadd.s32 s26, s0;
	[dreg:$0x10] =	wrdreg s13  }
0x1d: {  	s16 =	sadd.s32 s17, s1;
	s17 =	sadd.s32 s19, s1;
	[dreg:$0x11] =	wrdreg s14  }
0x1e: {  	s19 =	sadd.s32 s21, s1;
	s21 =	sadd.s32 $0x34600, s8;
	[dreg:$0x5] =	wrdreg s3  }
0x1f: {  	s20 =	sadd.s32 $0x2600, s6;
	s6 =	simm.s32 $0x4;
	[dreg:$0x12] =	wrdreg s21  }
0x20: {  	s25 =	sshrl.u32 s18, $0x3;
	s18 =	simm.s32 $0x300;
	[dreg:$0x13] =	wrdreg s22  }
0x21: {  	s10 =	sadd.s32 $0xC600, s0;
	s8 =	simm.s32 $0x500;
	[dreg:$0x6] =	wrdreg s20  }
0x22: {  	s20 =	simm.s32 $0x6;
	[dreg:$0x7] =	wrdreg s23;
	s21 =	simm.s32 $0x400  }
0x23: {  	s0 =	sshrl.u32 s16, $0x3;
	s24 =	sshrl.u32 s17, $0x3;
	[dreg:$0x16] =	wrdreg s25  }
0x24: {  	s26 =	sshrl.u32 s19, $0x3;
	s3 =	simm.s32 $0x2;
	s5 =	simm.s32 $0x480  }
0x25: {  	s13 =	simm.s32 $0x580;
	s17 =	simm.s32 $0x680;
	[dreg:$0x14] =	wrdreg s0  }
0x26: {  	s22 =	simm.s32 $0x700;
	s23 =	simm.s32 $0x780;
	[dreg:$0x15] =	wrdreg s24  }
0x27: {  	s9 =	simm.s32 $0x0;
	s16 =	simm.s32 $0x280;
	[dreg:$0x17] =	wrdreg s26  }
0x28: {  	v0 =	vimm.f32 $0.0e+00;
	v1 =	vimm.f32 $1.000000000e+00;
	s26 =	simm.s32 $0x80;
	s0 =	simm.s32 $0x3;
	s24 =	simm.s32 $0x5  }
.LBB2_1:
0x29: {  	s12 =	simm.s32 $0x0;
	s25 =	simm.s32 $0x200  }
.LBB2_2:
0x2a: {  	p0 =	sne.s32 s25, $0x1E00;
	[tilespmem:s12+$0x870] =	vst v0  }
0x2b: {  	[tilespmem:s12+$0x800] =	vst v0  }
0x2c: {  	[tilespmem:s12+$0x810] =	vst v0  }
.Ltmp0:
0x2d: {  	[tilespmem:s12+$0x820] =	vst v0;
	(pc) =	sbr.rel @p0 .LBB2_2-.Ltmp0, $4  }
0x2e: {  	[tilespmem:s12+$0x830] =	vst v0  }
0x2f: {  	[tilespmem:s12+$0x840] =	vst v0  }
0x30: {  	[tilespmem:s12+$0x850] =	vst v0  }
0x31: {  	[tilespmem:s12+$0x860] =	vst v0;
	s12 =	sshra.s32 s25, $0x2;
	s25 =	sadd.s32 $0x200, s25  }
0x32: {  	[tilespmem:s12+$0x870] =	vst v0  }
0x33: {  	[tilespmem:s12+$0x800] =	vst v0  }
0x34: {  	[tilespmem:s12+$0x810] =	vst v0  }
0x35: {  	[tilespmem:s12+$0x820] =	vst v0  }
0x36: {  	[tilespmem:s12+$0x830] =	vst v0  }
0x37: {  	[tilespmem:s12+$0x840] =	vst v0  }
0x38: {  	[tilespmem:s12+$0x850] =	vst v0  }
0x39: {  	[tilespmem:s12+$0x860] =	vst v0  }
0x3a: {  	[tilespmem:$0x1D000] =	vst v1  }
0x3b: {  	[tilespmem:$0x1D010] =	vst v1  }
0x3c: {  	[tilespmem:$0x1D020] =	vst v1  }
0x3d: {  	[tilespmem:$0x1D030] =	vst v1  }
0x3e: {  	[tilespmem:$0x1D040] =	vst v1  }
0x3f: {  	[tilespmem:$0x1D050] =	vst v1  }
0x40: {  	[tilespmem:$0x1D060] =	vst v1  }
0x41: {  	[dreg:$0x18] =	wrdreg s9;
	s19 =	sadd.s32 $0x0, s11;
	s25 =	simm.s32 $0x800;
	[tilespmem:$0x1D070] =	vst v1  }
0x42: {  	[spmem:s19] =	stream.linear.scatter [tilespmem:s25], [sflag:$0x6], $0x800, $0x38;
	[tilespmem:$0x1D300] =	vst v63  }
0x43: {  	s12 =	simm.s32 $0x2000;
	_ =	swait.ge [sflag:s20], $0x800  }
.LBB2_4:
0x44: {  	s19 =	sshra.s32 s12, $0x2;
	[sflag:s20] =	ssyncset.done $0x0;
	p0 =	sne.s32 s12, $0x4E000  }
.Ltmp1:
0x45: {  	s19 =	sadd.s32 s19, s11;
	[sflag:s20] =	ssyncadd.s32 $0xFFFFF800;
	(pc) =	sbr.rel @p0 .LBB2_4-.Ltmp1, $3  }
0x46: {  	[spmem:s19] =	stream.linear.scatter [tilespmem:s25], [sflag:$0x6], $0x800, $0x38;
	[tilespmem:$0x1D300] =	vst v63  }
0x47: {  	s12 =	sadd.s32 $0x2000, s12;
	_ =	sdelay $0x1  }
0x48: {  	_ =	swait.ge [sflag:s20], $0x800  }
0x49: {  	[sflag:s20] =	ssyncset.done $0x0  }
0x4a: {  	s7 =	rddreg [dreg:$0xd];
	[sflag:s20] =	ssyncadd.s32 $0xFFFFF800  }
0x4b: {  	[spmem:s7] =	stream.linear.scatter [tilespmem:s25], [sflag:$0x6], $0x80, $0x38;
	[tilespmem:$0x1D300] =	vst v63  }
0x4c: {  	_ =	swait.ge [sflag:s20], $0x80  }
0x4d: {  	[sflag:s20] =	ssyncset.done $0x0  }
0x4e: {  	s14 =	rddreg [dreg:$0xe];
	[sflag:s20] =	ssyncadd.s32 $0xFFFFFF80  }
0x4f: {  	[spmem:s14] =	stream.linear.scatter [tilespmem:s25], [sflag:$0x6], $0x80, $0x38;
	[tilespmem:$0x1D300] =	vst v63  }
0x50: {  	_ =	swait.ge [sflag:s20], $0x80  }
0x51: {  	[sflag:s20] =	ssyncset.done $0x0  }
0x52: {  	s19 =	rddreg [dreg:$0xf];
	[sflag:s20] =	ssyncadd.s32 $0xFFFFFF80  }
0x53: {  	[spmem:s19] =	stream.linear.scatter [tilespmem:s25], [sflag:$0x6], $0x80, $0x38;
	[tilespmem:$0x1D300] =	vst v63  }
0x54: {  	_ =	swait.ge [sflag:s20], $0x80  }
0x55: {  	[sflag:s20] =	ssyncset.done $0x0  }
0x56: {  	s9 =	rddreg [dreg:$0x10];
	[sflag:s20] =	ssyncadd.s32 $0xFFFFFF80  }
0x57: {  	[spmem:s9] =	stream.linear.scatter [tilespmem:s25], [sflag:$0x6], $0x80, $0x38;
	[tilespmem:$0x1D300] =	vst v63  }
0x58: {  	_ =	swait.ge [sflag:s20], $0x80  }
0x59: {  	[sflag:s20] =	ssyncset.done $0x0  }
0x5a: {  	s12 =	rddreg [dreg:$0x11];
	[sflag:s20] =	ssyncadd.s32 $0xFFFFFF80  }
0x5b: {  	[spmem:s12] =	stream.linear.scatter [tilespmem:s25], [sflag:$0x6], $0x80, $0x38;
	[tilespmem:$0x1D300] =	vst v63  }
0x5c: {  	_ =	swait.ge [sflag:s20], $0x80  }
0x5d: {  	[sflag:s20] =	ssyncset.done $0x0  }
0x5e: {  	[sflag:s20] =	ssyncadd.s32 $0xFFFFFF80  }
0x5f: {  	[bflag:$0x0] =	sbarrier.arrive $0xFFFF  }
0x60: {  	s12 =	rddreg [dreg:$0x6]  }
0x61: {  	s12 =	sadd.s32 $0x0, s12  }
0x62: {  	[tilespmem:s4], [sflag:$0x6] =	stream.linear.gather [hbm4b:s12+s4], $0x400, $0x38;
	[tilespmem:$0x1D300] =	vst v63  }
0x63: {  	_ =	swait.ge [sflag:s20], $0x400  }
0x64: {  	s14 =	rddreg [dreg:$0x5];
	[sflag:s20] =	ssyncset.done $0x0  }
0x65: {  	[sflag:s20] =	ssyncadd.s32 $0xFFFFFC00;
	s12 =	sadd.s32 $0x0, s14  }
0x66: {  	[tilespmem:s21], [sflag:$0x6] =	stream.linear.gather [hbm4b:s12+s4], $0x400, $0x38;
	[tilespmem:$0x1D300] =	vst v63  }
0x67: {  	_ =	swait.ge [sflag:s20], $0x400  }
0x68: {  	[sflag:s20] =	ssyncset.done $0x0  }
0x69: {  	[sflag:s20] =	ssyncadd.s32 $0xFFFFFC00  }
0x6a: {  	[tilespmem:s28], [sflag:$0x1] =	stream.indirect.gather [hbm4b:s10+s26], $0x80, s4, s26, $0xb8;
	[tilespmem:$0x1D300] =	vst v63  }
0x6b: {  	_ = 	snop  }
0x6c: {  	[tilespmem:s29], [sflag:$0x2] =	stream.indirect.gather [hbm4b:s10+s26], $0x80, s26, s26, $0xb8;
	[tilespmem:$0x1D300] =	vst v63  }
0x6d: {  	_ =	swait.ge [sflag:s30], $0x4000  }
0x6e: {  	[sflag:s30] =	ssyncset.done $0x0  }
0x6f: {  	[sflag:s30] =	ssyncadd.s32 $0xFFFFC000  }
0x70: {  	[spmem:s1] =	stream.indirect.scatter.add.f32 [tilespmem:s28], [sflag:$0x3], $0x80, s21, s26, $0xb8;
	[tilespmem:$0x1D300] =	vst v63  }
0x71: {  	_ = 	snop  }
0x72: {  	[spmem:s2] =	stream.indirect.scatter.add.f32 [tilespmem:s31], [sflag:$0x5], $0x1, s21, s26, $0xb8;
	[tilespmem:$0x1D300] =	vst v63  }
0x73: {  	_ =	swait.ge [sflag:s0], $0x4000  }
0x74: {  	[sflag:s0] =	ssyncset.done $0x0  }
0x75: {  	s19 =	rddreg [dreg:$0x7];
	[sflag:s0] =	ssyncadd.s32 $0xFFFFC000  }
0x76: {  	[tilespmem:s28], [sflag:$0x1] =	stream.indirect.gather [hbm4b:s10+s26], $0x80, s19, s26, $0xb8;
	[tilespmem:$0x1D300] =	vst v63  }
0x77: {  	_ =	swait.ge [sflag:s3], $0x4000  }
0x78: {  	[sflag:s3] =	ssyncset.done $0x0  }
0x79: {  	[sflag:s3] =	ssyncadd.s32 $0xFFFFC000  }
0x7a: {  	[spmem:s1] =	stream.indirect.scatter.add.f32 [tilespmem:s29], [sflag:$0x4], $0x80, s5, s26, $0xb8;
	[tilespmem:$0x1D300] =	vst v63  }
0x7b: {  	_ = 	snop  }
0x7c: {  	[spmem:s2] =	stream.indirect.scatter.add.f32 [tilespmem:s31], [sflag:$0x5], $0x1, s5, s26, $0xb8;
	[tilespmem:$0x1D300] =	vst v63  }
0x7d: {  	_ =	swait.ge [sflag:s6], $0x4000  }
0x7e: {  	[sflag:s6] =	ssyncset.done $0x0  }
0x7f: {  	s9 =	simm.s32 $0x180;
	[sflag:s6] =	ssyncadd.s32 $0xFFFFC000  }
0x80: {  	[tilespmem:s29], [sflag:$0x2] =	stream.indirect.gather [hbm4b:s10+s26], $0x80, s9, s26, $0xb8;
	[tilespmem:$0x1D300] =	vst v63  }
0x81: {  	_ =	swait.ge [sflag:s30], $0x4000  }
0x82: {  	[sflag:s30] =	ssyncset.done $0x0  }
0x83: {  	[sflag:s30] =	ssyncadd.s32 $0xFFFFC000  }
0x84: {  	[spmem:s1] =	stream.indirect.scatter.add.f32 [tilespmem:s28], [sflag:$0x3], $0x80, s8, s26, $0xb8;
	[tilespmem:$0x1D300] =	vst v63  }
0x85: {  	_ = 	snop  }
0x86: {  	[spmem:s2] =	stream.indirect.scatter.add.f32 [tilespmem:s31], [sflag:$0x5], $0x1, s8, s26, $0xb8;
	[tilespmem:$0x1D300] =	vst v63  }
0x87: {  	_ =	swait.ge [sflag:s0], $0x4000  }
0x88: {  	[sflag:s0] =	ssyncset.done $0x0  }
0x89: {  	s14 =	simm.s32 $0x200;
	[sflag:s0] =	ssyncadd.s32 $0xFFFFC000  }
0x8a: {  	[tilespmem:s28], [sflag:$0x1] =	stream.indirect.gather [hbm4b:s10+s26], $0x80, s14, s26, $0xb8;
	[tilespmem:$0x1D300] =	vst v63  }
0x8b: {  	_ =	swait.ge [sflag:s3], $0x4000  }
0x8c: {  	[sflag:s3] =	ssyncset.done $0x0  }
0x8d: {  	[sflag:s3] =	ssyncadd.s32 $0xFFFFC000  }
0x8e: {  	[spmem:s1] =	stream.indirect.scatter.add.f32 [tilespmem:s29], [sflag:$0x4], $0x80, s13, s26, $0xb8;
	[tilespmem:$0x1D300] =	vst v63  }
0x8f: {  	_ = 	snop  }
0x90: {  	[spmem:s2] =	stream.indirect.scatter.add.f32 [tilespmem:s31], [sflag:$0x5], $0x1, s13, s26, $0xb8;
	[tilespmem:$0x1D300] =	vst v63  }
0x91: {  	_ =	swait.ge [sflag:s6], $0x4000  }
0x92: {  	[sflag:s6] =	ssyncset.done $0x0  }
0x93: {  	[sflag:s6] =	ssyncadd.s32 $0xFFFFC000  }
0x94: {  	[tilespmem:s29], [sflag:$0x2] =	stream.indirect.gather [hbm4b:s10+s26], $0x80, s16, s26, $0xb8;
	[tilespmem:$0x1D300] =	vst v63  }
0x95: {  	_ =	swait.ge [sflag:s30], $0x4000  }
0x96: {  	[sflag:s30] =	ssyncset.done $0x0  }
0x97: {  	[sflag:s30] =	ssyncadd.s32 $0xFFFFC000  }
0x98: {  	[spmem:s1] =	stream.indirect.scatter.add.f32 [tilespmem:s28], [sflag:$0x3], $0x80, s15, s26, $0xb8;
	[tilespmem:$0x1D300] =	vst v63  }
0x99: {  	_ = 	snop  }
0x9a: {  	[spmem:s2] =	stream.indirect.scatter.add.f32 [tilespmem:s31], [sflag:$0x5], $0x1, s15, s26, $0xb8;
	[tilespmem:$0x1D300] =	vst v63  }
0x9b: {  	_ =	swait.ge [sflag:s0], $0x4000  }
0x9c: {  	[sflag:s0] =	ssyncset.done $0x0  }
0x9d: {  	[sflag:s0] =	ssyncadd.s32 $0xFFFFC000  }
0x9e: {  	[tilespmem:s28], [sflag:$0x1] =	stream.indirect.gather [hbm4b:s10+s26], $0x80, s18, s26, $0xb8;
	[tilespmem:$0x1D300] =	vst v63  }
0x9f: {  	_ =	swait.ge [sflag:s3], $0x4000  }
0xa0: {  	[sflag:s3] =	ssyncset.done $0x0  }
0xa1: {  	[sflag:s3] =	ssyncadd.s32 $0xFFFFC000  }
0xa2: {  	[spmem:s1] =	stream.indirect.scatter.add.f32 [tilespmem:s29], [sflag:$0x4], $0x80, s17, s26, $0xb8;
	[tilespmem:$0x1D300] =	vst v63  }
0xa3: {  	_ = 	snop  }
0xa4: {  	[spmem:s2] =	stream.indirect.scatter.add.f32 [tilespmem:s31], [sflag:$0x5], $0x1, s17, s26, $0xb8;
	[tilespmem:$0x1D300] =	vst v63  }
0xa5: {  	_ =	swait.ge [sflag:s6], $0x4000  }
0xa6: {  	[sflag:s6] =	ssyncset.done $0x0  }
0xa7: {  	s25 =	simm.s32 $0x380;
	[sflag:s6] =	ssyncadd.s32 $0xFFFFC000  }
0xa8: {  	[tilespmem:s29], [sflag:$0x2] =	stream.indirect.gather [hbm4b:s10+s26], $0x80, s25, s26, $0xb8;
	[tilespmem:$0x1D300] =	vst v63  }
0xa9: {  	_ =	swait.ge [sflag:s30], $0x4000  }
0xaa: {  	[sflag:s30] =	ssyncset.done $0x0  }
0xab: {  	[sflag:s30] =	ssyncadd.s32 $0xFFFFC000  }
0xac: {  	[spmem:s1] =	stream.indirect.scatter.add.f32 [tilespmem:s28], [sflag:$0x3], $0x80, s22, s26, $0xb8;
	[tilespmem:$0x1D300] =	vst v63  }
0xad: {  	_ = 	snop  }
0xae: {  	[spmem:s2] =	stream.indirect.scatter.add.f32 [tilespmem:s31], [sflag:$0x5], $0x1, s22, s26, $0xb8;
	[tilespmem:$0x1D300] =	vst v63  }
0xaf: {  	_ =	swait.ge [sflag:s3], $0x4000  }
0xb0: {  	[sflag:s3] =	ssyncset.done $0x0  }
0xb1: {  	[sflag:s3] =	ssyncadd.s32 $0xFFFFC000  }
0xb2: {  	[spmem:s1] =	stream.indirect.scatter.add.f32 [tilespmem:s29], [sflag:$0x4], $0x80, s23, s26, $0xb8;
	[tilespmem:$0x1D300] =	vst v63  }
0xb3: {  	_ = 	snop  }
0xb4: {  	[spmem:s2] =	stream.indirect.scatter.add.f32 [tilespmem:s31], [sflag:$0x5], $0x1, s23, s26, $0xb8;
	[tilespmem:$0x1D300] =	vst v63  }
0xb5: {  	_ =	swait.ge [sflag:s0], $0x4000  }
0xb6: {  	[sflag:s0] =	ssyncset.done $0x0  }
0xb7: {  	[sflag:s0] =	ssyncadd.s32 $0xFFFFC000  }
0xb8: {  	_ =	swait.ge [sflag:s6], $0x4000  }
0xb9: {  	[sflag:s6] =	ssyncset.done $0x0  }
0xba: {  	[sflag:s6] =	ssyncadd.s32 $0xFFFFC000  }
0xbb: {  	_ =	swait.ge [sflag:s24], $0x80  }
0xbc: {  	[sflag:s24] =	ssyncset.done $0x0  }
0xbd: {  	[sflag:s24] =	ssyncadd.s32 $0xFFFFFF80  }
0xbe: {  	_ =	swait.ge [sflag:s24], $0x80  }
0xbf: {  	[sflag:s24] =	ssyncset.done $0x0  }
0xc0: {  	[sflag:s24] =	ssyncadd.s32 $0xFFFFFF80  }
0xc1: {  	_ =	swait.ge [sflag:s24], $0x80  }
0xc2: {  	[sflag:s24] =	ssyncset.done $0x0  }
0xc3: {  	[sflag:s24] =	ssyncadd.s32 $0xFFFFFF80  }
0xc4: {  	_ =	swait.ge [sflag:s24], $0x80  }
0xc5: {  	[sflag:s24] =	ssyncset.done $0x0  }
0xc6: {  	[sflag:s24] =	ssyncadd.s32 $0xFFFFFF80  }
0xc7: {  	_ =	swait.ge [sflag:s24], $0x80  }
0xc8: {  	[sflag:s24] =	ssyncset.done $0x0  }
0xc9: {  	[sflag:s24] =	ssyncadd.s32 $0xFFFFFF80  }
0xca: {  	_ =	swait.ge [sflag:s24], $0x80  }
0xcb: {  	[sflag:s24] =	ssyncset.done $0x0  }
0xcc: {  	[sflag:s24] =	ssyncadd.s32 $0xFFFFFF80  }
0xcd: {  	_ =	swait.ge [sflag:s24], $0x80  }
0xce: {  	[sflag:s24] =	ssyncset.done $0x0  }
0xcf: {  	[sflag:s24] =	ssyncadd.s32 $0xFFFFFF80  }
0xd0: {  	s12 =	simm.s32 $0x80;
	_ =	swait.ge [sflag:s24], $0x80  }
0xd1: {  	s25 =	simm.s32 $0x100;
	s19 =	rddreg [dreg:$0x6];
	[sflag:s24] =	ssyncset.done $0x0  }
.LBB2_6:
0xd2: {  	[sflag:s24] =	ssyncadd.s32 $0xFFFFFF80;
	s19 =	sadd.s32 s12, s19  }
0xd3: {  	[tilespmem:s4], [sflag:$0x6] =	stream.linear.gather [hbm4b:s19+s4], $0x400, $0x38;
	[tilespmem:$0x1D300] =	vst v63  }
0xd4: {  	_ =	swait.ge [sflag:s20], $0x400  }
0xd5: {  	s19 =	rddreg [dreg:$0x5];
	[sflag:s20] =	ssyncset.done $0x0  }
0xd6: {  	[sflag:s20] =	ssyncadd.s32 $0xFFFFFC00;
	s19 =	sadd.s32 s12, s19  }
0xd7: {  	[tilespmem:s21], [sflag:$0x6] =	stream.linear.gather [hbm4b:s19+s4], $0x400, $0x38;
	[tilespmem:$0x1D300] =	vst v63  }
0xd8: {  	_ =	swait.ge [sflag:s20], $0x400  }
0xd9: {  	[sflag:s20] =	ssyncset.done $0x0  }
0xda: {  	[sflag:s20] =	ssyncadd.s32 $0xFFFFFC00  }
0xdb: {  	[tilespmem:s28], [sflag:$0x1] =	stream.indirect.gather [hbm4b:s10+s26], $0x80, s4, s26, $0xb8;
	[tilespmem:$0x1D300] =	vst v63  }
0xdc: {  	_ = 	snop  }
0xdd: {  	[tilespmem:s29], [sflag:$0x2] =	stream.indirect.gather [hbm4b:s10+s26], $0x80, s26, s26, $0xb8;
	[tilespmem:$0x1D300] =	vst v63  }
0xde: {  	_ =	swait.ge [sflag:s30], $0x4000  }
0xdf: {  	[sflag:s30] =	ssyncset.done $0x0  }
0xe0: {  	[sflag:s30] =	ssyncadd.s32 $0xFFFFC000  }
0xe1: {  	[spmem:s1] =	stream.indirect.scatter.add.f32 [tilespmem:s28], [sflag:$0x3], $0x80, s21, s26, $0xb8;
	[tilespmem:$0x1D300] =	vst v63  }
0xe2: {  	_ = 	snop  }
0xe3: {  	[spmem:s2] =	stream.indirect.scatter.add.f32 [tilespmem:s31], [sflag:$0x5], $0x1, s21, s26, $0xb8;
	[tilespmem:$0x1D300] =	vst v63  }
0xe4: {  	_ =	swait.ge [sflag:s0], $0x4000  }
0xe5: {  	[sflag:s0] =	ssyncset.done $0x0  }
0xe6: {  	s19 =	rddreg [dreg:$0x7];
	[sflag:s0] =	ssyncadd.s32 $0xFFFFC000  }
0xe7: {  	[tilespmem:s28], [sflag:$0x1] =	stream.indirect.gather [hbm4b:s10+s26], $0x80, s19, s26, $0xb8;
	[tilespmem:$0x1D300] =	vst v63  }
0xe8: {  	_ =	swait.ge [sflag:s3], $0x4000  }
0xe9: {  	[sflag:s3] =	ssyncset.done $0x0  }
0xea: {  	[sflag:s3] =	ssyncadd.s32 $0xFFFFC000  }
0xeb: {  	[spmem:s1] =	stream.indirect.scatter.add.f32 [tilespmem:s29], [sflag:$0x4], $0x80, s5, s26, $0xb8;
	[tilespmem:$0x1D300] =	vst v63  }
0xec: {  	_ = 	snop  }
0xed: {  	[spmem:s2] =	stream.indirect.scatter.add.f32 [tilespmem:s31], [sflag:$0x5], $0x1, s5, s26, $0xb8;
	[tilespmem:$0x1D300] =	vst v63  }
0xee: {  	_ =	swait.ge [sflag:s6], $0x4000  }
0xef: {  	[sflag:s6] =	ssyncset.done $0x0  }
0xf0: {  	[sflag:s6] =	ssyncadd.s32 $0xFFFFC000  }
0xf1: {  	[tilespmem:s29], [sflag:$0x2] =	stream.indirect.gather [hbm4b:s10+s26], $0x80, s9, s26, $0xb8;
	[tilespmem:$0x1D300] =	vst v63  }
0xf2: {  	_ =	swait.ge [sflag:s30], $0x4000  }
0xf3: {  	[sflag:s30] =	ssyncset.done $0x0  }
0xf4: {  	[sflag:s30] =	ssyncadd.s32 $0xFFFFC000  }
0xf5: {  	[spmem:s1] =	stream.indirect.scatter.add.f32 [tilespmem:s28], [sflag:$0x3], $0x80, s8, s26, $0xb8;
	[tilespmem:$0x1D300] =	vst v63  }
0xf6: {  	_ = 	snop  }
0xf7: {  	[spmem:s2] =	stream.indirect.scatter.add.f32 [tilespmem:s31], [sflag:$0x5], $0x1, s8, s26, $0xb8;
	[tilespmem:$0x1D300] =	vst v63  }
0xf8: {  	_ =	swait.ge [sflag:s0], $0x4000  }
0xf9: {  	[sflag:s0] =	ssyncset.done $0x0  }
0xfa: {  	[sflag:s0] =	ssyncadd.s32 $0xFFFFC000  }
0xfb: {  	[tilespmem:s28], [sflag:$0x1] =	stream.indirect.gather [hbm4b:s10+s26], $0x80, s14, s26, $0xb8;
	[tilespmem:$0x1D300] =	vst v63  }
0xfc: {  	_ =	swait.ge [sflag:s3], $0x4000  }
0xfd: {  	[sflag:s3] =	ssyncset.done $0x0  }
0xfe: {  	[sflag:s3] =	ssyncadd.s32 $0xFFFFC000  }
0xff: {  	[spmem:s1] =	stream.indirect.scatter.add.f32 [tilespmem:s29], [sflag:$0x4], $0x80, s13, s26, $0xb8;
	[tilespmem:$0x1D300] =	vst v63  }
0x100: {  	_ = 	snop  }
0x101: {  	[spmem:s2] =	stream.indirect.scatter.add.f32 [tilespmem:s31], [sflag:$0x5], $0x1, s13, s26, $0xb8;
	[tilespmem:$0x1D300] =	vst v63  }
0x102: {  	_ =	swait.ge [sflag:s6], $0x4000  }
0x103: {  	[sflag:s6] =	ssyncset.done $0x0  }
0x104: {  	[sflag:s6] =	ssyncadd.s32 $0xFFFFC000  }
0x105: {  	[tilespmem:s29], [sflag:$0x2] =	stream.indirect.gather [hbm4b:s10+s26], $0x80, s16, s26, $0xb8;
	[tilespmem:$0x1D300] =	vst v63  }
0x106: {  	_ =	swait.ge [sflag:s30], $0x4000  }
0x107: {  	[sflag:s30] =	ssyncset.done $0x0  }
0x108: {  	[sflag:s30] =	ssyncadd.s32 $0xFFFFC000  }
0x109: {  	[spmem:s1] =	stream.indirect.scatter.add.f32 [tilespmem:s28], [sflag:$0x3], $0x80, s15, s26, $0xb8;
	[tilespmem:$0x1D300] =	vst v63  }
0x10a: {  	_ = 	snop  }
0x10b: {  	[spmem:s2] =	stream.indirect.scatter.add.f32 [tilespmem:s31], [sflag:$0x5], $0x1, s15, s26, $0xb8;
	[tilespmem:$0x1D300] =	vst v63  }
0x10c: {  	_ =	swait.ge [sflag:s0], $0x4000  }
0x10d: {  	[sflag:s0] =	ssyncset.done $0x0  }
0x10e: {  	[sflag:s0] =	ssyncadd.s32 $0xFFFFC000  }
0x10f: {  	[tilespmem:s28], [sflag:$0x1] =	stream.indirect.gather [hbm4b:s10+s26], $0x80, s18, s26, $0xb8;
	[tilespmem:$0x1D300] =	vst v63  }
0x110: {  	_ =	swait.ge [sflag:s3], $0x4000  }
0x111: {  	[sflag:s3] =	ssyncset.done $0x0  }
0x112: {  	[sflag:s3] =	ssyncadd.s32 $0xFFFFC000  }
0x113: {  	[spmem:s1] =	stream.indirect.scatter.add.f32 [tilespmem:s29], [sflag:$0x4], $0x80, s17, s26, $0xb8;
	[tilespmem:$0x1D300] =	vst v63  }
0x114: {  	_ = 	snop  }
0x115: {  	[spmem:s2] =	stream.indirect.scatter.add.f32 [tilespmem:s31], [sflag:$0x5], $0x1, s17, s26, $0xb8;
	[tilespmem:$0x1D300] =	vst v63  }
0x116: {  	_ =	swait.ge [sflag:s6], $0x4000  }
0x117: {  	[sflag:s6] =	ssyncset.done $0x0  }
0x118: {  	s19 =	simm.s32 $0x380;
	[sflag:s6] =	ssyncadd.s32 $0xFFFFC000  }
0x119: {  	[tilespmem:s29], [sflag:$0x2] =	stream.indirect.gather [hbm4b:s10+s26], $0x80, s19, s26, $0xb8;
	[tilespmem:$0x1D300] =	vst v63  }
0x11a: {  	_ =	swait.ge [sflag:s30], $0x4000  }
0x11b: {  	[sflag:s30] =	ssyncset.done $0x0  }
0x11c: {  	[sflag:s30] =	ssyncadd.s32 $0xFFFFC000  }
0x11d: {  	[spmem:s1] =	stream.indirect.scatter.add.f32 [tilespmem:s28], [sflag:$0x3], $0x80, s22, s26, $0xb8;
	[tilespmem:$0x1D300] =	vst v63  }
0x11e: {  	_ = 	snop  }
0x11f: {  	[spmem:s2] =	stream.indirect.scatter.add.f32 [tilespmem:s31], [sflag:$0x5], $0x1, s22, s26, $0xb8;
	[tilespmem:$0x1D300] =	vst v63  }
0x120: {  	_ =	swait.ge [sflag:s3], $0x4000  }
0x121: {  	[sflag:s3] =	ssyncset.done $0x0  }
0x122: {  	[sflag:s3] =	ssyncadd.s32 $0xFFFFC000  }
0x123: {  	[spmem:s1] =	stream.indirect.scatter.add.f32 [tilespmem:s29], [sflag:$0x4], $0x80, s23, s26, $0xb8;
	[tilespmem:$0x1D300] =	vst v63  }
0x124: {  	_ = 	snop  }
0x125: {  	[spmem:s2] =	stream.indirect.scatter.add.f32 [tilespmem:s31], [sflag:$0x5], $0x1, s23, s26, $0xb8;
	[tilespmem:$0x1D300] =	vst v63  }
0x126: {  	_ =	swait.ge [sflag:s0], $0x4000  }
0x127: {  	[sflag:s0] =	ssyncset.done $0x0  }
0x128: {  	[sflag:s0] =	ssyncadd.s32 $0xFFFFC000  }
0x129: {  	_ =	swait.ge [sflag:s6], $0x4000  }
0x12a: {  	[sflag:s6] =	ssyncset.done $0x0  }
0x12b: {  	[sflag:s6] =	ssyncadd.s32 $0xFFFFC000  }
0x12c: {  	_ =	swait.ge [sflag:s24], $0x80  }
0x12d: {  	[sflag:s24] =	ssyncset.done $0x0  }
0x12e: {  	[sflag:s24] =	ssyncadd.s32 $0xFFFFFF80  }
0x12f: {  	_ =	swait.ge [sflag:s24], $0x80  }
0x130: {  	[sflag:s24] =	ssyncset.done $0x0  }
0x131: {  	[sflag:s24] =	ssyncadd.s32 $0xFFFFFF80  }
0x132: {  	_ =	swait.ge [sflag:s24], $0x80  }
0x133: {  	[sflag:s24] =	ssyncset.done $0x0  }
0x134: {  	[sflag:s24] =	ssyncadd.s32 $0xFFFFFF80  }
0x135: {  	_ =	swait.ge [sflag:s24], $0x80  }
0x136: {  	[sflag:s24] =	ssyncset.done $0x0  }
0x137: {  	[sflag:s24] =	ssyncadd.s32 $0xFFFFFF80  }
0x138: {  	_ =	swait.ge [sflag:s24], $0x80  }
0x139: {  	[sflag:s24] =	ssyncset.done $0x0  }
0x13a: {  	[sflag:s24] =	ssyncadd.s32 $0xFFFFFF80  }
0x13b: {  	_ =	swait.ge [sflag:s24], $0x80  }
0x13c: {  	[sflag:s24] =	ssyncset.done $0x0  }
0x13d: {  	p0 =	sne.s32 s25, $0x480;
	[sflag:s24] =	ssyncadd.s32 $0xFFFFFF80  }
.Ltmp2:
0x13e: {  	_ =	swait.ge [sflag:s24], $0x80;
	(pc) =	sbr.rel @p0 .LBB2_6-.Ltmp2, $4  }
0x13f: {  	[sflag:s24] =	ssyncset.done $0x0  }
0x140: {  	[sflag:s24] =	ssyncadd.s32 $0xFFFFFF80  }
0x141: {  	s7 =	smov.u32 s25;
	s25 =	sadd.s32 $0x80, s25;
	_ =	swait.ge [sflag:s24], $0x80  }
0x142: {  	s12 =	smov.u32 s7;
	s19 =	rddreg [dreg:$0x6];
	[sflag:s24] =	ssyncset.done $0x0  }
0x143: {  	[sflag:s24] =	ssyncadd.s32 $0xFFFFFF80;
	s7 =	sadd.s32 s12, s19  }
0x144: {  	[tilespmem:s4], [sflag:$0x6] =	stream.linear.gather [hbm4b:s7+s4], $0x400, $0x38;
	[tilespmem:$0x1D300] =	vst v63  }
0x145: {  	_ =	swait.ge [sflag:s20], $0x400  }
0x146: {  	s25 =	rddreg [dreg:$0x5];
	[sflag:s20] =	ssyncset.done $0x0  }
0x147: {  	[sflag:s20] =	ssyncadd.s32 $0xFFFFFC00;
	s7 =	sadd.s32 s12, s25  }
0x148: {  	[tilespmem:s21], [sflag:$0x6] =	stream.linear.gather [hbm4b:s7+s4], $0x400, $0x38;
	[tilespmem:$0x1D300] =	vst v63  }
0x149: {  	_ =	swait.ge [sflag:s20], $0x400  }
0x14a: {  	[sflag:s20] =	ssyncset.done $0x0  }
0x14b: {  	[sflag:s20] =	ssyncadd.s32 $0xFFFFFC00  }
0x14c: {  	[tilespmem:s28], [sflag:$0x1] =	stream.indirect.gather [hbm4b:s10+s26], $0x80, s4, s26, $0xb8;
	[tilespmem:$0x1D300] =	vst v63  }
0x14d: {  	_ = 	snop  }
0x14e: {  	[tilespmem:s29], [sflag:$0x2] =	stream.indirect.gather [hbm4b:s10+s26], $0x80, s26, s26, $0xb8;
	[tilespmem:$0x1D300] =	vst v63  }
0x14f: {  	_ =	swait.ge [sflag:s30], $0x4000  }
0x150: {  	[sflag:s30] =	ssyncset.done $0x0  }
0x151: {  	[sflag:s30] =	ssyncadd.s32 $0xFFFFC000  }
0x152: {  	[spmem:s1] =	stream.indirect.scatter.add.f32 [tilespmem:s28], [sflag:$0x3], $0x80, s21, s26, $0xb8;
	[tilespmem:$0x1D300] =	vst v63  }
0x153: {  	_ = 	snop  }
0x154: {  	[spmem:s2] =	stream.indirect.scatter.add.f32 [tilespmem:s31], [sflag:$0x5], $0x1, s21, s26, $0xb8;
	[tilespmem:$0x1D300] =	vst v63  }
0x155: {  	_ =	swait.ge [sflag:s0], $0x4000  }
0x156: {  	[sflag:s0] =	ssyncset.done $0x0  }
0x157: {  	s12 =	rddreg [dreg:$0x7];
	[sflag:s0] =	ssyncadd.s32 $0xFFFFC000  }
0x158: {  	[tilespmem:s28], [sflag:$0x1] =	stream.indirect.gather [hbm4b:s10+s26], $0x80, s12, s26, $0xb8;
	[tilespmem:$0x1D300] =	vst v63  }
0x159: {  	_ =	swait.ge [sflag:s3], $0x4000  }
0x15a: {  	[sflag:s3] =	ssyncset.done $0x0  }
0x15b: {  	[sflag:s3] =	ssyncadd.s32 $0xFFFFC000  }
0x15c: {  	[spmem:s1] =	stream.indirect.scatter.add.f32 [tilespmem:s29], [sflag:$0x4], $0x80, s5, s26, $0xb8;
	[tilespmem:$0x1D300] =	vst v63  }
0x15d: {  	_ = 	snop  }
0x15e: {  	[spmem:s2] =	stream.indirect.scatter.add.f32 [tilespmem:s31], [sflag:$0x5], $0x1, s5, s26, $0xb8;
	[tilespmem:$0x1D300] =	vst v63  }
0x15f: {  	_ =	swait.ge [sflag:s6], $0x4000  }
0x160: {  	[sflag:s6] =	ssyncset.done $0x0  }
0x161: {  	[sflag:s6] =	ssyncadd.s32 $0xFFFFC000  }
0x162: {  	[tilespmem:s29], [sflag:$0x2] =	stream.indirect.gather [hbm4b:s10+s26], $0x80, s9, s26, $0xb8;
	[tilespmem:$0x1D300] =	vst v63  }
0x163: {  	_ =	swait.ge [sflag:s30], $0x4000  }
0x164: {  	[sflag:s30] =	ssyncset.done $0x0  }
0x165: {  	[sflag:s30] =	ssyncadd.s32 $0xFFFFC000  }
0x166: {  	[spmem:s1] =	stream.indirect.scatter.add.f32 [tilespmem:s28], [sflag:$0x3], $0x80, s8, s26, $0xb8;
	[tilespmem:$0x1D300] =	vst v63  }
0x167: {  	_ = 	snop  }
0x168: {  	[spmem:s2] =	stream.indirect.scatter.add.f32 [tilespmem:s31], [sflag:$0x5], $0x1, s8, s26, $0xb8;
	[tilespmem:$0x1D300] =	vst v63  }
0x169: {  	_ =	swait.ge [sflag:s0], $0x4000  }
0x16a: {  	[sflag:s0] =	ssyncset.done $0x0  }
0x16b: {  	[sflag:s0] =	ssyncadd.s32 $0xFFFFC000  }
0x16c: {  	[tilespmem:s28], [sflag:$0x1] =	stream.indirect.gather [hbm4b:s10+s26], $0x80, s14, s26, $0xb8;
	[tilespmem:$0x1D300] =	vst v63  }
0x16d: {  	_ =	swait.ge [sflag:s3], $0x4000  }
0x16e: {  	[sflag:s3] =	ssyncset.done $0x0  }
0x16f: {  	[sflag:s3] =	ssyncadd.s32 $0xFFFFC000  }
0x170: {  	[spmem:s1] =	stream.indirect.scatter.add.f32 [tilespmem:s29], [sflag:$0x4], $0x80, s13, s26, $0xb8;
	[tilespmem:$0x1D300] =	vst v63  }
0x171: {  	_ = 	snop  }
0x172: {  	[spmem:s2] =	stream.indirect.scatter.add.f32 [tilespmem:s31], [sflag:$0x5], $0x1, s13, s26, $0xb8;
	[tilespmem:$0x1D300] =	vst v63  }
0x173: {  	_ =	swait.ge [sflag:s6], $0x4000  }
0x174: {  	[sflag:s6] =	ssyncset.done $0x0  }
0x175: {  	[sflag:s6] =	ssyncadd.s32 $0xFFFFC000  }
0x176: {  	[tilespmem:s29], [sflag:$0x2] =	stream.indirect.gather [hbm4b:s10+s26], $0x80, s16, s26, $0xb8;
	[tilespmem:$0x1D300] =	vst v63  }
0x177: {  	_ =	swait.ge [sflag:s30], $0x4000  }
0x178: {  	[sflag:s30] =	ssyncset.done $0x0  }
0x179: {  	[sflag:s30] =	ssyncadd.s32 $0xFFFFC000  }
0x17a: {  	[spmem:s1] =	stream.indirect.scatter.add.f32 [tilespmem:s28], [sflag:$0x3], $0x80, s15, s26, $0xb8;
	[tilespmem:$0x1D300] =	vst v63  }
0x17b: {  	_ = 	snop  }
0x17c: {  	[spmem:s2] =	stream.indirect.scatter.add.f32 [tilespmem:s31], [sflag:$0x5], $0x1, s15, s26, $0xb8;
	[tilespmem:$0x1D300] =	vst v63  }
0x17d: {  	_ =	swait.ge [sflag:s0], $0x4000  }
0x17e: {  	[sflag:s0] =	ssyncset.done $0x0  }
0x17f: {  	[sflag:s0] =	ssyncadd.s32 $0xFFFFC000  }
0x180: {  	[tilespmem:s28], [sflag:$0x1] =	stream.indirect.gather [hbm4b:s10+s26], $0x80, s18, s26, $0xb8;
	[tilespmem:$0x1D300] =	vst v63  }
0x181: {  	_ =	swait.ge [sflag:s3], $0x4000  }
0x182: {  	[sflag:s3] =	ssyncset.done $0x0  }
0x183: {  	[sflag:s3] =	ssyncadd.s32 $0xFFFFC000  }
0x184: {  	[spmem:s1] =	stream.indirect.scatter.add.f32 [tilespmem:s29], [sflag:$0x4], $0x80, s17, s26, $0xb8;
	[tilespmem:$0x1D300] =	vst v63  }
0x185: {  	_ = 	snop  }
0x186: {  	[spmem:s2] =	stream.indirect.scatter.add.f32 [tilespmem:s31], [sflag:$0x5], $0x1, s17, s26, $0xb8;
	[tilespmem:$0x1D300] =	vst v63  }
0x187: {  	_ =	swait.ge [sflag:s6], $0x4000  }
0x188: {  	[sflag:s6] =	ssyncset.done $0x0  }
0x189: {  	s19 =	simm.s32 $0x380;
	[sflag:s6] =	ssyncadd.s32 $0xFFFFC000  }
0x18a: {  	[tilespmem:s29], [sflag:$0x2] =	stream.indirect.gather [hbm4b:s10+s26], $0x80, s19, s26, $0xb8;
	[tilespmem:$0x1D300] =	vst v63  }
0x18b: {  	_ =	swait.ge [sflag:s30], $0x4000  }
0x18c: {  	[sflag:s30] =	ssyncset.done $0x0  }
0x18d: {  	[sflag:s30] =	ssyncadd.s32 $0xFFFFC000  }
0x18e: {  	[spmem:s1] =	stream.indirect.scatter.add.f32 [tilespmem:s28], [sflag:$0x3], $0x80, s22, s26, $0xb8;
	[tilespmem:$0x1D300] =	vst v63  }
0x18f: {  	_ = 	snop  }
0x190: {  	[spmem:s2] =	stream.indirect.scatter.add.f32 [tilespmem:s31], [sflag:$0x5], $0x1, s22, s26, $0xb8;
	[tilespmem:$0x1D300] =	vst v63  }
0x191: {  	_ =	swait.ge [sflag:s3], $0x4000  }
0x192: {  	[sflag:s3] =	ssyncset.done $0x0  }
0x193: {  	[sflag:s3] =	ssyncadd.s32 $0xFFFFC000  }
0x194: {  	[spmem:s1] =	stream.indirect.scatter.add.f32 [tilespmem:s29], [sflag:$0x4], $0x80, s23, s26, $0xb8;
	[tilespmem:$0x1D300] =	vst v63  }
0x195: {  	_ = 	snop  }
0x196: {  	[spmem:s2] =	stream.indirect.scatter.add.f32 [tilespmem:s31], [sflag:$0x5], $0x1, s23, s26, $0xb8;
	[tilespmem:$0x1D300] =	vst v63  }
0x197: {  	_ =	swait.ge [sflag:s0], $0x4000  }
0x198: {  	[sflag:s0] =	ssyncset.done $0x0  }
0x199: {  	[sflag:s0] =	ssyncadd.s32 $0xFFFFC000  }
0x19a: {  	_ =	swait.ge [sflag:s6], $0x4000  }
0x19b: {  	[sflag:s6] =	ssyncset.done $0x0  }
0x19c: {  	[sflag:s6] =	ssyncadd.s32 $0xFFFFC000  }
0x19d: {  	_ =	swait.ge [sflag:s24], $0x80  }
0x19e: {  	[sflag:s24] =	ssyncset.done $0x0  }
0x19f: {  	[sflag:s24] =	ssyncadd.s32 $0xFFFFFF80  }
0x1a0: {  	_ =	swait.ge [sflag:s24], $0x80  }
0x1a1: {  	[sflag:s24] =	ssyncset.done $0x0  }
0x1a2: {  	[sflag:s24] =	ssyncadd.s32 $0xFFFFFF80  }
0x1a3: {  	_ =	swait.ge [sflag:s24], $0x80  }
0x1a4: {  	[sflag:s24] =	ssyncset.done $0x0  }
0x1a5: {  	[sflag:s24] =	ssyncadd.s32 $0xFFFFFF80  }
0x1a6: {  	_ =	swait.ge [sflag:s24], $0x80  }
0x1a7: {  	[sflag:s24] =	ssyncset.done $0x0  }
0x1a8: {  	[sflag:s24] =	ssyncadd.s32 $0xFFFFFF80  }
0x1a9: {  	_ =	swait.ge [sflag:s24], $0x80  }
0x1aa: {  	[sflag:s24] =	ssyncset.done $0x0  }
0x1ab: {  	[sflag:s24] =	ssyncadd.s32 $0xFFFFFF80  }
0x1ac: {  	_ =	swait.ge [sflag:s24], $0x80  }
0x1ad: {  	[sflag:s24] =	ssyncset.done $0x0  }
0x1ae: {  	[sflag:s24] =	ssyncadd.s32 $0xFFFFFF80  }
0x1af: {  	_ =	swait.ge [sflag:s24], $0x80  }
0x1b0: {  	[sflag:s24] =	ssyncset.done $0x0  }
0x1b1: {  	[sflag:s24] =	ssyncadd.s32 $0xFFFFFF80  }
0x1b2: {  	_ =	swait.ge [sflag:s24], $0x80  }
0x1b3: {  	[sflag:s24] =	ssyncset.done $0x0  }
0x1b4: {  	s25 =	stileid.u32;
	[sflag:s24] =	ssyncadd.s32 $0xFFFFFF80  }
0x1b5: {  	s7 =	sshll.u32 s25, $0x6;
	[bflag:$0x0] =	sbarrier.arrive $0xFFFF  }
0x1b6: {  	s7 =	sor.u32 $0x1C06, s7;
	s9 =	sshrl.u32 s11, $0x3;
	s14 =	rddreg [dreg:$0x8]  }
0x1b7: {  	[hbm:s14], [sflag:s7] =	dma.local [spmem:s9], $0x800  }
0x1b8: {  	_ =	swait.ge [sflag:s20], $0x800  }
0x1b9: {  	[sflag:s20] =	ssyncset.done $0x0;
	s19 =	rddreg [dreg:$0x9]  }
0x1ba: {  	s25 =	rddreg [dreg:$0x14];
	[sflag:s20] =	ssyncadd.s32 $0xFFFFF800  }
0x1bb: {  	[hbm:s19], [sflag:s7] =	dma.local [spmem:s25], $0x800  }
0x1bc: {  	_ =	swait.ge [sflag:s20], $0x800  }
0x1bd: {  	[sflag:s20] =	ssyncset.done $0x0;
	s9 =	rddreg [dreg:$0xa]  }
0x1be: {  	s14 =	rddreg [dreg:$0x15];
	[sflag:s20] =	ssyncadd.s32 $0xFFFFF800  }
0x1bf: {  	[hbm:s9], [sflag:s7] =	dma.local [spmem:s14], $0x800  }
0x1c0: {  	_ =	swait.ge [sflag:s20], $0x800  }
0x1c1: {  	[sflag:s20] =	ssyncset.done $0x0;
	s19 =	rddreg [dreg:$0xb]  }
0x1c2: {  	s25 =	rddreg [dreg:$0x16];
	[sflag:s20] =	ssyncadd.s32 $0xFFFFF800  }
0x1c3: {  	[hbm:s19], [sflag:s7] =	dma.local [spmem:s25], $0x800  }
0x1c4: {  	_ =	swait.ge [sflag:s20], $0x800  }
0x1c5: {  	[sflag:s20] =	ssyncset.done $0x0;
	s9 =	rddreg [dreg:$0xc]  }
0x1c6: {  	s14 =	rddreg [dreg:$0x17];
	[sflag:s20] =	ssyncadd.s32 $0xFFFFF800  }
0x1c7: {  	[hbm:s9], [sflag:s7] =	dma.local [spmem:s14], $0x800  }
0x1c8: {  	_ =	swait.ge [sflag:s20], $0x800  }
0x1c9: {  	s25 =	rddreg [dreg:$0xd]  }
0x1ca: {  	s14 =	simm.s32 $0x20;
	[sflag:s20] =	ssyncset.done $0x0;
	s9 =	rddreg [dreg:$0x12]  }
0x1cb: {  	[sflag:s20] =	ssyncadd.s32 $0xFFFFF800;
	s12 =	sshrl.u32 s25, $0x3;
	s25 =	simm.s32 $0x10  }
0x1cc: {  	[hbm:s9@s14], [sflag:s7] =	dma.strided [spmem:s12@s25], $0x50, s30, $0x10   }
0x1cd: {  	_ =	swait.ge [sflag:s20], $0x50  }
0x1ce: {  	s19 =	rddreg [dreg:$0x18]  }
0x1cf: {  	s25 =	rddreg [dreg:$0x13];
	s9 =	sadd.s32 $0x1, s19  }
0x1d0: {  	p0 =	sne.s32 s9, s25  }
.Ltmp3:
0x1d1: {  	_ = 	snop;
	(pc) =	sbr.rel @p0 .LBB2_1-.Ltmp3, $3  }
0x1d2: {  	_ =	sdelay $0x1  }
0x1d3: {  	[sflag:s20] =	ssyncset.done $0x0  }
0x1d4: {  	[sflag:s20] =	ssyncadd.s32 $0xFFFFFFB0  }
0x1d5: {  	_ =	sfence.sel $0x180000  }
0x1d6: {  	[bflag:$0x0] =	sbarrier.arrive $0xFFFF  }
0x1d7: {  	_ =	strace $0x90000047  }
0x1d8: {  	s0 =	stileid.u32;
	[bflag:$0x2] =	sbarrier.arrive $0xFFFF  }
0x1d9: {  	p0 =	sne.s32 s0, $0x0;
	s0 =	rddreg [dreg:$0x4]  }
0x1da: {  	s0 =	sadd.s32 @!p0 $0x100000, s0  }
0x1db: {  	[sflag:s0] =	ssyncadd.tile.s32 @!p0 $0x1;
	_ =	shalt  }
.Lfunc_end2:
_tile_overlayer_lowered:
.L_overlay_start_2:
0x1dc: {  	(tag) =	ssettag $0x2  }
0x1dd: {  	s0 =	rddreg [dreg:$0x0];
	s2 =	stileid.u32  }
0x1de: {  	s1 =	rddreg [dreg:$0x1];
	p0 =	sne.s32 s2, $0x0  }
0x1df: {  	s3 =	rddreg [dreg:$0x2];
	[bflag:$0x3] =	sbarrier.arrive $0xFFFF;
	s2 =	simm.s32 @!p0 $0x1C06  }
0x1e0: {  	[timem:s3], [sflag:s2] =	dma.local @!p0 [hbm:s0], s1  }
0x1e1: {  	s0 =	simm.s32 @!p0 $0x6  }
0x1e2: {  	_ =	swait.ge @!p0 [sflag:s0], s1  }
0x1e3: {  	s1 =	ssub.s32 @!p0 $0x0, s1;
	[sflag:s0] =	ssyncset.done @!p0 $0x0  }
0x1e4: {  	[sflag:s0] =	ssyncadd.s32 @!p0 s1  }
0x1e5: {  	[bflag:$0x3] =	sbarrier.arrive $0xFFFF  }
0x1e6: {  	_ =	shalt  }

// kernel: kernel.9.cloned.1.call-start
scs
__scs_entry_jumppad:
0x0: {  	(pc) =	sbr.rel $0x88, $3  }
0x1: {  	(tag) =	ssettag $0x0;
	lr =	simm.s32 $0x1  }
0x2: {  	[smem:$0x3F99] =	sst lr;
	_ =	strace $0xD0000000  }
0x3: {  	_ = 	snop  }
0x4: {  	_ = 	snop  }
0x5: {  	_ = 	snop  }
0x6: {  	_ = 	snop  }
0x7: {  	_ = 	snop  }
__scs_overlays_trampoline_lowered:
0x8: {  	[smem:$0x3FA8] =	sst s0  }
0x9: {  	[smem:$0x3FA9] =	sst s1  }
0xa: {  	[smem:$0x3FAA] =	sst s2  }
0xb: {  	[smem:$0x3FAB] =	sst s3  }
0xc: {  	[smem:$0x3FAC] =	sst s4  }
0xd: {  	[smem:$0x3FAD] =	sst s5  }
0xe: {  	[smem:$0x3FAE] =	sst s6  }
0xf: {  	[smem:$0x3FAF] =	sst s7  }
0x10: {  	[smem:$0x3FB0] =	sst s8  }
0x11: {  	[smem:$0x3FB1] =	sst s9;
	s0 =	simm.s32 @!p0 $0x0  }
0x12: {  	s1 =	sld [smem:$0x3F97];
	s0 =	simm.s32 @p0 $0x1  }
0x13: {  	[smem:$0x3FB2] =	sst s0;
	s0 =	simm.s32 @!p1 $0x0  }
0x14: {  	s2 =	sld [smem:$0x3F96];
	s0 =	simm.s32 @p1 $0x1  }
0x15: {  	[smem:$0x3FB3] =	sst s0;
	s0 =	simm.s32 @!p2 $0x0  }
0x16: {  	s3 =	sld [smem:$0x3FDB];
	s0 =	simm.s32 @p2 $0x1  }
0x17: {  	s4 =	simm.s32 $0x1BF5;
	[smem:$0x3FB5] =	sst s0  }
0x18: {  	s0 =	sld [smem:$0x3F98];
	_ =	swait.ge [sflag:s4], $0x0  }
0x19: {  	s7 =	sld [smem:$0x3F99]  }
0x1a: {  	s8 =	sadd.s32 $0xFFFFE003, lr  }
0x1b: {  	s9 =	sadd.s32 $0xFFFFFEF7, lr;
	s5 =	simm.s32 $0xFFFFFFFF;
	p2 =	slt.u32 s8, $0xFFFFF086  }
0x1c: {  	p1 =	slt.u32 s9, $0xF7A;
	s5 =	simm.s32 @!p2 $0x0  }
0x1d: {  	s5 =	simm.s32 @p1 $0x1;
	p0 =	seq.s32 s7, s2  }
0x1e: {  	s7 =	smul.u32 @!p0 $0xF7A, s2;
	p2 =	seq.s32 @!p0 s5, $0x0  }
0x1f: {  	s9 =	smul.u32 $0xF7A, s1;
	s8 =	simm.s32 @!p0 $0x1BF5;
	p2 =	por !p2, p0  }
0x20: {  	[sflag:s8] =	ssyncset.s32 @!p0 $0xFFFFF086;
	s6 =	sadd.s32 @!p0 s3, s7;
	s7 =	simm.s32 @!p0 $0x108  }
0x21: {  	s3 =	sadd.s32 s3, s9;
	s6 =	sadd.s32 @!p0 $0x88, s6;
	s7 =	simm.s32 @p2 $0x1082  }
0x22: {  	[simem:s7], [sflag:s8] =	dma.local @!p0 [hbm:s6], $0xF7A  }
0x23: {  	s9 =	sor.u32 $0xD0000000, s2;
	s6 =	simm.s32 $0x108;
	_ =	swait.ge @!p0 [sflag:s8], $0x0  }
0x24: {  	s3 =	sadd.s32 $0x88, s3;
	s6 =	simm.s32 @!p1 $0x1082;
	[sflag:s4] =	ssyncset.s32 $0xFFFFF086  }
0x25: {  	[simem:s6], [sflag:s4] =	dma.local [hbm:s3], $0xF7A  }
0x26: {  	[smem:$0x3F99] =	sst s1;
	(tag) =	ssettag s2;
	_ =	strace s9  }
0x27: {  	s1 =	sld [smem:$0x3FA9]  }
0x28: {  	s2 =	sld [smem:$0x3FAA]  }
0x29: {  	s4 =	sld [smem:$0x3FAC]  }
0x2a: {  	p0 =	seq.s32 s5, $0x0;
	s5 =	sld [smem:$0x3FAD]  }
0x2b: {  	s6 =	sld [smem:$0x3FAE]  }
0x2c: {  	s7 =	sld [smem:$0x3FAF]  }
0x2d: {  	s3 =	simm.s32 $0x108;
	s8 =	sld [smem:$0x3FB0]  }
0x2e: {  	s3 =	simm.s32 @!p0 $0x1082;
	s9 =	sld [smem:$0x3FB1]  }
0x2f: {  	lr =	sadd.s32 s0, s3;
	s0 =	sld [smem:$0x3FA8]  }
0x30: {  	s3 =	sld [smem:$0x3FAB]  }
0x31: {  	[smem:$0x3FB4] =	sst s10  }
0x32: {  	s10 =	sld [smem:$0x3FB2];
	_ =	sdelay $0x3  }
0x33: {  	p0 =	seq.s32 s10, $0x1;
	s10 =	sld [smem:$0x3FB4];
	_ =	sdelay $0x3  }
0x34: {  	[smem:$0x3FB4] =	sst s10  }
0x35: {  	s10 =	sld [smem:$0x3FB3];
	_ =	sdelay $0x3  }
0x36: {  	p1 =	seq.s32 s10, $0x1;
	s10 =	sld [smem:$0x3FB4];
	_ =	sdelay $0x3  }
0x37: {  	[smem:$0x3FB4] =	sst s10  }
0x38: {  	s10 =	sld [smem:$0x3FB5]  }
0x39: {  	_ = 	snop;
	(pc) =	sbr.ind lr, $3  }
0x3a: {  	_ = 	snop  }
0x3b: {  	_ = 	snop  }
0x3c: {  	p2 =	seq.s32 s10, $0x1;
	s10 =	sld [smem:$0x3FB4]  }
0x3d: {  	_ =	shalt  }
0x3e: {  	_ =	shalt  }
0x3f: {  	_ =	shalt  }
0x40: {  	_ =	shalt  }
0x41: {  	_ =	shalt  }
0x42: {  	_ =	shalt  }
0x43: {  	_ =	shalt  }
0x44: {  	_ =	shalt  }
0x45: {  	_ =	shalt  }
0x46: {  	_ =	shalt  }
0x47: {  	_ =	shalt  }
0x48: {  	_ =	shalt  }
0x49: {  	_ =	shalt  }
0x4a: {  	_ =	shalt  }
0x4b: {  	_ =	shalt  }
0x4c: {  	_ =	shalt  }
0x4d: {  	_ =	shalt  }
0x4e: {  	_ =	shalt  }
0x4f: {  	_ =	shalt  }
0x50: {  	_ =	shalt  }
0x51: {  	_ =	shalt  }
0x52: {  	_ =	shalt  }
0x53: {  	_ =	shalt  }
0x54: {  	_ =	shalt  }
0x55: {  	_ =	shalt  }
0x56: {  	_ =	shalt  }
0x57: {  	_ =	shalt  }
0x58: {  	_ =	shalt  }
0x59: {  	_ =	shalt  }
0x5a: {  	_ =	shalt  }
0x5b: {  	_ =	shalt  }
0x5c: {  	_ =	shalt  }
0x5d: {  	_ =	shalt  }
0x5e: {  	_ =	shalt  }
0x5f: {  	_ =	shalt  }
0x60: {  	_ =	shalt  }
0x61: {  	_ =	shalt  }
0x62: {  	_ =	shalt  }
0x63: {  	_ =	shalt  }
0x64: {  	_ =	shalt  }
0x65: {  	_ =	shalt  }
0x66: {  	_ =	shalt  }
0x67: {  	_ =	shalt  }
0x68: {  	_ =	shalt  }
0x69: {  	_ =	shalt  }
0x6a: {  	_ =	shalt  }
0x6b: {  	_ =	shalt  }
0x6c: {  	_ =	shalt  }
0x6d: {  	_ =	shalt  }
0x6e: {  	_ =	shalt  }
0x6f: {  	_ =	shalt  }
0x70: {  	_ =	shalt  }
0x71: {  	_ =	shalt  }
0x72: {  	_ =	shalt  }
0x73: {  	_ =	shalt  }
0x74: {  	_ =	shalt  }
0x75: {  	_ =	shalt  }
0x76: {  	_ =	shalt  }
0x77: {  	_ =	shalt  }
0x78: {  	_ =	shalt  }
0x79: {  	_ =	shalt  }
0x7a: {  	_ =	shalt  }
0x7b: {  	_ =	shalt  }
0x7c: {  	_ =	shalt  }
0x7d: {  	_ =	shalt  }
0x7e: {  	_ =	shalt  }
0x7f: {  	_ =	shalt  }
0x80: {  	_ =	shalt  }
0x81: {  	_ =	shalt  }
0x82: {  	_ =	shalt  }
0x83: {  	_ =	shalt  }
0x84: {  	_ =	shalt  }
0x85: {  	_ =	shalt  }
0x86: {  	_ =	shalt  }
0x87: {  	_ =	shalt  }
.Lfunc_end0:
.L_simem_size_0:
called_computation.1_lowered:
.L_overlay_start_0:
0x88: {  	s2 =	sld [smem:$0x3FD9]  }
0x89: {  	s3 =	sld [smem:$0x3FFE];
	_ =	sdelay $0x1  }
0x8a: {  	s1 =	srdreg.scid  }
0x8b: {  	s0 =	sand.u32 $0x1, s1  }
0x8c: {  	s17 =	sshll.u32 s0, $0xA;
	s2 =	sadd.s32 s3, s2  }
0x8d: {  	s2 =	sadd.s32 s2, s17  }
0x8e: {  	[smem:$0x3FC0] =	sst s2  }
0x8f: {  	_ = 	snop  }
0x90: {  	s2 =	sld [smem:$0x3FD0];
	(tm) =	ssettm $0x1  }
0x91: {  	s18 =	sld [smem:$0x3FFB];
	_ =	sdelay $0x3  }
0x92: {  	_ =	strace s18  }
0x93: {  	s3 =	sld [smem:$0x3FFC];
	_ =	sdelay $0x3  }
0x94: {  	_ =	strace s3  }
0x95: {  	s3 =	sld [smem:$0x3FFD];
	_ =	sdelay $0x3  }
0x96: {  	_ =	strace s3  }
0x97: {  	_ =	strace $0x8FFFFFFF  }
0x98: {  	s19 =	sld [smem:$0x3FDB];
	_ =	sdelay $0x1  }
0x99: {  	s4 =	simm.s32 $_scs_section_size  }
0x9a: {  	s5 =	simm.s32 $_size__tile_overlayer_lowered;
	s6 =	simm.s32 $_tile_overlayer_lowered  }
0x9b: {  	s22 =	simm.s32 $0x1BFF;
	s21 =	sshll.u32 s6, $0x1;
	s3 =	sadd.s32 s4, s19  }
0x9c: {  	s7 =	simm.s32 $0x0;
	s20 =	sshll.u32 s5, $0x1;
	s5 =	sadd.s32 s21, s3  }
0x9d: {  	[timem:s7], [sflag:s22] =	dma.local [hbm:s5], s20  }
0x9e: {  	_ =	swait.ge [sflag:s22], s20  }
0x9f: {  	s4 =	ssub.s32 $0x0, s20;
	[sflag:s22] =	ssyncset.done $0x0  }
0xa0: {  	[sflag:s22] =	ssyncadd.s32 s4;
	_ =	sdelay $0x1  }
0xa1: {  	s23 =	simm.s32 $0x1B8B  }
0xa2: {  	_ =	swait.ge [sflag:s23], $0x1  }
0xa3: {  	[sflag:s23] =	ssyncset.done $0x0  }
0xa4: {  	s25 =	simm.s32 $0x1B8E;
	s24 =	sld [smem:$0x3FFE];
	[sflag:s23] =	ssyncadd.s32 $0xFFFFFFFF  }
0xa5: {  	s26 =	simm.s32 $execute0_lowered;
	[smem:$0x3FD2] =	sst s25  }
0xa6: {  	s5 =	sshll.u32 s26, $0x1;
	_ =	strace $0x80000049;
	[dreg:$0x1] =	wrdreg $0xFFFFFFFF  }
0xa7: {  	s28 =	simm.s32 $_size_execute0_lowered;
	s3 =	sadd.s32 s3, s5;
	[dreg:$0x0] =	wrdreg $0x0  }
0xa8: {  	s5 =	sshll.u32 s28, $0x1;
	[dreg:$0x2] =	wrdreg s3  }
0xa9: {  	[dreg:$0x3] =	wrdreg s5  }
0xaa: {  	[dreg:$0x4] =	wrdreg $0xC0  }
0xab: {  	_ =	task [dreg:s7], $0x5FFFF  }
0xac: {  	[dreg:$0x1] =	wrdreg $0xFFFFFFFF  }
0xad: {  	[dreg:$0x0] =	wrdreg $0x60  }
0xae: {  	[dreg:$0x2] =	wrdreg s24  }
0xaf: {  	[dreg:$0x3] =	wrdreg s2  }
0xb0: {  	[dreg:$0x4] =	wrdreg $0x10000  }
0xb1: {  	[dreg:$0x5] =	wrdreg $0x9  }
0xb2: {  	_ =	task.clear_ibuf [dreg:s7], $0x6FFFF;
	_ =	strace $0x90000049  }
0xb3: {  	s29 =	simm.s32 $0x9;
	_ =	strace $0x8000004B  }
0xb4: {  	_ =	swait.ge [sflag:s29], $0x1  }
0xb5: {  	[sflag:s29] =	ssyncadd.s32 $0xFFFFFFFF  }
0xb6: {  	_ =	strace $0x9000004B  }
0xb7: {  	_ =	sfence  }
0xb8: {  	s30 =	sld [smem:$0x0];
	_ =	sdelay $0x2  }
0xb9: {  	s31 =	sshll.u32 s1, $0xD;
	s1 =	sshrl.u32 s1, $0x2  }
0xba: {  	s3 =	sand.u32 $0x4000, s31;
	s1 =	sadd.s32 s1, s30  }
0xbb: {  	s0 =	sor.u32 s3, s0;
	s1 =	sshll.u32 s1, $0x11  }
0xbc: {  	s0 =	sor.u32 s1, s0  }
0xbd: {  	s0 =	sadd.s32 $0x8F2B, s0  }
0xbe: {  	[sflag:s0] =	ssyncadd.remote.s32 $0x1  }
0xbf: {  	_ =	sfence.sel $0xFFFF  }
0xc0: {  	[dreg:$0x0] =	wrdreg $0xFFFFFFFF;
	(pc) =	sbr.abs _section_cstart, $3  }
0xc1: {  	[dreg:$0x1] =	wrdreg $0xFFFFFFFF  }
0xc2: {  	_ =	task.clear_ibuf [dreg:s7], $0x2FFFF;
	_ =	strace $0x9FFFFFFF  }
0xc3: {  	(tm) =	ssettm $0x7FFFFFFF  }
tec
execute0_lowered:
.L_overlay_start_1:
0x0: {  	(tag) =	ssettag $0x1  }
0x1: {  	s0 =	rddreg [dreg:$0x0]  }
0x2: {  	s2 =	rddreg [dreg:$0x1]  }
0x3: {  	s1 =	rddreg [dreg:$0x2];
	s3 =	srdreg.scid  }
0x4: {  	s15 =	stileid.u32;
	s16 =	simm.s32 $0x80;
	s17 =	simm.s32 $0x15000  }
0x5: {  	s18 =	simm.s32 $0x19000;
	s28 =	simm.s32 $0x480;
	s5 =	smul.u32 $0x50000, s15  }
0x6: {  	s29 =	simm.s32 $0x4;
	s30 =	simm.s32 $0x180;
	s10 =	smul.u32 $0x14000, s15  }
0x7: {  	s31 =	simm.s32 $0x500;
	s4 =	sand.u32 $0x1, s3;
	s26 =	smul.u32 $0x500, s15  }
0x8: {  	s3 =	simm.s32 $0x0;
	s15 =	simm.s32 $0x400;
	s6 =	smul.u32 $0x5000, s4  }
0x9: {  	[smem:$0x7FF] =	sst s3;
	s7 =	ssub.s32 $0x2, s4;
	s8 =	smul.u32 $0x140000, s4  }
0xa: {  	s4 =	sadd.s32 $0xC600, s0;
	_ =	strace $0x8000004A;
	s9 =	sshrl.u32 s7, $0x1  }
0xb: {  	s5 =	sshrl.u32 s5, $0x2;
	s12 =	sadd.s32 $0x4000, s10;
	s21 =	sadd.s32 $0x8000, s10  }
0xc: {  	s14 =	sadd.s32 $0xC000, s10;
	s11 =	sadd.s32 s6, s0;
	s0 =	sadd.s32 $0x34600, s0  }
0xd: {  	s7 =	ssub.s32 s7, s9;
	s19 =	sadd.s32 s10, s8;
	s5 =	sadd.s32 s5, s1  }
0xe: {  	s13 =	sadd.s32 s8, s12;
	s23 =	sadd.s32 s8, s21;
	s22 =	sadd.s32 s12, s1  }
0xf: {  	s24 =	sadd.s32 s8, s14;
	s10 =	sadd.s32 $0x10000, s10;
	s2 =	sadd.s32 s6, s2  }
0x10: {  	s6 =	simm.s32 $0x280;
	s9 =	sshrl.u32 s19, $0x3;
	s20 =	sshrl.u32 s13, $0x3  }
0x11: {  	s25 =	sshrl.u32 s24, $0x3;
	s8 =	sadd.s32 s8, s10;
	s10 =	sadd.s32 s10, s1  }
0x12: {  	s2 =	sadd.s32 s26, s2;
	s13 =	simm.s32 $0x800;
	s19 =	simm.s32 $0x1  }
0x13: {  	s24 =	sshrl.u32 s22, $0x3;
	s22 =	simm.s32 $0x780;
	[dreg:$0x4] =	wrdreg s2  }
0x14: {  	s9 =	sadd.s32 s0, s9;
	s8 =	sshrl.u32 s8, $0x3;
	[dreg:$0xb] =	wrdreg s24  }
0x15: {  	s2 =	simm.s32 $0x580;
	[dreg:$0x5] =	wrdreg s9;
	s9 =	sadd.s32 s0, s20  }
0x16: {  	s20 =	smax.u32 s7, $0x1;
	s7 =	simm.s32 $0x600;
	[dreg:$0x6] =	wrdreg s9  }
0x17: {  	s9 =	sshrl.u32 s23, $0x3;
	s23 =	sadd.s32 s21, s1;
	[dreg:$0xa] =	wrdreg s20  }
0x18: {  	s21 =	sadd.s32 s26, s11;
	s20 =	simm.s32 $0x3;
	s11 =	simm.s32 $0x700  }
0x19: {  	s9 =	sadd.s32 s0, s9;
	s12 =	sadd.s32 $0x2600, s21;
	s21 =	simm.s32 $0x0  }
0x1a: {  	[dreg:$0x7] =	wrdreg s9;
	s9 =	sadd.s32 s0, s25;
	s0 =	sadd.s32 s0, s8  }
0x1b: {  	s25 =	sshrl.u32 s23, $0x3;
	s8 =	simm.s32 $0x300;
	[dreg:$0x8] =	wrdreg s9  }
0x1c: {  	s9 =	sadd.s32 s14, s1;
	[dreg:$0x9] =	wrdreg s0;
	s14 =	simm.s32 $0x5  }
0x1d: {  	[dreg:$0xc] =	wrdreg s25;
	s0 =	sshrl.u32 s10, $0x3;
	s10 =	simm.s32 $0x380  }
0x1e: {  	s26 =	sshrl.u32 s9, $0x3;
	[dreg:$0xe] =	wrdreg s0;
	s0 =	simm.s32 $0x200  }
0x1f: {  	v0 =	vimm.f32 $0.0e+00;
	s9 =	simm.s32 $0x680;
	[dreg:$0xd] =	wrdreg s26;
	s26 =	simm.s32 $0x2  }
.LBB2_1:
0x20: {  	[dreg:$0xf] =	wrdreg s21;
	s24 =	simm.s32 $0x0;
	s25 =	simm.s32 $0x200  }
.LBB2_2:
0x21: {  	p0 =	sne.s32 s25, $0x1E00;
	[tilespmem:s24+$0x870] =	vst v0  }
0x22: {  	[tilespmem:s24+$0x800] =	vst v0  }
0x23: {  	[tilespmem:s24+$0x810] =	vst v0  }
.Ltmp0:
0x24: {  	[tilespmem:s24+$0x820] =	vst v0;
	(pc) =	sbr.rel @p0 .LBB2_2-.Ltmp0, $4  }
0x25: {  	[tilespmem:s24+$0x830] =	vst v0  }
0x26: {  	[tilespmem:s24+$0x840] =	vst v0  }
0x27: {  	[tilespmem:s24+$0x850] =	vst v0  }
0x28: {  	[tilespmem:s24+$0x860] =	vst v0;
	s24 =	sshra.s32 s25, $0x2;
	s25 =	sadd.s32 $0x200, s25  }
0x29: {  	[tilespmem:s24+$0x870] =	vst v0  }
0x2a: {  	[tilespmem:s24+$0x800] =	vst v0  }
0x2b: {  	[tilespmem:s24+$0x810] =	vst v0  }
0x2c: {  	[tilespmem:s24+$0x820] =	vst v0  }
0x2d: {  	[tilespmem:s24+$0x830] =	vst v0  }
0x2e: {  	[tilespmem:s24+$0x840] =	vst v0  }
0x2f: {  	[tilespmem:s24+$0x850] =	vst v0  }
0x30: {  	[tilespmem:s24+$0x860] =	vst v0;
	s23 =	sadd.s32 $0x0, s5  }
0x31: {  	[spmem:s23] =	stream.linear.scatter [tilespmem:s13], [sflag:$0x5], $0x800, $0x38;
	[tilespmem:$0x1D000] =	vst v63  }
0x32: {  	s24 =	simm.s32 $0x2000;
	s21 =	simm.s32 $0x100;
	_ =	swait.ge [sflag:s14], $0x800  }
.LBB2_4:
0x33: {  	s23 =	sshra.s32 s24, $0x2;
	[sflag:s14] =	ssyncset.done $0x0;
	p0 =	sne.s32 s24, $0x4E000  }
.Ltmp1:
0x34: {  	s23 =	sadd.s32 s23, s5;
	[sflag:s14] =	ssyncadd.s32 $0xFFFFF800;
	(pc) =	sbr.rel @p0 .LBB2_4-.Ltmp1, $3  }
0x35: {  	[spmem:s23] =	stream.linear.scatter [tilespmem:s13], [sflag:$0x5], $0x800, $0x38;
	[tilespmem:$0x1D000] =	vst v63  }
0x36: {  	s24 =	sadd.s32 $0x2000, s24;
	_ =	sdelay $0x1  }
0x37: {  	_ =	swait.ge [sflag:s14], $0x800  }
0x38: {  	[sflag:s14] =	ssyncset.done $0x0  }
0x39: {  	[sflag:s14] =	ssyncadd.s32 $0xFFFFF800  }
0x3a: {  	s23 =	sadd.s32 $0x0, s12;
	[bflag:$0x0] =	sbarrier.arrive $0xFFFF  }
0x3b: {  	[tilespmem:s3], [sflag:$0x5] =	stream.linear.gather [hbm4b:s23+s3], $0x400, $0x38;
	[tilespmem:$0x1D000] =	vst v63  }
0x3c: {  	_ =	swait.ge [sflag:s14], $0x400  }
0x3d: {  	s25 =	rddreg [dreg:$0x4];
	[sflag:s14] =	ssyncset.done $0x0  }
0x3e: {  	[sflag:s14] =	ssyncadd.s32 $0xFFFFFC00;
	s23 =	sadd.s32 $0x0, s25  }
0x3f: {  	[tilespmem:s15], [sflag:$0x5] =	stream.linear.gather [hbm4b:s23+s3], $0x400, $0x38;
	[tilespmem:$0x1D000] =	vst v63  }
0x40: {  	_ =	swait.ge [sflag:s14], $0x400  }
0x41: {  	[sflag:s14] =	ssyncset.done $0x0  }
0x42: {  	[sflag:s14] =	ssyncadd.s32 $0xFFFFFC00  }
0x43: {  	[tilespmem:s17], [sflag:$0x1] =	stream.indirect.gather [hbm4b:s4+s16], $0x80, s3, s16, $0xb8;
	[tilespmem:$0x1D000] =	vst v63  }
0x44: {  	_ = 	snop  }
0x45: {  	[tilespmem:s18], [sflag:$0x2] =	stream.indirect.gather [hbm4b:s4+s16], $0x80, s16, s16, $0xb8;
	[tilespmem:$0x1D000] =	vst v63  }
0x46: {  	_ =	swait.ge [sflag:s19], $0x4000  }
0x47: {  	[sflag:s19] =	ssyncset.done $0x0  }
0x48: {  	[sflag:s19] =	ssyncadd.s32 $0xFFFFC000  }
0x49: {  	[spmem:s1] =	stream.indirect.scatter.add.f32 [tilespmem:s17], [sflag:$0x3], $0x80, s15, s16, $0xb8;
	[tilespmem:$0x1D000] =	vst v63  }
0x4a: {  	_ =	swait.ge [sflag:s20], $0x4000  }
0x4b: {  	[sflag:s20] =	ssyncset.done $0x0  }
0x4c: {  	[sflag:s20] =	ssyncadd.s32 $0xFFFFC000  }
0x4d: {  	[tilespmem:s17], [sflag:$0x1] =	stream.indirect.gather [hbm4b:s4+s16], $0x80, s21, s16, $0xb8;
	[tilespmem:$0x1D000] =	vst v63  }
0x4e: {  	_ =	swait.ge [sflag:s26], $0x4000  }
0x4f: {  	[sflag:s26] =	ssyncset.done $0x0  }
0x50: {  	[sflag:s26] =	ssyncadd.s32 $0xFFFFC000  }
0x51: {  	[spmem:s1] =	stream.indirect.scatter.add.f32 [tilespmem:s18], [sflag:$0x4], $0x80, s28, s16, $0xb8;
	[tilespmem:$0x1D000] =	vst v63  }
0x52: {  	_ =	swait.ge [sflag:s29], $0x4000  }
0x53: {  	[sflag:s29] =	ssyncset.done $0x0  }
0x54: {  	[sflag:s29] =	ssyncadd.s32 $0xFFFFC000  }
0x55: {  	[tilespmem:s18], [sflag:$0x2] =	stream.indirect.gather [hbm4b:s4+s16], $0x80, s30, s16, $0xb8;
	[tilespmem:$0x1D000] =	vst v63  }
0x56: {  	_ =	swait.ge [sflag:s19], $0x4000  }
0x57: {  	[sflag:s19] =	ssyncset.done $0x0  }
0x58: {  	[sflag:s19] =	ssyncadd.s32 $0xFFFFC000  }
0x59: {  	[spmem:s1] =	stream.indirect.scatter.add.f32 [tilespmem:s17], [sflag:$0x3], $0x80, s31, s16, $0xb8;
	[tilespmem:$0x1D000] =	vst v63  }
0x5a: {  	_ =	swait.ge [sflag:s20], $0x4000  }
0x5b: {  	[sflag:s20] =	ssyncset.done $0x0  }
0x5c: {  	[sflag:s20] =	ssyncadd.s32 $0xFFFFC000  }
0x5d: {  	[tilespmem:s17], [sflag:$0x1] =	stream.indirect.gather [hbm4b:s4+s16], $0x80, s0, s16, $0xb8;
	[tilespmem:$0x1D000] =	vst v63  }
0x5e: {  	_ =	swait.ge [sflag:s26], $0x4000  }
0x5f: {  	[sflag:s26] =	ssyncset.done $0x0  }
0x60: {  	[sflag:s26] =	ssyncadd.s32 $0xFFFFC000  }
0x61: {  	[spmem:s1] =	stream.indirect.scatter.add.f32 [tilespmem:s18], [sflag:$0x4], $0x80, s2, s16, $0xb8;
	[tilespmem:$0x1D000] =	vst v63  }
0x62: {  	_ =	swait.ge [sflag:s29], $0x4000  }
0x63: {  	[sflag:s29] =	ssyncset.done $0x0  }
0x64: {  	[sflag:s29] =	ssyncadd.s32 $0xFFFFC000  }
0x65: {  	[tilespmem:s18], [sflag:$0x2] =	stream.indirect.gather [hbm4b:s4+s16], $0x80, s6, s16, $0xb8;
	[tilespmem:$0x1D000] =	vst v63  }
0x66: {  	_ =	swait.ge [sflag:s19], $0x4000  }
0x67: {  	[sflag:s19] =	ssyncset.done $0x0  }
0x68: {  	[sflag:s19] =	ssyncadd.s32 $0xFFFFC000  }
0x69: {  	[spmem:s1] =	stream.indirect.scatter.add.f32 [tilespmem:s17], [sflag:$0x3], $0x80, s7, s16, $0xb8;
	[tilespmem:$0x1D000] =	vst v63  }
0x6a: {  	_ =	swait.ge [sflag:s20], $0x4000  }
0x6b: {  	[sflag:s20] =	ssyncset.done $0x0  }
0x6c: {  	[sflag:s20] =	ssyncadd.s32 $0xFFFFC000  }
0x6d: {  	[tilespmem:s17], [sflag:$0x1] =	stream.indirect.gather [hbm4b:s4+s16], $0x80, s8, s16, $0xb8;
	[tilespmem:$0x1D000] =	vst v63  }
0x6e: {  	_ =	swait.ge [sflag:s26], $0x4000  }
0x6f: {  	[sflag:s26] =	ssyncset.done $0x0  }
0x70: {  	[sflag:s26] =	ssyncadd.s32 $0xFFFFC000  }
0x71: {  	[spmem:s1] =	stream.indirect.scatter.add.f32 [tilespmem:s18], [sflag:$0x4], $0x80, s9, s16, $0xb8;
	[tilespmem:$0x1D000] =	vst v63  }
0x72: {  	_ =	swait.ge [sflag:s29], $0x4000  }
0x73: {  	[sflag:s29] =	ssyncset.done $0x0  }
0x74: {  	[sflag:s29] =	ssyncadd.s32 $0xFFFFC000  }
0x75: {  	[tilespmem:s18], [sflag:$0x2] =	stream.indirect.gather [hbm4b:s4+s16], $0x80, s10, s16, $0xb8;
	[tilespmem:$0x1D000] =	vst v63  }
0x76: {  	_ =	swait.ge [sflag:s19], $0x4000  }
0x77: {  	[sflag:s19] =	ssyncset.done $0x0  }
0x78: {  	[sflag:s19] =	ssyncadd.s32 $0xFFFFC000  }
0x79: {  	[spmem:s1] =	stream.indirect.scatter.add.f32 [tilespmem:s17], [sflag:$0x3], $0x80, s11, s16, $0xb8;
	[tilespmem:$0x1D000] =	vst v63  }
0x7a: {  	_ =	swait.ge [sflag:s26], $0x4000  }
0x7b: {  	[sflag:s26] =	ssyncset.done $0x0  }
0x7c: {  	[sflag:s26] =	ssyncadd.s32 $0xFFFFC000  }
0x7d: {  	[spmem:s1] =	stream.indirect.scatter.add.f32 [tilespmem:s18], [sflag:$0x4], $0x80, s22, s16, $0xb8;
	[tilespmem:$0x1D000] =	vst v63  }
0x7e: {  	_ =	swait.ge [sflag:s20], $0x4000  }
0x7f: {  	[sflag:s20] =	ssyncset.done $0x0  }
0x80: {  	[sflag:s20] =	ssyncadd.s32 $0xFFFFC000  }
0x81: {  	_ =	swait.ge [sflag:s29], $0x4000  }
0x82: {  	s24 =	simm.s32 $0x80;
	s25 =	simm.s32 $0x100;
	[sflag:s29] =	ssyncset.done $0x0  }
.LBB2_6:
0x83: {  	s13 =	sadd.s32 s24, s12;
	[sflag:s29] =	ssyncadd.s32 $0xFFFFC000  }
0x84: {  	[tilespmem:s3], [sflag:$0x5] =	stream.linear.gather [hbm4b:s13+s3], $0x400, $0x38;
	[tilespmem:$0x1D000] =	vst v63  }
0x85: {  	s21 =	smov.u32 s25;
	s23 =	sadd.s32 $0x80, s25;
	_ =	swait.ge [sflag:s14], $0x400  }
0x86: {  	p0 =	sne.s32 s25, $0x480;
	s25 =	rddreg [dreg:$0x4];
	[sflag:s14] =	ssyncset.done $0x0  }
0x87: {  	[sflag:s14] =	ssyncadd.s32 $0xFFFFFC00;
	s13 =	sadd.s32 s24, s25  }
0x88: {  	[tilespmem:s15], [sflag:$0x5] =	stream.linear.gather [hbm4b:s13+s3], $0x400, $0x38;
	[tilespmem:$0x1D000] =	vst v63  }
0x89: {  	_ =	swait.ge [sflag:s14], $0x400  }
0x8a: {  	[sflag:s14] =	ssyncset.done $0x0  }
0x8b: {  	[sflag:s14] =	ssyncadd.s32 $0xFFFFFC00  }
0x8c: {  	[tilespmem:s17], [sflag:$0x1] =	stream.indirect.gather [hbm4b:s4+s16], $0x80, s3, s16, $0xb8;
	[tilespmem:$0x1D000] =	vst v63  }
0x8d: {  	_ = 	snop  }
0x8e: {  	[tilespmem:s18], [sflag:$0x2] =	stream.indirect.gather [hbm4b:s4+s16], $0x80, s16, s16, $0xb8;
	[tilespmem:$0x1D000] =	vst v63  }
0x8f: {  	_ =	swait.ge [sflag:s19], $0x4000  }
0x90: {  	[sflag:s19] =	ssyncset.done $0x0  }
0x91: {  	[sflag:s19] =	ssyncadd.s32 $0xFFFFC000  }
0x92: {  	[spmem:s1] =	stream.indirect.scatter.add.f32 [tilespmem:s17], [sflag:$0x3], $0x80, s15, s16, $0xb8;
	[tilespmem:$0x1D000] =	vst v63  }
0x93: {  	_ =	swait.ge [sflag:s20], $0x4000  }
0x94: {  	[sflag:s20] =	ssyncset.done $0x0  }
0x95: {  	s24 =	smov.u32 s21;
	s21 =	simm.s32 $0x100;
	[sflag:s20] =	ssyncadd.s32 $0xFFFFC000  }
0x96: {  	[tilespmem:s17], [sflag:$0x1] =	stream.indirect.gather [hbm4b:s4+s16], $0x80, s21, s16, $0xb8;
	[tilespmem:$0x1D000] =	vst v63  }
0x97: {  	_ =	swait.ge [sflag:s26], $0x4000  }
0x98: {  	[sflag:s26] =	ssyncset.done $0x0  }
0x99: {  	[sflag:s26] =	ssyncadd.s32 $0xFFFFC000  }
0x9a: {  	[spmem:s1] =	stream.indirect.scatter.add.f32 [tilespmem:s18], [sflag:$0x4], $0x80, s28, s16, $0xb8;
	[tilespmem:$0x1D000] =	vst v63  }
0x9b: {  	_ =	swait.ge [sflag:s29], $0x4000  }
0x9c: {  	[sflag:s29] =	ssyncset.done $0x0  }
0x9d: {  	[sflag:s29] =	ssyncadd.s32 $0xFFFFC000  }
0x9e: {  	[tilespmem:s18], [sflag:$0x2] =	stream.indirect.gather [hbm4b:s4+s16], $0x80, s30, s16, $0xb8;
	[tilespmem:$0x1D000] =	vst v63  }
0x9f: {  	_ =	swait.ge [sflag:s19], $0x4000  }
0xa0: {  	[sflag:s19] =	ssyncset.done $0x0  }
0xa1: {  	[sflag:s19] =	ssyncadd.s32 $0xFFFFC000  }
0xa2: {  	[spmem:s1] =	stream.indirect.scatter.add.f32 [tilespmem:s17], [sflag:$0x3], $0x80, s31, s16, $0xb8;
	[tilespmem:$0x1D000] =	vst v63  }
0xa3: {  	_ =	swait.ge [sflag:s20], $0x4000  }
0xa4: {  	[sflag:s20] =	ssyncset.done $0x0  }
0xa5: {  	[sflag:s20] =	ssyncadd.s32 $0xFFFFC000  }
0xa6: {  	[tilespmem:s17], [sflag:$0x1] =	stream.indirect.gather [hbm4b:s4+s16], $0x80, s0, s16, $0xb8;
	[tilespmem:$0x1D000] =	vst v63  }
0xa7: {  	_ =	swait.ge [sflag:s26], $0x4000  }
0xa8: {  	[sflag:s26] =	ssyncset.done $0x0  }
0xa9: {  	[sflag:s26] =	ssyncadd.s32 $0xFFFFC000  }
0xaa: {  	[spmem:s1] =	stream.indirect.scatter.add.f32 [tilespmem:s18], [sflag:$0x4], $0x80, s2, s16, $0xb8;
	[tilespmem:$0x1D000] =	vst v63  }
0xab: {  	_ =	swait.ge [sflag:s29], $0x4000  }
0xac: {  	[sflag:s29] =	ssyncset.done $0x0  }
0xad: {  	[sflag:s29] =	ssyncadd.s32 $0xFFFFC000  }
0xae: {  	[tilespmem:s18], [sflag:$0x2] =	stream.indirect.gather [hbm4b:s4+s16], $0x80, s6, s16, $0xb8;
	[tilespmem:$0x1D000] =	vst v63  }
0xaf: {  	_ =	swait.ge [sflag:s19], $0x4000  }
0xb0: {  	[sflag:s19] =	ssyncset.done $0x0  }
0xb1: {  	[sflag:s19] =	ssyncadd.s32 $0xFFFFC000  }
0xb2: {  	[spmem:s1] =	stream.indirect.scatter.add.f32 [tilespmem:s17], [sflag:$0x3], $0x80, s7, s16, $0xb8;
	[tilespmem:$0x1D000] =	vst v63  }
0xb3: {  	_ =	swait.ge [sflag:s20], $0x4000  }
0xb4: {  	[sflag:s20] =	ssyncset.done $0x0  }
0xb5: {  	[sflag:s20] =	ssyncadd.s32 $0xFFFFC000  }
0xb6: {  	[tilespmem:s17], [sflag:$0x1] =	stream.indirect.gather [hbm4b:s4+s16], $0x80, s8, s16, $0xb8;
	[tilespmem:$0x1D000] =	vst v63  }
0xb7: {  	_ =	swait.ge [sflag:s26], $0x4000  }
0xb8: {  	[sflag:s26] =	ssyncset.done $0x0  }
0xb9: {  	[sflag:s26] =	ssyncadd.s32 $0xFFFFC000  }
0xba: {  	[spmem:s1] =	stream.indirect.scatter.add.f32 [tilespmem:s18], [sflag:$0x4], $0x80, s9, s16, $0xb8;
	[tilespmem:$0x1D000] =	vst v63  }
0xbb: {  	_ =	swait.ge [sflag:s29], $0x4000  }
0xbc: {  	[sflag:s29] =	ssyncset.done $0x0  }
0xbd: {  	[sflag:s29] =	ssyncadd.s32 $0xFFFFC000  }
0xbe: {  	[tilespmem:s18], [sflag:$0x2] =	stream.indirect.gather [hbm4b:s4+s16], $0x80, s10, s16, $0xb8;
	[tilespmem:$0x1D000] =	vst v63  }
0xbf: {  	_ =	swait.ge [sflag:s19], $0x4000  }
0xc0: {  	[sflag:s19] =	ssyncset.done $0x0  }
0xc1: {  	[sflag:s19] =	ssyncadd.s32 $0xFFFFC000  }
0xc2: {  	[spmem:s1] =	stream.indirect.scatter.add.f32 [tilespmem:s17], [sflag:$0x3], $0x80, s11, s16, $0xb8;
	[tilespmem:$0x1D000] =	vst v63  }
0xc3: {  	_ =	swait.ge [sflag:s26], $0x4000  }
0xc4: {  	[sflag:s26] =	ssyncset.done $0x0  }
0xc5: {  	[sflag:s26] =	ssyncadd.s32 $0xFFFFC000  }
0xc6: {  	[spmem:s1] =	stream.indirect.scatter.add.f32 [tilespmem:s18], [sflag:$0x4], $0x80, s22, s16, $0xb8;
	[tilespmem:$0x1D000] =	vst v63  }
.Ltmp2:
0xc7: {  	_ =	swait.ge [sflag:s20], $0x4000;
	(pc) =	sbr.rel @p0 .LBB2_6-.Ltmp2, $4  }
0xc8: {  	[sflag:s20] =	ssyncset.done $0x0  }
0xc9: {  	[sflag:s20] =	ssyncadd.s32 $0xFFFFC000  }
0xca: {  	_ =	swait.ge [sflag:s29], $0x4000  }
0xcb: {  	s25 =	smov.u32 s23;
	[sflag:s29] =	ssyncset.done $0x0  }
0xcc: {  	s13 =	sadd.s32 s24, s12;
	[sflag:s29] =	ssyncadd.s32 $0xFFFFC000  }
0xcd: {  	[tilespmem:s3], [sflag:$0x5] =	stream.linear.gather [hbm4b:s13+s3], $0x400, $0x38;
	[tilespmem:$0x1D000] =	vst v63  }
0xce: {  	_ =	swait.ge [sflag:s14], $0x400  }
0xcf: {  	s23 =	rddreg [dreg:$0x4];
	[sflag:s14] =	ssyncset.done $0x0  }
0xd0: {  	[sflag:s14] =	ssyncadd.s32 $0xFFFFFC00;
	s13 =	sadd.s32 s24, s23  }
0xd1: {  	[tilespmem:s15], [sflag:$0x5] =	stream.linear.gather [hbm4b:s13+s3], $0x400, $0x38;
	[tilespmem:$0x1D000] =	vst v63  }
0xd2: {  	_ =	swait.ge [sflag:s14], $0x400  }
0xd3: {  	[sflag:s14] =	ssyncset.done $0x0  }
0xd4: {  	[sflag:s14] =	ssyncadd.s32 $0xFFFFFC00  }
0xd5: {  	[tilespmem:s17], [sflag:$0x1] =	stream.indirect.gather [hbm4b:s4+s16], $0x80, s3, s16, $0xb8;
	[tilespmem:$0x1D000] =	vst v63  }
0xd6: {  	_ = 	snop  }
0xd7: {  	[tilespmem:s18], [sflag:$0x2] =	stream.indirect.gather [hbm4b:s4+s16], $0x80, s16, s16, $0xb8;
	[tilespmem:$0x1D000] =	vst v63  }
0xd8: {  	_ =	swait.ge [sflag:s19], $0x4000  }
0xd9: {  	[sflag:s19] =	ssyncset.done $0x0  }
0xda: {  	[sflag:s19] =	ssyncadd.s32 $0xFFFFC000  }
0xdb: {  	[spmem:s1] =	stream.indirect.scatter.add.f32 [tilespmem:s17], [sflag:$0x3], $0x80, s15, s16, $0xb8;
	[tilespmem:$0x1D000] =	vst v63  }
0xdc: {  	_ =	swait.ge [sflag:s20], $0x4000  }
0xdd: {  	[sflag:s20] =	ssyncset.done $0x0  }
0xde: {  	[sflag:s20] =	ssyncadd.s32 $0xFFFFC000  }
0xdf: {  	[tilespmem:s17], [sflag:$0x1] =	stream.indirect.gather [hbm4b:s4+s16], $0x80, s21, s16, $0xb8;
	[tilespmem:$0x1D000] =	vst v63  }
0xe0: {  	_ =	swait.ge [sflag:s26], $0x4000  }
0xe1: {  	[sflag:s26] =	ssyncset.done $0x0  }
0xe2: {  	[sflag:s26] =	ssyncadd.s32 $0xFFFFC000  }
0xe3: {  	[spmem:s1] =	stream.indirect.scatter.add.f32 [tilespmem:s18], [sflag:$0x4], $0x80, s28, s16, $0xb8;
	[tilespmem:$0x1D000] =	vst v63  }
0xe4: {  	_ =	swait.ge [sflag:s29], $0x4000  }
0xe5: {  	[sflag:s29] =	ssyncset.done $0x0  }
0xe6: {  	[sflag:s29] =	ssyncadd.s32 $0xFFFFC000  }
0xe7: {  	[tilespmem:s18], [sflag:$0x2] =	stream.indirect.gather [hbm4b:s4+s16], $0x80, s30, s16, $0xb8;
	[tilespmem:$0x1D000] =	vst v63  }
0xe8: {  	_ =	swait.ge [sflag:s19], $0x4000  }
0xe9: {  	[sflag:s19] =	ssyncset.done $0x0  }
0xea: {  	[sflag:s19] =	ssyncadd.s32 $0xFFFFC000  }
0xeb: {  	[spmem:s1] =	stream.indirect.scatter.add.f32 [tilespmem:s17], [sflag:$0x3], $0x80, s31, s16, $0xb8;
	[tilespmem:$0x1D000] =	vst v63  }
0xec: {  	_ =	swait.ge [sflag:s20], $0x4000  }
0xed: {  	[sflag:s20] =	ssyncset.done $0x0  }
0xee: {  	[sflag:s20] =	ssyncadd.s32 $0xFFFFC000  }
0xef: {  	[tilespmem:s17], [sflag:$0x1] =	stream.indirect.gather [hbm4b:s4+s16], $0x80, s0, s16, $0xb8;
	[tilespmem:$0x1D000] =	vst v63  }
0xf0: {  	_ =	swait.ge [sflag:s26], $0x4000  }
0xf1: {  	[sflag:s26] =	ssyncset.done $0x0  }
0xf2: {  	[sflag:s26] =	ssyncadd.s32 $0xFFFFC000  }
0xf3: {  	[spmem:s1] =	stream.indirect.scatter.add.f32 [tilespmem:s18], [sflag:$0x4], $0x80, s2, s16, $0xb8;
	[tilespmem:$0x1D000] =	vst v63  }
0xf4: {  	_ =	swait.ge [sflag:s29], $0x4000  }
0xf5: {  	[sflag:s29] =	ssyncset.done $0x0  }
0xf6: {  	[sflag:s29] =	ssyncadd.s32 $0xFFFFC000  }
0xf7: {  	[tilespmem:s18], [sflag:$0x2] =	stream.indirect.gather [hbm4b:s4+s16], $0x80, s6, s16, $0xb8;
	[tilespmem:$0x1D000] =	vst v63  }
0xf8: {  	_ =	swait.ge [sflag:s19], $0x4000  }
0xf9: {  	[sflag:s19] =	ssyncset.done $0x0  }
0xfa: {  	[sflag:s19] =	ssyncadd.s32 $0xFFFFC000  }
0xfb: {  	[spmem:s1] =	stream.indirect.scatter.add.f32 [tilespmem:s17], [sflag:$0x3], $0x80, s7, s16, $0xb8;
	[tilespmem:$0x1D000] =	vst v63  }
0xfc: {  	_ =	swait.ge [sflag:s20], $0x4000  }
0xfd: {  	[sflag:s20] =	ssyncset.done $0x0  }
0xfe: {  	[sflag:s20] =	ssyncadd.s32 $0xFFFFC000  }
0xff: {  	[tilespmem:s17], [sflag:$0x1] =	stream.indirect.gather [hbm4b:s4+s16], $0x80, s8, s16, $0xb8;
	[tilespmem:$0x1D000] =	vst v63  }
0x100: {  	_ =	swait.ge [sflag:s26], $0x4000  }
0x101: {  	[sflag:s26] =	ssyncset.done $0x0  }
0x102: {  	[sflag:s26] =	ssyncadd.s32 $0xFFFFC000  }
0x103: {  	[spmem:s1] =	stream.indirect.scatter.add.f32 [tilespmem:s18], [sflag:$0x4], $0x80, s9, s16, $0xb8;
	[tilespmem:$0x1D000] =	vst v63  }
0x104: {  	_ =	swait.ge [sflag:s29], $0x4000  }
0x105: {  	[sflag:s29] =	ssyncset.done $0x0  }
0x106: {  	[sflag:s29] =	ssyncadd.s32 $0xFFFFC000  }
0x107: {  	[tilespmem:s18], [sflag:$0x2] =	stream.indirect.gather [hbm4b:s4+s16], $0x80, s10, s16, $0xb8;
	[tilespmem:$0x1D000] =	vst v63  }
0x108: {  	_ =	swait.ge [sflag:s19], $0x4000  }
0x109: {  	[sflag:s19] =	ssyncset.done $0x0  }
0x10a: {  	[sflag:s19] =	ssyncadd.s32 $0xFFFFC000  }
0x10b: {  	[spmem:s1] =	stream.indirect.scatter.add.f32 [tilespmem:s17], [sflag:$0x3], $0x80, s11, s16, $0xb8;
	[tilespmem:$0x1D000] =	vst v63  }
0x10c: {  	_ =	swait.ge [sflag:s26], $0x4000  }
0x10d: {  	[sflag:s26] =	ssyncset.done $0x0  }
0x10e: {  	[sflag:s26] =	ssyncadd.s32 $0xFFFFC000  }
0x10f: {  	[spmem:s1] =	stream.indirect.scatter.add.f32 [tilespmem:s18], [sflag:$0x4], $0x80, s22, s16, $0xb8;
	[tilespmem:$0x1D000] =	vst v63  }
0x110: {  	_ =	swait.ge [sflag:s20], $0x4000  }
0x111: {  	[sflag:s20] =	ssyncset.done $0x0  }
0x112: {  	[sflag:s20] =	ssyncadd.s32 $0xFFFFC000  }
0x113: {  	_ =	swait.ge [sflag:s29], $0x4000  }
0x114: {  	[sflag:s29] =	ssyncset.done $0x0  }
0x115: {  	s24 =	stileid.u32;
	[sflag:s29] =	ssyncadd.s32 $0xFFFFC000  }
0x116: {  	s13 =	sshll.u32 s24, $0x6;
	[bflag:$0x0] =	sbarrier.arrive $0xFFFF  }
0x117: {  	s25 =	sshrl.u32 s5, $0x3;
	s13 =	sor.u32 $0x1C05, s13;
	s23 =	rddreg [dreg:$0x5]  }
0x118: {  	[hbm:s23], [sflag:s13] =	dma.local [spmem:s25], $0x800  }
0x119: {  	_ =	swait.ge [sflag:s14], $0x800  }
0x11a: {  	[sflag:s14] =	ssyncset.done $0x0;
	s24 =	rddreg [dreg:$0x6]  }
0x11b: {  	s25 =	rddreg [dreg:$0xb];
	[sflag:s14] =	ssyncadd.s32 $0xFFFFF800  }
0x11c: {  	[hbm:s24], [sflag:s13] =	dma.local [spmem:s25], $0x800  }
0x11d: {  	_ =	swait.ge [sflag:s14], $0x800  }
0x11e: {  	[sflag:s14] =	ssyncset.done $0x0;
	s24 =	rddreg [dreg:$0x7]  }
0x11f: {  	s25 =	rddreg [dreg:$0xc];
	[sflag:s14] =	ssyncadd.s32 $0xFFFFF800  }
0x120: {  	[hbm:s24], [sflag:s13] =	dma.local [spmem:s25], $0x800  }
0x121: {  	_ =	swait.ge [sflag:s14], $0x800  }
0x122: {  	[sflag:s14] =	ssyncset.done $0x0;
	s24 =	rddreg [dreg:$0x8]  }
0x123: {  	s25 =	rddreg [dreg:$0xd];
	[sflag:s14] =	ssyncadd.s32 $0xFFFFF800  }
0x124: {  	[hbm:s24], [sflag:s13] =	dma.local [spmem:s25], $0x800  }
0x125: {  	_ =	swait.ge [sflag:s14], $0x800  }
0x126: {  	[sflag:s14] =	ssyncset.done $0x0;
	s24 =	rddreg [dreg:$0x9]  }
0x127: {  	s25 =	rddreg [dreg:$0xe];
	[sflag:s14] =	ssyncadd.s32 $0xFFFFF800  }
0x128: {  	[hbm:s24], [sflag:s13] =	dma.local [spmem:s25], $0x800  }
0x129: {  	_ =	swait.ge [sflag:s14], $0x800  }
0x12a: {  	s24 =	rddreg [dreg:$0xf]  }
0x12b: {  	s25 =	rddreg [dreg:$0xa];
	s21 =	sadd.s32 $0x1, s24  }
0x12c: {  	p0 =	sne.s32 s21, s25  }
.Ltmp3:
0x12d: {  	_ = 	snop;
	(pc) =	sbr.rel @p0 .LBB2_1-.Ltmp3, $3  }
0x12e: {  	_ =	sdelay $0x1  }
0x12f: {  	[sflag:s14] =	ssyncset.done $0x0  }
0x130: {  	s13 =	simm.s32 $0x800;
	[sflag:s14] =	ssyncadd.s32 $0xFFFFF800  }
0x131: {  	_ =	sfence.sel $0x180000  }
0x132: {  	[bflag:$0x0] =	sbarrier.arrive $0xFFFF  }
0x133: {  	_ =	strace $0x9000004A  }
0x134: {  	s0 =	stileid.u32;
	[bflag:$0x2] =	sbarrier.arrive $0xFFFF  }
0x135: {  	p0 =	sne.s32 s0, $0x0;
	s0 =	rddreg [dreg:$0x3]  }
0x136: {  	s0 =	sadd.s32 @!p0 $0x100000, s0  }
0x137: {  	[sflag:s0] =	ssyncadd.tile.s32 @!p0 $0x1;
	_ =	shalt  }
.Lfunc_end2:
_tile_overlayer_lowered:
.L_overlay_start_2:
0x138: {  	(tag) =	ssettag $0x2  }
0x139: {  	s0 =	rddreg [dreg:$0x0];
	s2 =	stileid.u32  }
0x13a: {  	s1 =	rddreg [dreg:$0x1];
	p0 =	sne.s32 s2, $0x0  }
0x13b: {  	s3 =	rddreg [dreg:$0x2];
	[bflag:$0x3] =	sbarrier.arrive $0xFFFF;
	s2 =	simm.s32 @!p0 $0x1C05  }
0x13c: {  	[timem:s3], [sflag:s2] =	dma.local @!p0 [hbm:s0], s1  }
0x13d: {  	s0 =	simm.s32 @!p0 $0x5  }
0x13e: {  	_ =	swait.ge @!p0 [sflag:s0], s1  }
0x13f: {  	s1 =	ssub.s32 @!p0 $0x0, s1;
	[sflag:s0] =	ssyncset.done @!p0 $0x0  }
0x140: {  	[sflag:s0] =	ssyncadd.s32 @!p0 s1  }
0x141: {  	[bflag:$0x3] =	sbarrier.arrive $0xFFFF  }
0x142: {  	_ =	shalt  }

</sc_bundles>
